<compile_context>
chip_gen: v7x
topology: tpu7x:2x2x1
jax: 0.10.2.dev20260603
libtpu: 0.0.44.dev20260713+nightly
codegen_flags: <defaults>
</compile_context>

<pallas_src>
import functools

import jax
import jax.numpy as jnp
from jax import lax
from jax.experimental import pallas as pl
from jax.experimental.pallas import tpu as pltpu
from jax.experimental.pallas import tpu_sc as plsc

N = 10000
E = 320000
D = 128
G = 128

NC = 2
NS = 16
NW = NC * NS
NPAD = 10240
ROWS = NPAD // NS
EPW = E // NW
C = 125
NCHUNK = EPW // C

RB = 2560
GRID = NPAD // RB

_MESH = dict(core_axis_name="c", subcore_axis_name="s",
             num_cores=NC, num_subcores=NS)



@functools.cache
def _make_deg_pass():
  @functools.partial(
      pl.kernel,
      out_type=jax.ShapeDtypeStruct((NC, NPAD, 16), jnp.float32),
      mesh=plsc.VectorSubcoreMesh(**_MESH),
      compiler_params=pltpu.CompilerParams(use_tc_tiling_on_sc=False),
      scratch_types=[
          pltpu.VMEM((NCHUNK, C), jnp.int32),
          pltpu.VMEM((C, 16), jnp.float32),
          pltpu.VMEM_SHARED((NPAD, 16), jnp.float32),
          pltpu.SemaphoreType.DMA,
          pltpu.SemaphoreType.DMA,
      ],
  )
  def deg_pass(dst_hbm, ones_hbm, zeros_hbm, out_hbm, dstv, ones_v, acc_sh,
               sem0, sem1):
    sems = (sem0, sem1)
    c = lax.axis_index("c")
    s = lax.axis_index("s")
    w = c * NS + s
    pltpu.async_copy(zeros_hbm.at[pl.ds(s * ROWS, ROWS), :],
                     acc_sh.at[pl.ds(s * ROWS, ROWS), :], sem0)
    pltpu.async_copy(ones_hbm, ones_v, sem1)
    pltpu.async_copy(dst_hbm.at[w], dstv, sem0)
    pltpu.make_async_copy(zeros_hbm.at[pl.ds(s * ROWS, ROWS), :],
                          acc_sh.at[pl.ds(s * ROWS, ROWS), :], sem0).wait()
    pltpu.make_async_copy(ones_hbm, ones_v, sem1).wait()
    pltpu.make_async_copy(dst_hbm.at[w], dstv, sem0).wait()
    plsc.subcore_barrier()

    def body(i, carry):
      pltpu.sync_copy(ones_v, acc_sh.at[dstv.at[i]], add=True)
      return carry

    lax.fori_loop(0, NCHUNK, body, 0)
    plsc.subcore_barrier()
    pltpu.sync_copy(acc_sh.at[pl.ds(s * ROWS, ROWS), :],
                    out_hbm.at[c, pl.ds(s * ROWS, ROWS), :])

  return deg_pass


@functools.cache
def _make_edge_pass(F):
  @functools.partial(
      pl.kernel,
      out_type=jax.ShapeDtypeStruct((NC, NPAD, F), jnp.float32),
      mesh=plsc.VectorSubcoreMesh(**_MESH),
      compiler_params=pltpu.CompilerParams(use_tc_tiling_on_sc=False),
      scratch_types=[
          pltpu.VMEM((NCHUNK, C), jnp.int32),
          pltpu.VMEM((NCHUNK, C), jnp.int32),
          pltpu.VMEM((C, F), jnp.float32),
          pltpu.VMEM((C, F), jnp.float32),
          pltpu.VMEM((C, F), jnp.float32),
          pltpu.VMEM((C, F), jnp.float32),
          pltpu.VMEM_SHARED((NPAD, F), jnp.float32),
          pltpu.SemaphoreType.DMA,
          pltpu.SemaphoreType.DMA,
          pltpu.SemaphoreType.DMA,
          pltpu.SemaphoreType.DMA,
          pltpu.SemaphoreType.DMA,
          pltpu.SemaphoreType.DMA,
          pltpu.SemaphoreType.DMA,
          pltpu.SemaphoreType.DMA,
      ],
  )
  def edge_pass(table_hbm, src_hbm, dst_hbm, zeros_hbm, out_hbm,
                srcv, dstv, m0, m1, m2, m3, acc_sh,
                g0, g1, g2, g3, s0, s1, s2, s3):
    msgs = (m0, m1, m2, m3)
    gsem = (g0, g1, g2, g3)
    ssem = (s0, s1, s2, s3)
    c = lax.axis_index("c")
    s = lax.axis_index("s")
    w = c * NS + s
    pltpu.async_copy(zeros_hbm.at[pl.ds(s * ROWS, ROWS), :],
                     acc_sh.at[pl.ds(s * ROWS, ROWS), :], ssem[0])
    pltpu.async_copy(src_hbm.at[w], srcv, ssem[1])
    pltpu.async_copy(dst_hbm.at[w], dstv, ssem[2])
    pltpu.make_async_copy(zeros_hbm.at[pl.ds(s * ROWS, ROWS), :],
                          acc_sh.at[pl.ds(s * ROWS, ROWS), :], ssem[0]).wait()
    pltpu.make_async_copy(src_hbm.at[w], srcv, ssem[1]).wait()
    pltpu.make_async_copy(dst_hbm.at[w], dstv, ssem[2]).wait()
    plsc.subcore_barrier()

    pltpu.async_copy(table_hbm.at[srcv.at[0]], msgs[0], gsem[0])
    pltpu.async_copy(table_hbm.at[srcv.at[1]], msgs[1], gsem[1])
    pltpu.async_copy(table_hbm.at[srcv.at[2]], msgs[2], gsem[2])

    def body(j, carry):
      for b in range(4):
        i = 4 * j + b
        pltpu.make_async_copy(table_hbm.at[srcv.at[i]], msgs[b],
                              gsem[b]).wait()

        @pl.when(i + 3 < NCHUNK)
        def _():
          pltpu.async_copy(table_hbm.at[srcv.at[i + 3]],
                           msgs[(b + 3) % 4], gsem[(b + 3) % 4])

        pltpu.sync_copy(msgs[b], acc_sh.at[dstv.at[i]], add=True)

      return carry

    lax.fori_loop(0, NCHUNK // 4, body, 0)
    plsc.subcore_barrier()
    pltpu.sync_copy(acc_sh.at[pl.ds(s * ROWS, ROWS), :],
                    out_hbm.at[c, pl.ds(s * ROWS, ROWS), :])

  return edge_pass



def _dinv_of(deg_ref):
  degsum = deg_ref[0] + deg_ref[1]
  return lax.rsqrt(degsum[:, 0:1] + 1.0)


def _mm0_body(x_ref, w_ref, out_ref):
  out_ref[...] = jnp.dot(x_ref[...], w_ref[...],
                         preferred_element_type=jnp.float32,
                         precision=lax.Precision.HIGHEST)


def _mm0(x, W0):
  return pl.pallas_call(
      _mm0_body,
      grid=(GRID,),
      in_specs=[
          pl.BlockSpec((RB, D), lambda i: (i, 0)),
          pl.BlockSpec((D, 32), lambda i: (0, 0)),
      ],
      out_specs=pl.BlockSpec((RB, 32), lambda i: (i, 0)),
      out_shape=jax.ShapeDtypeStruct((NPAD, 32), jnp.float32),
  )(x, W0)


def _scale_body(h_ref, deg_ref, out_ref):
  out_ref[...] = h_ref[...] * _dinv_of(deg_ref)


def _first_layer(x, W0, accdeg):
  h0 = _mm0(x, W0)
  return pl.pallas_call(
      _scale_body,
      grid=(GRID,),
      in_specs=[
          pl.BlockSpec((RB, 32), lambda i: (i, 0)),
          pl.BlockSpec((NC, RB, 16), lambda i: (0, i, 0)),
      ],
      out_specs=pl.BlockSpec((RB, 32), lambda i: (i, 0)),
      out_shape=jax.ShapeDtypeStruct((NPAD, 32), jnp.float32),
  )(h0, accdeg)


def _mid_body(acc_ref, hhat_ref, deg_ref, b_ref, w_ref, out_ref):
  dinv = _dinv_of(deg_ref)
  xn = jax.nn.relu(dinv * (acc_ref[0] + acc_ref[1] + hhat_ref[...])
                   + b_ref[...])
  h = jnp.dot(xn, w_ref[...], preferred_element_type=jnp.float32, precision=lax.Precision.HIGHEST)
  out_ref[...] = h * dinv


def _mid_layer(F, F2, acc, hhat, accdeg, b, W):
  return pl.pallas_call(
      _mid_body,
      grid=(GRID,),
      in_specs=[
          pl.BlockSpec((NC, RB, F), lambda i: (0, i, 0)),
          pl.BlockSpec((RB, F), lambda i: (i, 0)),
          pl.BlockSpec((NC, RB, 16), lambda i: (0, i, 0)),
          pl.BlockSpec((1, F), lambda i: (0, 0)),
          pl.BlockSpec((F, F2), lambda i: (0, 0)),
      ],
      out_specs=pl.BlockSpec((RB, F2), lambda i: (i, 0)),
      out_shape=jax.ShapeDtypeStruct((NPAD, F2), jnp.float32),
  )(acc, hhat, accdeg, b, W)


def _final_body(acc_ref, hhat_ref, deg_ref, b_ref, batch_ref,
                fw1_ref, fb1_ref, fw2_ref, fb2_ref, out_ref,
                sums_ref, cnt_ref):
  i = pl.program_id(0)

  @pl.when(i == 0)
  def _():
    sums_ref[...] = jnp.zeros_like(sums_ref)
    cnt_ref[...] = jnp.zeros_like(cnt_ref)

  dinv = _dinv_of(deg_ref)
  x3 = jax.nn.relu(dinv * (acc_ref[0] + acc_ref[1] + hhat_ref[...])
                   + b_ref[...])
  seg = lax.broadcasted_iota(jnp.int32, (G, 1), 0)
  onehot_t = (seg == batch_ref[...]).astype(jnp.float32)
  sums_ref[...] += jnp.dot(onehot_t, x3, preferred_element_type=jnp.float32, precision=lax.Precision.HIGHEST)
  cnt_ref[...] += jnp.sum(onehot_t, axis=1, keepdims=True)

  @pl.when(i == GRID - 1)
  def _():
    pooled = sums_ref[...] / jnp.maximum(cnt_ref[...], 1.0)
    z = jax.nn.relu(jnp.dot(pooled, fw1_ref[...],
                            preferred_element_type=jnp.float32, precision=lax.Precision.HIGHEST) + fb1_ref[...])
    z2 = jnp.dot(z, fw2_ref[...],
                 preferred_element_type=jnp.float32, precision=lax.Precision.HIGHEST) + fb2_ref[...]
    out_ref[...] = 1.0 / (1.0 + jnp.exp(-z2))


def _final_layer(acc, hhat, accdeg, b2, batch_p, fcW1, fcb1, fcW2, fcb2):
  return pl.pallas_call(
      _final_body,
      grid=(GRID,),
      in_specs=[
          pl.BlockSpec((NC, RB, 64), lambda i: (0, i, 0)),
          pl.BlockSpec((RB, 64), lambda i: (i, 0)),
          pl.BlockSpec((NC, RB, 16), lambda i: (0, i, 0)),
          pl.BlockSpec((1, 64), lambda i: (0, 0)),
          pl.BlockSpec((1, RB), lambda i: (0, i)),
          pl.BlockSpec((64, 32), lambda i: (0, 0)),
          pl.BlockSpec((1, 32), lambda i: (0, 0)),
          pl.BlockSpec((32, 1), lambda i: (0, 0)),
          pl.BlockSpec((1, 1), lambda i: (0, 0)),
      ],
      out_specs=pl.BlockSpec((G, 1), lambda i: (0, 0)),
      out_shape=jax.ShapeDtypeStruct((G, 1), jnp.float32),
      scratch_shapes=[
          pltpu.VMEM((G, 64), jnp.float32),
          pltpu.VMEM((G, 1), jnp.float32),
      ],
  )(acc, hhat, accdeg, b2, batch_p, fcW1, fcb1, fcW2, fcb2)



def kernel(x, edge_index, batch, W0, b0, W1, b1, W2, b2,
           fcW1, fcb1, fcW2, fcb2):
  xp = jnp.pad(x, ((0, NPAD - N), (0, 0)))
  batch_p = jnp.pad(batch, (0, NPAD - N), constant_values=G).reshape(1, NPAD)
  src = edge_index[0].reshape(NW, NCHUNK, C)
  dst = edge_index[1].reshape(NW, NCHUNK, C)
  ones_c16 = jnp.ones((C, 16), jnp.float32)
  z16 = jnp.zeros((NPAD, 16), jnp.float32)
  z32 = jnp.zeros((NPAD, 32), jnp.float32)
  z48 = jnp.zeros((NPAD, 48), jnp.float32)
  z64 = jnp.zeros((NPAD, 64), jnp.float32)

  accdeg = _make_deg_pass()(dst, ones_c16, z16)
  hhat0 = _first_layer(xp, W0, accdeg)
  acc0 = _make_edge_pass(32)(hhat0, src, dst, z32)
  hhat1 = _mid_layer(32, 48, acc0, hhat0, accdeg, b0.reshape(1, -1), W1)
  acc1 = _make_edge_pass(48)(hhat1, src, dst, z48)
  hhat2 = _mid_layer(48, 64, acc1, hhat1, accdeg, b1.reshape(1, -1), W2)
  acc2 = _make_edge_pass(64)(hhat2, src, dst, z64)
  return _final_layer(acc2, hhat2, accdeg, b2.reshape(1, -1), batch_p,
                      fcW1, fcb1.reshape(1, -1), fcW2, fcb2.reshape(1, -1))

# --- scband reference (transcript-rebuilt; emitter-appended) ---
"""Pipeline reference for scband-gcn-graph-40432822125245 (READ-ONLY COPY).

The authoritative reference and input builder live on the scoring server;
editing this copy changes nothing except your own understanding.
"""

import jax, jax.numpy as jnp
import numpy as np

N = 10000
E = 320000
D = 128
G = 128

def setup_inputs(seed: int = 0) -> dict:
    key = jax.random.key(seed)
    ks = jax.random.split(key, 14)
    x = jax.random.normal(ks[0], (N, D), dtype=jnp.float32)
    edge_index = jax.random.randint(ks[1], (2, E), 0, N, dtype=jnp.int32)
    batch = jnp.sort(jax.random.randint(ks[2], (N,), 0, G, dtype=jnp.int32))
    s = 0.05
    W0 = jax.random.normal(ks[3], (D, 32), dtype=jnp.float32) * s
    b0 = jax.random.normal(ks[4], (32,), dtype=jnp.float32) * s
    W1 = jax.random.normal(ks[5], (32, 48), dtype=jnp.float32) * s
    b1 = jax.random.normal(ks[6], (48,), dtype=jnp.float32) * s
    W2 = jax.random.normal(ks[7], (48, 64), dtype=jnp.float32) * s
    b2 = jax.random.normal(ks[8], (64,), dtype=jnp.float32) * s
    fcW1 = jax.random.normal(ks[9], (64, 32), dtype=jnp.float32) * s
    fcb1 = jax.random.normal(ks[10], (32,), dtype=jnp.float32) * s
    fcW2 = jax.random.normal(ks[11], (32, 1), dtype=jnp.float32) * s
    fcb2 = jax.random.normal(ks[12], (1,), dtype=jnp.float32) * s
    return {"x": x, "edge_index": edge_index, "batch": batch,
            "W0": W0, "b0": b0, "W1": W1, "b1": b1, "W2": W2, "b2": b2,
            "fcW1": fcW1, "fcb1": fcb1, "fcW2": fcW2, "fcb2": fcb2}

def _gcn_layer(x, edge_index, W, b):
    # PyG GCNConv: h = x @ W; add self-loops; symmetric normalization; scatter-add; + bias
    h = x @ W
    src = edge_index[0]
    dst = edge_index[1]
    loop = jnp.arange(N, dtype=src.dtype)
    src = jnp.concatenate([src, loop])
    dst = jnp.concatenate([dst, loop])
    deg = jnp.zeros((N,), jnp.float32).at[dst].add(1.0)
    dinv = jax.lax.rsqrt(jnp.maximum(deg, 1.0))
    norm = dinv[src] * dinv[dst]
    msg = h[src] * norm[:, None]
    out = jnp.zeros((N, h.shape[1]), h.dtype).at[dst].add(msg)
    return out + b

def reference(x, edge_index, batch, W0, b0, W1, b1, W2, b2, fcW1, fcb1, fcW2, fcb2):
    h = jax.nn.relu(_gcn_layer(x, edge_index, W0, b0))
    # dropout is identity in eval mode
    h = jax.nn.relu(_gcn_layer(h, edge_index, W1, b1))
    h = jax.nn.relu(_gcn_layer(h, edge_index, W2, b2))
    # global_mean_pool
    sums = jax.ops.segment_sum(h, batch, num_segments=G)
    cnt = jax.ops.segment_sum(jnp.ones((N, 1), jnp.float32), batch, num_segments=G)
    pooled = sums / jnp.maximum(cnt, 1.0)
    z = jax.nn.relu(pooled @ fcW1 + fcb1)
    z = z @ fcW2 + fcb2
    return jax.nn.sigmoid(z)

if __name__ == "__main__":
    import jax
    _d = setup_inputs()
    print(jax.jit(kernel)(*tuple(_d.values())))

</pallas_src>

<mosaic_0001>
#map = affine_map<(d0, d1) -> (0, 0, 0)>
#map1 = affine_map<(d0, d1) -> (0, 0)>
module attributes {stable_mosaic.version = 14 : i64} {
  func.func @deg_pass(%arg0: i32, %arg1: i32, %arg2: memref<32x80x125xi32, #tpu.memory_space<hbm>>, %arg3: memref<125x16xf32, #tpu.memory_space<hbm>>, %arg4: memref<10240x16xf32, #tpu.memory_space<hbm>>, %arg5: memref<2x10240x16xf32, #tpu.memory_space<hbm>>, %arg6: memref<80x125xi32, #tpu.memory_space<vmem>>, %arg7: memref<125x16xf32, #tpu.memory_space<vmem>>, %arg8: memref<10240x16xf32, #tpu.memory_space<vmem_shared>>, %arg9: memref<!tpu.dma_semaphore, #tpu.memory_space<semaphore_mem>>, %arg10: memref<!tpu.dma_semaphore, #tpu.memory_space<semaphore_mem>>) attributes {dimension_semantics = [#tpu.dimension_semantics<core_parallel>, #tpu.dimension_semantics<subcore_parallel>], iteration_bounds = array<i64: 2, 16>, scalar_prefetch = 0 : i64, scratch_operands = 5 : i64, tpu.core_type = #tpu.core_type<sc_vector_subcore>, window_params = [{transform_indices = #map}, {transform_indices = #map1}, {transform_indices = #map1}, {transform_indices = #map}]} {
    %mul3A = arith.constant 16 : i32
    %mul3A_0 = arith.muli %arg0, %mul3A : i32
    %add3A = arith.addi %mul3A_0, %arg1 : i32
    %mul3A_1 = arith.constant 640 : i32
    %mul3A_2 = arith.muli %arg1, %mul3A_1 : i32
    %mul3A_3 = arith.constant 640 : i32
    %mul3A_4 = arith.muli %arg1, %mul3A_3 : i32
    %dma_start3A = arith.constant 0 : i32
    %dma_start3A_5 = tpu.memref_slice %arg8[%mul3A_4, %dma_start3A] : memref<10240x16xf32, #tpu.memory_space<vmem_shared>> -> memref<640x16xf32, #tpu.memory_space<vmem_shared>>
    %dma_start3A_6 = arith.constant 0 : i32
    %dma_start3A_7 = tpu.memref_slice %arg4[%mul3A_2, %dma_start3A_6] : memref<10240x16xf32, #tpu.memory_space<hbm>> -> memref<640x16xf32, #tpu.memory_space<hbm>>
    tpu.enqueue_dma source(%dma_start3A_7 : memref<640x16xf32, #tpu.memory_space<hbm>>) target(%dma_start3A_5 : memref<640x16xf32, #tpu.memory_space<vmem_shared>>) target_semaphore(%arg9 : memref<!tpu.dma_semaphore, #tpu.memory_space<semaphore_mem>>)
    tpu.enqueue_dma source(%arg3 : memref<125x16xf32, #tpu.memory_space<hbm>>) target(%arg7 : memref<125x16xf32, #tpu.memory_space<vmem>>) target_semaphore(%arg10 : memref<!tpu.dma_semaphore, #tpu.memory_space<semaphore_mem>>)
    %dma_start3A_8 = arith.constant 0 : i32
    %dma_start3A_9 = arith.constant 0 : i32
    %dma_start3A_10 = tpu.memref_slice %arg2[%add3A, %dma_start3A_8, %dma_start3A_9] : memref<32x80x125xi32, #tpu.memory_space<hbm>> -> memref<1x80x125xi32, #tpu.memory_space<hbm>>
    %dma_start3A_11 = tpu.memref_squeeze %dma_start3A_10 : memref<1x80x125xi32, #tpu.memory_space<hbm>> -> memref<80x125xi32, #tpu.memory_space<hbm>>
    %dma_start3A_12 = arith.constant 0 : i32
    %dma_start3A_13 = arith.constant 0 : i32
    %dma_start3A_14 = tpu.memref_slice %arg2[%add3A, %dma_start3A_12, %dma_start3A_13] : memref<32x80x125xi32, #tpu.memory_space<hbm>> -> memref<1x80x125xi32, #tpu.memory_space<hbm>>
    %dma_start3A_15 = tpu.memref_squeeze %dma_start3A_14 : memref<1x80x125xi32, #tpu.memory_space<hbm>> -> memref<80x125xi32, #tpu.memory_space<hbm>>
    tpu.enqueue_dma source(%dma_start3A_15 : memref<80x125xi32, #tpu.memory_space<hbm>>) target(%arg6 : memref<80x125xi32, #tpu.memory_space<vmem>>) target_semaphore(%arg9 : memref<!tpu.dma_semaphore, #tpu.memory_space<semaphore_mem>>)
    %mul3A_16 = arith.constant 640 : i32
    %mul3A_17 = arith.muli %arg1, %mul3A_16 : i32
    %mul3A_18 = arith.constant 640 : i32
    %mul3A_19 = arith.muli %arg1, %mul3A_18 : i32
    %dma_wait3A = arith.constant 0 : i32
    %dma_wait3A_20 = tpu.memref_slice %arg8[%mul3A_19, %dma_wait3A] : memref<10240x16xf32, #tpu.memory_space<vmem_shared>> -> memref<640x16xf32, #tpu.memory_space<vmem_shared>>
    %dma_wait3A_21 = arith.constant 0 : i32
    %dma_wait3A_22 = tpu.memref_slice %arg4[%mul3A_17, %dma_wait3A_21] : memref<10240x16xf32, #tpu.memory_space<hbm>> -> memref<640x16xf32, #tpu.memory_space<hbm>>
    tpu.wait_dma2 semaphore(%arg9 : memref<!tpu.dma_semaphore, #tpu.memory_space<semaphore_mem>>) src(%dma_wait3A_22 : memref<640x16xf32, #tpu.memory_space<hbm>>) dst(%dma_wait3A_20 : memref<640x16xf32, #tpu.memory_space<vmem_shared>>)
    tpu.wait_dma2 semaphore(%arg10 : memref<!tpu.dma_semaphore, #tpu.memory_space<semaphore_mem>>) src(%arg3 : memref<125x16xf32, #tpu.memory_space<hbm>>) dst(%arg7 : memref<125x16xf32, #tpu.memory_space<vmem>>)
    %dma_wait3A_23 = arith.constant 0 : i32
    %dma_wait3A_24 = arith.constant 0 : i32
    %dma_wait3A_25 = tpu.memref_slice %arg2[%add3A, %dma_wait3A_23, %dma_wait3A_24] : memref<32x80x125xi32, #tpu.memory_space<hbm>> -> memref<1x80x125xi32, #tpu.memory_space<hbm>>
    %dma_wait3A_26 = tpu.memref_squeeze %dma_wait3A_25 : memref<1x80x125xi32, #tpu.memory_space<hbm>> -> memref<80x125xi32, #tpu.memory_space<hbm>>
    %dma_wait3A_27 = arith.constant 0 : i32
    %dma_wait3A_28 = arith.constant 0 : i32
    %dma_wait3A_29 = tpu.memref_slice %arg2[%add3A, %dma_wait3A_27, %dma_wait3A_28] : memref<32x80x125xi32, #tpu.memory_space<hbm>> -> memref<1x80x125xi32, #tpu.memory_space<hbm>>
    %dma_wait3A_30 = tpu.memref_squeeze %dma_wait3A_29 : memref<1x80x125xi32, #tpu.memory_space<hbm>> -> memref<80x125xi32, #tpu.memory_space<hbm>>
    tpu.wait_dma2 semaphore(%arg9 : memref<!tpu.dma_semaphore, #tpu.memory_space<semaphore_mem>>) src(%dma_wait3A_30 : memref<80x125xi32, #tpu.memory_space<hbm>>) dst(%arg6 : memref<80x125xi32, #tpu.memory_space<vmem>>)
    %barrier3A = arith.constant 0 : index
    tpu.barrier barrier_id(%barrier3A)
    %scan3A = arith.constant 0 : i32
    %scan3A_31 = arith.constant 0 : i32
    %scan3A_32 = arith.constant 80 : i32
    %scan3A_33 = arith.addi %scan3A_31, %scan3A_32 : i32
    %scan3A_34 = arith.constant 1 : i32
    scf.for %scan3A_41 = %scan3A_31 to %scan3A_33 step %scan3A_34  : i32 {
      "tpu.region"() ({
        %run_scoped3A = tpu.sem_alloc : memref<!tpu.dma_semaphore, #tpu.memory_space<semaphore_mem>>
        %dma_start3A_42 = arith.constant 0 : i32
        %dma_start3A_43 = tpu.memref_slice %arg6[%scan3A_41, %dma_start3A_42] : memref<80x125xi32, #tpu.memory_space<vmem>> -> memref<1x125xi32, #tpu.memory_space<vmem>>
        %dma_start3A_44 = tpu.memref_squeeze %dma_start3A_43 : memref<1x125xi32, #tpu.memory_space<vmem>> -> memref<125xi32, #tpu.memory_space<vmem>>
        %dma_start3A_45 = arith.constant 0 : i32
        %dma_start3A_46 = arith.constant 0 : i32
        %dma_start3A_47 = tpu.memref_slice %arg8[%dma_start3A_45, %dma_start3A_46] : memref<10240x16xf32, #tpu.memory_space<vmem_shared>> -> memref<10240x16xf32, #tpu.memory_space<vmem_shared>>
        tpu.enqueue_indirect_dma source(%arg7 : memref<125x16xf32, #tpu.memory_space<vmem>>) target(%dma_start3A_47 : memref<10240x16xf32, #tpu.memory_space<vmem_shared>>) offsets(%dma_start3A_44 : memref<125xi32, #tpu.memory_space<vmem>>) semaphore(%run_scoped3A : memref<!tpu.dma_semaphore, #tpu.memory_space<semaphore_mem>>) {add = true}
        %dma_wait3A_48 = arith.constant 0 : i32
        %dma_wait3A_49 = tpu.memref_slice %arg6[%scan3A_41, %dma_wait3A_48] : memref<80x125xi32, #tpu.memory_space<vmem>> -> memref<1x125xi32, #tpu.memory_space<vmem>>
        %dma_wait3A_50 = tpu.memref_squeeze %dma_wait3A_49 : memref<1x125xi32, #tpu.memory_space<vmem>> -> memref<125xi32, #tpu.memory_space<vmem>>
        %dma_wait3A_51 = arith.constant 0 : i32
        %dma_wait3A_52 = arith.constant 0 : i32
        %dma_wait3A_53 = tpu.memref_slice %arg8[%dma_wait3A_51, %dma_wait3A_52] : memref<10240x16xf32, #tpu.memory_space<vmem_shared>> -> memref<10240x16xf32, #tpu.memory_space<vmem_shared>>
        tpu.wait_indirect_dma semaphore(%run_scoped3A : memref<!tpu.dma_semaphore, #tpu.memory_space<semaphore_mem>>) src(%arg7 : memref<125x16xf32, #tpu.memory_space<vmem>>) dst(%dma_wait3A_53 : memref<10240x16xf32, #tpu.memory_space<vmem_shared>>)
        tpu.yield
      }) : () -> ()
    }
    %scan3A_35 = arith.constant 80 : i32
    %barrier3A_36 = arith.constant 0 : index
    tpu.barrier barrier_id(%barrier3A_36)
    %mul3A_37 = arith.constant 640 : i32
    %mul3A_38 = arith.muli %arg1, %mul3A_37 : i32
    %mul3A_39 = arith.constant 640 : i32
    %mul3A_40 = arith.muli %arg1, %mul3A_39 : i32
    "tpu.region"() ({
      %run_scoped3A = tpu.sem_alloc : memref<!tpu.dma_semaphore, #tpu.memory_space<semaphore_mem>>
      %dma_start3A_41 = arith.constant 0 : i32
      %dma_start3A_42 = tpu.memref_slice %arg5[%arg0, %mul3A_40, %dma_start3A_41] : memref<2x10240x16xf32, #tpu.memory_space<hbm>> -> memref<1x640x16xf32, #tpu.memory_space<hbm>>
      %dma_start3A_43 = tpu.memref_squeeze %dma_start3A_42 : memref<1x640x16xf32, #tpu.memory_space<hbm>> -> memref<640x16xf32, #tpu.memory_space<hbm>>
      %dma_start3A_44 = arith.constant 0 : i32
      %dma_start3A_45 = tpu.memref_slice %arg8[%mul3A_38, %dma_start3A_44] : memref<10240x16xf32, #tpu.memory_space<vmem_shared>> -> memref<640x16xf32, #tpu.memory_space<vmem_shared>>
      tpu.enqueue_dma source(%dma_start3A_45 : memref<640x16xf32, #tpu.memory_space<vmem_shared>>) target(%dma_start3A_43 : memref<640x16xf32, #tpu.memory_space<hbm>>) target_semaphore(%run_scoped3A : memref<!tpu.dma_semaphore, #tpu.memory_space<semaphore_mem>>)
      %dma_wait3A_46 = arith.constant 0 : i32
      %dma_wait3A_47 = tpu.memref_slice %arg5[%arg0, %mul3A_40, %dma_wait3A_46] : memref<2x10240x16xf32, #tpu.memory_space<hbm>> -> memref<1x640x16xf32, #tpu.memory_space<hbm>>
      %dma_wait3A_48 = tpu.memref_squeeze %dma_wait3A_47 : memref<1x640x16xf32, #tpu.memory_space<hbm>> -> memref<640x16xf32, #tpu.memory_space<hbm>>
      %dma_wait3A_49 = arith.constant 0 : i32
      %dma_wait3A_50 = tpu.memref_slice %arg8[%mul3A_38, %dma_wait3A_49] : memref<10240x16xf32, #tpu.memory_space<vmem_shared>> -> memref<640x16xf32, #tpu.memory_space<vmem_shared>>
      tpu.wait_dma2 semaphore(%run_scoped3A : memref<!tpu.dma_semaphore, #tpu.memory_space<semaphore_mem>>) src(%dma_wait3A_50 : memref<640x16xf32, #tpu.memory_space<vmem_shared>>) dst(%dma_wait3A_48 : memref<640x16xf32, #tpu.memory_space<hbm>>)
      tpu.yield
    }) : () -> ()
    return
  }
}

#map = affine_map<(d0, d1) -> (0, 0)>
#map1 = affine_map<(d0, d1) -> (0, 0, 0)>
module attributes {stable_mosaic.version = 14 : i64} {
  func.func @edge_pass(%arg0: i32, %arg1: i32, %arg2: memref<10240x32xf32, #tpu.memory_space<hbm>>, %arg3: memref<32x80x125xi32, #tpu.memory_space<hbm>>, %arg4: memref<32x80x125xi32, #tpu.memory_space<hbm>>, %arg5: memref<10240x32xf32, #tpu.memory_space<hbm>>, %arg6: memref<2x10240x32xf32, #tpu.memory_space<hbm>>, %arg7: memref<80x125xi32, #tpu.memory_space<vmem>>, %arg8: memref<80x125xi32, #tpu.memory_space<vmem>>, %arg9: memref<125x32xf32, #tpu.memory_space<vmem>>, %arg10: memref<125x32xf32, #tpu.memory_space<vmem>>, %arg11: memref<125x32xf32, #tpu.memory_space<vmem>>, %arg12: memref<125x32xf32, #tpu.memory_space<vmem>>, %arg13: memref<10240x32xf32, #tpu.memory_space<vmem_shared>>, %arg14: memref<!tpu.dma_semaphore, #tpu.memory_space<semaphore_mem>>, %arg15: memref<!tpu.dma_semaphore, #tpu.memory_space<semaphore_mem>>, %arg16: memref<!tpu.dma_semaphore, #tpu.memory_space<semaphore_mem>>, %arg17: memref<!tpu.dma_semaphore, #tpu.memory_space<semaphore_mem>>, %arg18: memref<!tpu.dma_semaphore, #tpu.memory_space<semaphore_mem>>, %arg19: memref<!tpu.dma_semaphore, #tpu.memory_space<semaphore_mem>>, %arg20: memref<!tpu.dma_semaphore, #tpu.memory_space<semaphore_mem>>, %arg21: memref<!tpu.dma_semaphore, #tpu.memory_space<semaphore_mem>>) attributes {dimension_semantics = [#tpu.dimension_semantics<core_parallel>, #tpu.dimension_semantics<subcore_parallel>], iteration_bounds = array<i64: 2, 16>, scalar_prefetch = 0 : i64, scratch_operands = 15 : i64, tpu.core_type = #tpu.core_type<sc_vector_subcore>, window_params = [{transform_indices = #map}, {transform_indices = #map1}, {transform_indices = #map1}, {transform_indices = #map}, {transform_indices = #map1}]} {
    %mul3A = arith.constant 16 : i32
    %mul3A_0 = arith.muli %arg0, %mul3A : i32
    %add3A = arith.addi %mul3A_0, %arg1 : i32
    %mul3A_1 = arith.constant 640 : i32
    %mul3A_2 = arith.muli %arg1, %mul3A_1 : i32
    %mul3A_3 = arith.constant 640 : i32
    %mul3A_4 = arith.muli %arg1, %mul3A_3 : i32
    %dma_start3A = arith.constant 0 : i32
    %dma_start3A_5 = tpu.memref_slice %arg13[%mul3A_4, %dma_start3A] : memref<10240x32xf32, #tpu.memory_space<vmem_shared>> -> memref<640x32xf32, #tpu.memory_space<vmem_shared>>
    %dma_start3A_6 = arith.constant 0 : i32
    %dma_start3A_7 = tpu.memref_slice %arg5[%mul3A_2, %dma_start3A_6] : memref<10240x32xf32, #tpu.memory_space<hbm>> -> memref<640x32xf32, #tpu.memory_space<hbm>>
    tpu.enqueue_dma source(%dma_start3A_7 : memref<640x32xf32, #tpu.memory_space<hbm>>) target(%dma_start3A_5 : memref<640x32xf32, #tpu.memory_space<vmem_shared>>) target_semaphore(%arg18 : memref<!tpu.dma_semaphore, #tpu.memory_space<semaphore_mem>>)
    %dma_start3A_8 = arith.constant 0 : i32
    %dma_start3A_9 = arith.constant 0 : i32
    %dma_start3A_10 = tpu.memref_slice %arg3[%add3A, %dma_start3A_8, %dma_start3A_9] : memref<32x80x125xi32, #tpu.memory_space<hbm>> -> memref<1x80x125xi32, #tpu.memory_space<hbm>>
    %dma_start3A_11 = tpu.memref_squeeze %dma_start3A_10 : memref<1x80x125xi32, #tpu.memory_space<hbm>> -> memref<80x125xi32, #tpu.memory_space<hbm>>
    %dma_start3A_12 = arith.constant 0 : i32
    %dma_start3A_13 = arith.constant 0 : i32
    %dma_start3A_14 = tpu.memref_slice %arg3[%add3A, %dma_start3A_12, %dma_start3A_13] : memref<32x80x125xi32, #tpu.memory_space<hbm>> -> memref<1x80x125xi32, #tpu.memory_space<hbm>>
    %dma_start3A_15 = tpu.memref_squeeze %dma_start3A_14 : memref<1x80x125xi32, #tpu.memory_space<hbm>> -> memref<80x125xi32, #tpu.memory_space<hbm>>
    tpu.enqueue_dma source(%dma_start3A_15 : memref<80x125xi32, #tpu.memory_space<hbm>>) target(%arg7 : memref<80x125xi32, #tpu.memory_space<vmem>>) target_semaphore(%arg19 : memref<!tpu.dma_semaphore, #tpu.memory_space<semaphore_mem>>)
    %dma_start3A_16 = arith.constant 0 : i32
    %dma_start3A_17 = arith.constant 0 : i32
    %dma_start3A_18 = tpu.memref_slice %arg4[%add3A, %dma_start3A_16, %dma_start3A_17] : memref<32x80x125xi32, #tpu.memory_space<hbm>> -> memref<1x80x125xi32, #tpu.memory_space<hbm>>
    %dma_start3A_19 = tpu.memref_squeeze %dma_start3A_18 : memref<1x80x125xi32, #tpu.memory_space<hbm>> -> memref<80x125xi32, #tpu.memory_space<hbm>>
    %dma_start3A_20 = arith.constant 0 : i32
    %dma_start3A_21 = arith.constant 0 : i32
    %dma_start3A_22 = tpu.memref_slice %arg4[%add3A, %dma_start3A_20, %dma_start3A_21] : memref<32x80x125xi32, #tpu.memory_space<hbm>> -> memref<1x80x125xi32, #tpu.memory_space<hbm>>
    %dma_start3A_23 = tpu.memref_squeeze %dma_start3A_22 : memref<1x80x125xi32, #tpu.memory_space<hbm>> -> memref<80x125xi32, #tpu.memory_space<hbm>>
    tpu.enqueue_dma source(%dma_start3A_23 : memref<80x125xi32, #tpu.memory_space<hbm>>) target(%arg8 : memref<80x125xi32, #tpu.memory_space<vmem>>) target_semaphore(%arg20 : memref<!tpu.dma_semaphore, #tpu.memory_space<semaphore_mem>>)
    %mul3A_24 = arith.constant 640 : i32
    %mul3A_25 = arith.muli %arg1, %mul3A_24 : i32
    %mul3A_26 = arith.constant 640 : i32
    %mul3A_27 = arith.muli %arg1, %mul3A_26 : i32
    %dma_wait3A = arith.constant 0 : i32
    %dma_wait3A_28 = tpu.memref_slice %arg13[%mul3A_27, %dma_wait3A] : memref<10240x32xf32, #tpu.memory_space<vmem_shared>> -> memref<640x32xf32, #tpu.memory_space<vmem_shared>>
    %dma_wait3A_29 = arith.constant 0 : i32
    %dma_wait3A_30 = tpu.memref_slice %arg5[%mul3A_25, %dma_wait3A_29] : memref<10240x32xf32, #tpu.memory_space<hbm>> -> memref<640x32xf32, #tpu.memory_space<hbm>>
    tpu.wait_dma2 semaphore(%arg18 : memref<!tpu.dma_semaphore, #tpu.memory_space<semaphore_mem>>) src(%dma_wait3A_30 : memref<640x32xf32, #tpu.memory_space<hbm>>) dst(%dma_wait3A_28 : memref<640x32xf32, #tpu.memory_space<vmem_shared>>)
    %dma_wait3A_31 = arith.constant 0 : i32
    %dma_wait3A_32 = arith.constant 0 : i32
    %dma_wait3A_33 = tpu.memref_slice %arg3[%add3A, %dma_wait3A_31, %dma_wait3A_32] : memref<32x80x125xi32, #tpu.memory_space<hbm>> -> memref<1x80x125xi32, #tpu.memory_space<hbm>>
    %dma_wait3A_34 = tpu.memref_squeeze %dma_wait3A_33 : memref<1x80x125xi32, #tpu.memory_space<hbm>> -> memref<80x125xi32, #tpu.memory_space<hbm>>
    %dma_wait3A_35 = arith.constant 0 : i32
    %dma_wait3A_36 = arith.constant 0 : i32
    %dma_wait3A_37 = tpu.memref_slice %arg3[%add3A, %dma_wait3A_35, %dma_wait3A_36] : memref<32x80x125xi32, #tpu.memory_space<hbm>> -> memref<1x80x125xi32, #tpu.memory_space<hbm>>
    %dma_wait3A_38 = tpu.memref_squeeze %dma_wait3A_37 : memref<1x80x125xi32, #tpu.memory_space<hbm>> -> memref<80x125xi32, #tpu.memory_space<hbm>>
    tpu.wait_dma2 semaphore(%arg19 : memref<!tpu.dma_semaphore, #tpu.memory_space<semaphore_mem>>) src(%dma_wait3A_38 : memref<80x125xi32, #tpu.memory_space<hbm>>) dst(%arg7 : memref<80x125xi32, #tpu.memory_space<vmem>>)
    %dma_wait3A_39 = arith.constant 0 : i32
    %dma_wait3A_40 = arith.constant 0 : i32
    %dma_wait3A_41 = tpu.memref_slice %arg4[%add3A, %dma_wait3A_39, %dma_wait3A_40] : memref<32x80x125xi32, #tpu.memory_space<hbm>> -> memref<1x80x125xi32, #tpu.memory_space<hbm>>
    %dma_wait3A_42 = tpu.memref_squeeze %dma_wait3A_41 : memref<1x80x125xi32, #tpu.memory_space<hbm>> -> memref<80x125xi32, #tpu.memory_space<hbm>>
    %dma_wait3A_43 = arith.constant 0 : i32
    %dma_wait3A_44 = arith.constant 0 : i32
    %dma_wait3A_45 = tpu.memref_slice %arg4[%add3A, %dma_wait3A_43, %dma_wait3A_44] : memref<32x80x125xi32, #tpu.memory_space<hbm>> -> memref<1x80x125xi32, #tpu.memory_space<hbm>>
    %dma_wait3A_46 = tpu.memref_squeeze %dma_wait3A_45 : memref<1x80x125xi32, #tpu.memory_space<hbm>> -> memref<80x125xi32, #tpu.memory_space<hbm>>
    tpu.wait_dma2 semaphore(%arg20 : memref<!tpu.dma_semaphore, #tpu.memory_space<semaphore_mem>>) src(%dma_wait3A_46 : memref<80x125xi32, #tpu.memory_space<hbm>>) dst(%arg8 : memref<80x125xi32, #tpu.memory_space<vmem>>)
    %barrier3A = arith.constant 0 : index
    tpu.barrier barrier_id(%barrier3A)
    %dma_start3A_47 = arith.constant 0 : i32
    %dma_start3A_48 = arith.constant 0 : i32
    %dma_start3A_49 = tpu.memref_slice %arg7[%dma_start3A_47, %dma_start3A_48] : memref<80x125xi32, #tpu.memory_space<vmem>> -> memref<1x125xi32, #tpu.memory_space<vmem>>
    %dma_start3A_50 = tpu.memref_squeeze %dma_start3A_49 : memref<1x125xi32, #tpu.memory_space<vmem>> -> memref<125xi32, #tpu.memory_space<vmem>>
    %dma_start3A_51 = arith.constant 0 : i32
    %dma_start3A_52 = arith.constant 0 : i32
    %dma_start3A_53 = tpu.memref_slice %arg2[%dma_start3A_51, %dma_start3A_52] : memref<10240x32xf32, #tpu.memory_space<hbm>> -> memref<10240x32xf32, #tpu.memory_space<hbm>>
    tpu.enqueue_indirect_dma source(%dma_start3A_53 : memref<10240x32xf32, #tpu.memory_space<hbm>>) target(%arg9 : memref<125x32xf32, #tpu.memory_space<vmem>>) offsets(%dma_start3A_50 : memref<125xi32, #tpu.memory_space<vmem>>) semaphore(%arg14 : memref<!tpu.dma_semaphore, #tpu.memory_space<semaphore_mem>>)
    %dma_start3A_54 = arith.constant 1 : i32
    %dma_start3A_55 = arith.constant 0 : i32
    %dma_start3A_56 = tpu.memref_slice %arg7[%dma_start3A_54, %dma_start3A_55] : memref<80x125xi32, #tpu.memory_space<vmem>> -> memref<1x125xi32, #tpu.memory_space<vmem>>
    %dma_start3A_57 = tpu.memref_squeeze %dma_start3A_56 : memref<1x125xi32, #tpu.memory_space<vmem>> -> memref<125xi32, #tpu.memory_space<vmem>>
    %dma_start3A_58 = arith.constant 0 : i32
    %dma_start3A_59 = arith.constant 0 : i32
    %dma_start3A_60 = tpu.memref_slice %arg2[%dma_start3A_58, %dma_start3A_59] : memref<10240x32xf32, #tpu.memory_space<hbm>> -> memref<10240x32xf32, #tpu.memory_space<hbm>>
    tpu.enqueue_indirect_dma source(%dma_start3A_60 : memref<10240x32xf32, #tpu.memory_space<hbm>>) target(%arg10 : memref<125x32xf32, #tpu.memory_space<vmem>>) offsets(%dma_start3A_57 : memref<125xi32, #tpu.memory_space<vmem>>) semaphore(%arg15 : memref<!tpu.dma_semaphore, #tpu.memory_space<semaphore_mem>>)
    %dma_start3A_61 = arith.constant 2 : i32
    %dma_start3A_62 = arith.constant 0 : i32
    %dma_start3A_63 = tpu.memref_slice %arg7[%dma_start3A_61, %dma_start3A_62] : memref<80x125xi32, #tpu.memory_space<vmem>> -> memref<1x125xi32, #tpu.memory_space<vmem>>
    %dma_start3A_64 = tpu.memref_squeeze %dma_start3A_63 : memref<1x125xi32, #tpu.memory_space<vmem>> -> memref<125xi32, #tpu.memory_space<vmem>>
    %dma_start3A_65 = arith.constant 0 : i32
    %dma_start3A_66 = arith.constant 0 : i32
    %dma_start3A_67 = tpu.memref_slice %arg2[%dma_start3A_65, %dma_start3A_66] : memref<10240x32xf32, #tpu.memory_space<hbm>> -> memref<10240x32xf32, #tpu.memory_space<hbm>>
    tpu.enqueue_indirect_dma source(%dma_start3A_67 : memref<10240x32xf32, #tpu.memory_space<hbm>>) target(%arg11 : memref<125x32xf32, #tpu.memory_space<vmem>>) offsets(%dma_start3A_64 : memref<125xi32, #tpu.memory_space<vmem>>) semaphore(%arg16 : memref<!tpu.dma_semaphore, #tpu.memory_space<semaphore_mem>>)
    %scan3A = arith.constant 0 : i32
    %scan3A_68 = arith.constant 0 : i32
    %scan3A_69 = arith.constant 20 : i32
    %scan3A_70 = arith.addi %scan3A_68, %scan3A_69 : i32
    %scan3A_71 = arith.constant 1 : i32
    scf.for %scan3A_78 = %scan3A_68 to %scan3A_70 step %scan3A_71  : i32 {
      %mul3A_79 = arith.constant 4 : i32
      %mul3A_80 = arith.muli %mul3A_79, %scan3A_78 : i32
      %add3A_81 = arith.constant 0 : i32
      %add3A_82 = arith.addi %mul3A_80, %add3A_81 : i32
      %dma_wait3A_83 = arith.constant 0 : i32
      %dma_wait3A_84 = tpu.memref_slice %arg7[%add3A_82, %dma_wait3A_83] : memref<80x125xi32, #tpu.memory_space<vmem>> -> memref<1x125xi32, #tpu.memory_space<vmem>>
      %dma_wait3A_85 = tpu.memref_squeeze %dma_wait3A_84 : memref<1x125xi32, #tpu.memory_space<vmem>> -> memref<125xi32, #tpu.memory_space<vmem>>
      %dma_wait3A_86 = arith.constant 0 : i32
      %dma_wait3A_87 = arith.constant 0 : i32
      %dma_wait3A_88 = tpu.memref_slice %arg2[%dma_wait3A_86, %dma_wait3A_87] : memref<10240x32xf32, #tpu.memory_space<hbm>> -> memref<10240x32xf32, #tpu.memory_space<hbm>>
      tpu.wait_indirect_dma semaphore(%arg14 : memref<!tpu.dma_semaphore, #tpu.memory_space<semaphore_mem>>) src(%dma_wait3A_88 : memref<10240x32xf32, #tpu.memory_space<hbm>>) dst(%arg9 : memref<125x32xf32, #tpu.memory_space<vmem>>)
      %add3A_89 = arith.constant 3 : i32
      %add3A_90 = arith.addi %add3A_82, %add3A_89 : i32
      %lt3A = arith.constant 80 : i32
      %lt3A_91 = arith.cmpi slt, %add3A_90, %lt3A : i32
      %convert_element_type3A = arith.extui %lt3A_91 : i1 to i32
      %cond3A = arith.constant 0 : i32
      %cond3A_92 = arith.cmpi ne, %convert_element_type3A, %cond3A : i32
      scf.if %cond3A_92 {
        %add3A_144 = arith.constant 3 : i32
        %add3A_145 = arith.addi %add3A_82, %add3A_144 : i32
        %dma_start3A_146 = arith.constant 0 : i32
        %dma_start3A_147 = tpu.memref_slice %arg7[%add3A_145, %dma_start3A_146] : memref<80x125xi32, #tpu.memory_space<vmem>> -> memref<1x125xi32, #tpu.memory_space<vmem>>
        %dma_start3A_148 = tpu.memref_squeeze %dma_start3A_147 : memref<1x125xi32, #tpu.memory_space<vmem>> -> memref<125xi32, #tpu.memory_space<vmem>>
        %dma_start3A_149 = arith.constant 0 : i32
        %dma_start3A_150 = arith.constant 0 : i32
        %dma_start3A_151 = tpu.memref_slice %arg2[%dma_start3A_149, %dma_start3A_150] : memref<10240x32xf32, #tpu.memory_space<hbm>> -> memref<10240x32xf32, #tpu.memory_space<hbm>>
        tpu.enqueue_indirect_dma source(%dma_start3A_151 : memref<10240x32xf32, #tpu.memory_space<hbm>>) target(%arg12 : memref<125x32xf32, #tpu.memory_space<vmem>>) offsets(%dma_start3A_148 : memref<125xi32, #tpu.memory_space<vmem>>) semaphore(%arg17 : memref<!tpu.dma_semaphore, #tpu.memory_space<semaphore_mem>>)
      } else {
      }
      "tpu.region"() ({
        %run_scoped3A = tpu.sem_alloc : memref<!tpu.dma_semaphore, #tpu.memory_space<semaphore_mem>>
        %dma_start3A_144 = arith.constant 0 : i32
        %dma_start3A_145 = tpu.memref_slice %arg8[%add3A_82, %dma_start3A_144] : memref<80x125xi32, #tpu.memory_space<vmem>> -> memref<1x125xi32, #tpu.memory_space<vmem>>
        %dma_start3A_146 = tpu.memref_squeeze %dma_start3A_145 : memref<1x125xi32, #tpu.memory_space<vmem>> -> memref<125xi32, #tpu.memory_space<vmem>>
        %dma_start3A_147 = arith.constant 0 : i32
        %dma_start3A_148 = arith.constant 0 : i32
        %dma_start3A_149 = tpu.memref_slice %arg13[%dma_start3A_147, %dma_start3A_148] : memref<10240x32xf32, #tpu.memory_space<vmem_shared>> -> memref<10240x32xf32, #tpu.memory_space<vmem_shared>>
        tpu.enqueue_indirect_dma source(%arg9 : memref<125x32xf32, #tpu.memory_space<vmem>>) target(%dma_start3A_149 : memref<10240x32xf32, #tpu.memory_space<vmem_shared>>) offsets(%dma_start3A_146 : memref<125xi32, #tpu.memory_space<vmem>>) semaphore(%run_scoped3A : memref<!tpu.dma_semaphore, #tpu.memory_space<semaphore_mem>>) {add = true}
        %dma_wait3A_150 = arith.constant 0 : i32
        %dma_wait3A_151 = tpu.memref_slice %arg8[%add3A_82, %dma_wait3A_150] : memref<80x125xi32, #tpu.memory_space<vmem>> -> memref<1x125xi32, #tpu.memory_space<vmem>>
        %dma_wait3A_152 = tpu.memref_squeeze %dma_wait3A_151 : memref<1x125xi32, #tpu.memory_space<vmem>> -> memref<125xi32, #tpu.memory_space<vmem>>
        %dma_wait3A_153 = arith.constant 0 : i32
        %dma_wait3A_154 = arith.constant 0 : i32
        %dma_wait3A_155 = tpu.memref_slice %arg13[%dma_wait3A_153, %dma_wait3A_154] : memref<10240x32xf32, #tpu.memory_space<vmem_shared>> -> memref<10240x32xf32, #tpu.memory_space<vmem_shared>>
        tpu.wait_indirect_dma semaphore(%run_scoped3A : memref<!tpu.dma_semaphore, #tpu.memory_space<semaphore_mem>>) src(%arg9 : memref<125x32xf32, #tpu.memory_space<vmem>>) dst(%dma_wait3A_155 : memref<10240x32xf32, #tpu.memory_space<vmem_shared>>)
        tpu.yield
      }) : () -> ()
      %mul3A_93 = arith.constant 4 : i32
      %mul3A_94 = arith.muli %mul3A_93, %scan3A_78 : i32
      %add3A_95 = arith.constant 1 : i32
      %add3A_96 = arith.addi %mul3A_94, %add3A_95 : i32
      %dma_wait3A_97 = arith.constant 0 : i32
      %dma_wait3A_98 = tpu.memref_slice %arg7[%add3A_96, %dma_wait3A_97] : memref<80x125xi32, #tpu.memory_space<vmem>> -> memref<1x125xi32, #tpu.memory_space<vmem>>
      %dma_wait3A_99 = tpu.memref_squeeze %dma_wait3A_98 : memref<1x125xi32, #tpu.memory_space<vmem>> -> memref<125xi32, #tpu.memory_space<vmem>>
      %dma_wait3A_100 = arith.constant 0 : i32
      %dma_wait3A_101 = arith.constant 0 : i32
      %dma_wait3A_102 = tpu.memref_slice %arg2[%dma_wait3A_100, %dma_wait3A_101] : memref<10240x32xf32, #tpu.memory_space<hbm>> -> memref<10240x32xf32, #tpu.memory_space<hbm>>
      tpu.wait_indirect_dma semaphore(%arg15 : memref<!tpu.dma_semaphore, #tpu.memory_space<semaphore_mem>>) src(%dma_wait3A_102 : memref<10240x32xf32, #tpu.memory_space<hbm>>) dst(%arg10 : memref<125x32xf32, #tpu.memory_space<vmem>>)
      %add3A_103 = arith.constant 3 : i32
      %add3A_104 = arith.addi %add3A_96, %add3A_103 : i32
      %lt3A_105 = arith.constant 80 : i32
      %lt3A_106 = arith.cmpi slt, %add3A_104, %lt3A_105 : i32
      %convert_element_type3A_107 = arith.extui %lt3A_106 : i1 to i32
      %cond3A_108 = arith.constant 0 : i32
      %cond3A_109 = arith.cmpi ne, %convert_element_type3A_107, %cond3A_108 : i32
      scf.if %cond3A_109 {
        %add3A_144 = arith.constant 3 : i32
        %add3A_145 = arith.addi %add3A_96, %add3A_144 : i32
        %dma_start3A_146 = arith.constant 0 : i32
        %dma_start3A_147 = tpu.memref_slice %arg7[%add3A_145, %dma_start3A_146] : memref<80x125xi32, #tpu.memory_space<vmem>> -> memref<1x125xi32, #tpu.memory_space<vmem>>
        %dma_start3A_148 = tpu.memref_squeeze %dma_start3A_147 : memref<1x125xi32, #tpu.memory_space<vmem>> -> memref<125xi32, #tpu.memory_space<vmem>>
        %dma_start3A_149 = arith.constant 0 : i32
        %dma_start3A_150 = arith.constant 0 : i32
        %dma_start3A_151 = tpu.memref_slice %arg2[%dma_start3A_149, %dma_start3A_150] : memref<10240x32xf32, #tpu.memory_space<hbm>> -> memref<10240x32xf32, #tpu.memory_space<hbm>>
        tpu.enqueue_indirect_dma source(%dma_start3A_151 : memref<10240x32xf32, #tpu.memory_space<hbm>>) target(%arg9 : memref<125x32xf32, #tpu.memory_space<vmem>>) offsets(%dma_start3A_148 : memref<125xi32, #tpu.memory_space<vmem>>) semaphore(%arg14 : memref<!tpu.dma_semaphore, #tpu.memory_space<semaphore_mem>>)
      } else {
      }
      "tpu.region"() ({
        %run_scoped3A = tpu.sem_alloc : memref<!tpu.dma_semaphore, #tpu.memory_space<semaphore_mem>>
        %dma_start3A_144 = arith.constant 0 : i32
        %dma_start3A_145 = tpu.memref_slice %arg8[%add3A_96, %dma_start3A_144] : memref<80x125xi32, #tpu.memory_space<vmem>> -> memref<1x125xi32, #tpu.memory_space<vmem>>
        %dma_start3A_146 = tpu.memref_squeeze %dma_start3A_145 : memref<1x125xi32, #tpu.memory_space<vmem>> -> memref<125xi32, #tpu.memory_space<vmem>>
        %dma_start3A_147 = arith.constant 0 : i32
        %dma_start3A_148 = arith.constant 0 : i32
        %dma_start3A_149 = tpu.memref_slice %arg13[%dma_start3A_147, %dma_start3A_148] : memref<10240x32xf32, #tpu.memory_space<vmem_shared>> -> memref<10240x32xf32, #tpu.memory_space<vmem_shared>>
        tpu.enqueue_indirect_dma source(%arg10 : memref<125x32xf32, #tpu.memory_space<vmem>>) target(%dma_start3A_149 : memref<10240x32xf32, #tpu.memory_space<vmem_shared>>) offsets(%dma_start3A_146 : memref<125xi32, #tpu.memory_space<vmem>>) semaphore(%run_scoped3A : memref<!tpu.dma_semaphore, #tpu.memory_space<semaphore_mem>>) {add = true}
        %dma_wait3A_150 = arith.constant 0 : i32
        %dma_wait3A_151 = tpu.memref_slice %arg8[%add3A_96, %dma_wait3A_150] : memref<80x125xi32, #tpu.memory_space<vmem>> -> memref<1x125xi32, #tpu.memory_space<vmem>>
        %dma_wait3A_152 = tpu.memref_squeeze %dma_wait3A_151 : memref<1x125xi32, #tpu.memory_space<vmem>> -> memref<125xi32, #tpu.memory_space<vmem>>
        %dma_wait3A_153 = arith.constant 0 : i32
        %dma_wait3A_154 = arith.constant 0 : i32
        %dma_wait3A_155 = tpu.memref_slice %arg13[%dma_wait3A_153, %dma_wait3A_154] : memref<10240x32xf32, #tpu.memory_space<vmem_shared>> -> memref<10240x32xf32, #tpu.memory_space<vmem_shared>>
        tpu.wait_indirect_dma semaphore(%run_scoped3A : memref<!tpu.dma_semaphore, #tpu.memory_space<semaphore_mem>>) src(%arg10 : memref<125x32xf32, #tpu.memory_space<vmem>>) dst(%dma_wait3A_155 : memref<10240x32xf32, #tpu.memory_space<vmem_shared>>)
        tpu.yield
      }) : () -> ()
      %mul3A_110 = arith.constant 4 : i32
      %mul3A_111 = arith.muli %mul3A_110, %scan3A_78 : i32
      %add3A_112 = arith.constant 2 : i32
      %add3A_113 = arith.addi %mul3A_111, %add3A_112 : i32
      %dma_wait3A_114 = arith.constant 0 : i32
      %dma_wait3A_115 = tpu.memref_slice %arg7[%add3A_113, %dma_wait3A_114] : memref<80x125xi32, #tpu.memory_space<vmem>> -> memref<1x125xi32, #tpu.memory_space<vmem>>
      %dma_wait3A_116 = tpu.memref_squeeze %dma_wait3A_115 : memref<1x125xi32, #tpu.memory_space<vmem>> -> memref<125xi32, #tpu.memory_space<vmem>>
      %dma_wait3A_117 = arith.constant 0 : i32
      %dma_wait3A_118 = arith.constant 0 : i32
      %dma_wait3A_119 = tpu.memref_slice %arg2[%dma_wait3A_117, %dma_wait3A_118] : memref<10240x32xf32, #tpu.memory_space<hbm>> -> memref<10240x32xf32, #tpu.memory_space<hbm>>
      tpu.wait_indirect_dma semaphore(%arg16 : memref<!tpu.dma_semaphore, #tpu.memory_space<semaphore_mem>>) src(%dma_wait3A_119 : memref<10240x32xf32, #tpu.memory_space<hbm>>) dst(%arg11 : memref<125x32xf32, #tpu.memory_space<vmem>>)
      %add3A_120 = arith.constant 3 : i32
      %add3A_121 = arith.addi %add3A_113, %add3A_120 : i32
      %lt3A_122 = arith.constant 80 : i32
      %lt3A_123 = arith.cmpi slt, %add3A_121, %lt3A_122 : i32
      %convert_element_type3A_124 = arith.extui %lt3A_123 : i1 to i32
      %cond3A_125 = arith.constant 0 : i32
      %cond3A_126 = arith.cmpi ne, %convert_element_type3A_124, %cond3A_125 : i32
      scf.if %cond3A_126 {
        %add3A_144 = arith.constant 3 : i32
        %add3A_145 = arith.addi %add3A_113, %add3A_144 : i32
        %dma_start3A_146 = arith.constant 0 : i32
        %dma_start3A_147 = tpu.memref_slice %arg7[%add3A_145, %dma_start3A_146] : memref<80x125xi32, #tpu.memory_space<vmem>> -> memref<1x125xi32, #tpu.memory_space<vmem>>
        %dma_start3A_148 = tpu.memref_squeeze %dma_start3A_147 : memref<1x125xi32, #tpu.memory_space<vmem>> -> memref<125xi32, #tpu.memory_space<vmem>>
        %dma_start3A_149 = arith.constant 0 : i32
        %dma_start3A_150 = arith.constant 0 : i32
        %dma_start3A_151 = tpu.memref_slice %arg2[%dma_start3A_149, %dma_start3A_150] : memref<10240x32xf32, #tpu.memory_space<hbm>> -> memref<10240x32xf32, #tpu.memory_space<hbm>>
        tpu.enqueue_indirect_dma source(%dma_start3A_151 : memref<10240x32xf32, #tpu.memory_space<hbm>>) target(%arg10 : memref<125x32xf32, #tpu.memory_space<vmem>>) offsets(%dma_start3A_148 : memref<125xi32, #tpu.memory_space<vmem>>) semaphore(%arg15 : memref<!tpu.dma_semaphore, #tpu.memory_space<semaphore_mem>>)
      } else {
      }
      "tpu.region"() ({
        %run_scoped3A = tpu.sem_alloc : memref<!tpu.dma_semaphore, #tpu.memory_space<semaphore_mem>>
        %dma_start3A_144 = arith.constant 0 : i32
        %dma_start3A_145 = tpu.memref_slice %arg8[%add3A_113, %dma_start3A_144] : memref<80x125xi32, #tpu.memory_space<vmem>> -> memref<1x125xi32, #tpu.memory_space<vmem>>
        %dma_start3A_146 = tpu.memref_squeeze %dma_start3A_145 : memref<1x125xi32, #tpu.memory_space<vmem>> -> memref<125xi32, #tpu.memory_space<vmem>>
        %dma_start3A_147 = arith.constant 0 : i32
        %dma_start3A_148 = arith.constant 0 : i32
        %dma_start3A_149 = tpu.memref_slice %arg13[%dma_start3A_147, %dma_start3A_148] : memref<10240x32xf32, #tpu.memory_space<vmem_shared>> -> memref<10240x32xf32, #tpu.memory_space<vmem_shared>>
        tpu.enqueue_indirect_dma source(%arg11 : memref<125x32xf32, #tpu.memory_space<vmem>>) target(%dma_start3A_149 : memref<10240x32xf32, #tpu.memory_space<vmem_shared>>) offsets(%dma_start3A_146 : memref<125xi32, #tpu.memory_space<vmem>>) semaphore(%run_scoped3A : memref<!tpu.dma_semaphore, #tpu.memory_space<semaphore_mem>>) {add = true}
        %dma_wait3A_150 = arith.constant 0 : i32
        %dma_wait3A_151 = tpu.memref_slice %arg8[%add3A_113, %dma_wait3A_150] : memref<80x125xi32, #tpu.memory_space<vmem>> -> memref<1x125xi32, #tpu.memory_space<vmem>>
        %dma_wait3A_152 = tpu.memref_squeeze %dma_wait3A_151 : memref<1x125xi32, #tpu.memory_space<vmem>> -> memref<125xi32, #tpu.memory_space<vmem>>
        %dma_wait3A_153 = arith.constant 0 : i32
        %dma_wait3A_154 = arith.constant 0 : i32
        %dma_wait3A_155 = tpu.memref_slice %arg13[%dma_wait3A_153, %dma_wait3A_154] : memref<10240x32xf32, #tpu.memory_space<vmem_shared>> -> memref<10240x32xf32, #tpu.memory_space<vmem_shared>>
        tpu.wait_indirect_dma semaphore(%run_scoped3A : memref<!tpu.dma_semaphore, #tpu.memory_space<semaphore_mem>>) src(%arg11 : memref<125x32xf32, #tpu.memory_space<vmem>>) dst(%dma_wait3A_155 : memref<10240x32xf32, #tpu.memory_space<vmem_shared>>)
        tpu.yield
      }) : () -> ()
      %mul3A_127 = arith.constant 4 : i32
      %mul3A_128 = arith.muli %mul3A_127, %scan3A_78 : i32
      %add3A_129 = arith.constant 3 : i32
      %add3A_130 = arith.addi %mul3A_128, %add3A_129 : i32
      %dma_wait3A_131 = arith.constant 0 : i32
      %dma_wait3A_132 = tpu.memref_slice %arg7[%add3A_130, %dma_wait3A_131] : memref<80x125xi32, #tpu.memory_space<vmem>> -> memref<1x125xi32, #tpu.memory_space<vmem>>
      %dma_wait3A_133 = tpu.memref_squeeze %dma_wait3A_132 : memref<1x125xi32, #tpu.memory_space<vmem>> -> memref<125xi32, #tpu.memory_space<vmem>>
      %dma_wait3A_134 = arith.constant 0 : i32
      %dma_wait3A_135 = arith.constant 0 : i32
      %dma_wait3A_136 = tpu.memref_slice %arg2[%dma_wait3A_134, %dma_wait3A_135] : memref<10240x32xf32, #tpu.memory_space<hbm>> -> memref<10240x32xf32, #tpu.memory_space<hbm>>
      tpu.wait_indirect_dma semaphore(%arg17 : memref<!tpu.dma_semaphore, #tpu.memory_space<semaphore_mem>>) src(%dma_wait3A_136 : memref<10240x32xf32, #tpu.memory_space<hbm>>) dst(%arg12 : memref<125x32xf32, #tpu.memory_space<vmem>>)
      %add3A_137 = arith.constant 3 : i32
      %add3A_138 = arith.addi %add3A_130, %add3A_137 : i32
      %lt3A_139 = arith.constant 80 : i32
      %lt3A_140 = arith.cmpi slt, %add3A_138, %lt3A_139 : i32
      %convert_element_type3A_141 = arith.extui %lt3A_140 : i1 to i32
      %cond3A_142 = arith.constant 0 : i32
      %cond3A_143 = arith.cmpi ne, %convert_element_type3A_141, %cond3A_142 : i32
      scf.if %cond3A_143 {
        %add3A_144 = arith.constant 3 : i32
        %add3A_145 = arith.addi %add3A_130, %add3A_144 : i32
        %dma_start3A_146 = arith.constant 0 : i32
        %dma_start3A_147 = tpu.memref_slice %arg7[%add3A_145, %dma_start3A_146] : memref<80x125xi32, #tpu.memory_space<vmem>> -> memref<1x125xi32, #tpu.memory_space<vmem>>
        %dma_start3A_148 = tpu.memref_squeeze %dma_start3A_147 : memref<1x125xi32, #tpu.memory_space<vmem>> -> memref<125xi32, #tpu.memory_space<vmem>>
        %dma_start3A_149 = arith.constant 0 : i32
        %dma_start3A_150 = arith.constant 0 : i32
        %dma_start3A_151 = tpu.memref_slice %arg2[%dma_start3A_149, %dma_start3A_150] : memref<10240x32xf32, #tpu.memory_space<hbm>> -> memref<10240x32xf32, #tpu.memory_space<hbm>>
        tpu.enqueue_indirect_dma source(%dma_start3A_151 : memref<10240x32xf32, #tpu.memory_space<hbm>>) target(%arg11 : memref<125x32xf32, #tpu.memory_space<vmem>>) offsets(%dma_start3A_148 : memref<125xi32, #tpu.memory_space<vmem>>) semaphore(%arg16 : memref<!tpu.dma_semaphore, #tpu.memory_space<semaphore_mem>>)
      } else {
      }
      "tpu.region"() ({
        %run_scoped3A = tpu.sem_alloc : memref<!tpu.dma_semaphore, #tpu.memory_space<semaphore_mem>>
        %dma_start3A_144 = arith.constant 0 : i32
        %dma_start3A_145 = tpu.memref_slice %arg8[%add3A_130, %dma_start3A_144] : memref<80x125xi32, #tpu.memory_space<vmem>> -> memref<1x125xi32, #tpu.memory_space<vmem>>
        %dma_start3A_146 = tpu.memref_squeeze %dma_start3A_145 : memref<1x125xi32, #tpu.memory_space<vmem>> -> memref<125xi32, #tpu.memory_space<vmem>>
        %dma_start3A_147 = arith.constant 0 : i32
        %dma_start3A_148 = arith.constant 0 : i32
        %dma_start3A_149 = tpu.memref_slice %arg13[%dma_start3A_147, %dma_start3A_148] : memref<10240x32xf32, #tpu.memory_space<vmem_shared>> -> memref<10240x32xf32, #tpu.memory_space<vmem_shared>>
        tpu.enqueue_indirect_dma source(%arg12 : memref<125x32xf32, #tpu.memory_space<vmem>>) target(%dma_start3A_149 : memref<10240x32xf32, #tpu.memory_space<vmem_shared>>) offsets(%dma_start3A_146 : memref<125xi32, #tpu.memory_space<vmem>>) semaphore(%run_scoped3A : memref<!tpu.dma_semaphore, #tpu.memory_space<semaphore_mem>>) {add = true}
        %dma_wait3A_150 = arith.constant 0 : i32
        %dma_wait3A_151 = tpu.memref_slice %arg8[%add3A_130, %dma_wait3A_150] : memref<80x125xi32, #tpu.memory_space<vmem>> -> memref<1x125xi32, #tpu.memory_space<vmem>>
        %dma_wait3A_152 = tpu.memref_squeeze %dma_wait3A_151 : memref<1x125xi32, #tpu.memory_space<vmem>> -> memref<125xi32, #tpu.memory_space<vmem>>
        %dma_wait3A_153 = arith.constant 0 : i32
        %dma_wait3A_154 = arith.constant 0 : i32
        %dma_wait3A_155 = tpu.memref_slice %arg13[%dma_wait3A_153, %dma_wait3A_154] : memref<10240x32xf32, #tpu.memory_space<vmem_shared>> -> memref<10240x32xf32, #tpu.memory_space<vmem_shared>>
        tpu.wait_indirect_dma semaphore(%run_scoped3A : memref<!tpu.dma_semaphore, #tpu.memory_space<semaphore_mem>>) src(%arg12 : memref<125x32xf32, #tpu.memory_space<vmem>>) dst(%dma_wait3A_155 : memref<10240x32xf32, #tpu.memory_space<vmem_shared>>)
        tpu.yield
      }) : () -> ()
    }
    %scan3A_72 = arith.constant 20 : i32
    %barrier3A_73 = arith.constant 0 : index
    tpu.barrier barrier_id(%barrier3A_73)
    %mul3A_74 = arith.constant 640 : i32
    %mul3A_75 = arith.muli %arg1, %mul3A_74 : i32
    %mul3A_76 = arith.constant 640 : i32
    %mul3A_77 = arith.muli %arg1, %mul3A_76 : i32
    "tpu.region"() ({
      %run_scoped3A = tpu.sem_alloc : memref<!tpu.dma_semaphore, #tpu.memory_space<semaphore_mem>>
      %dma_start3A_78 = arith.constant 0 : i32
      %dma_start3A_79 = tpu.memref_slice %arg6[%arg0, %mul3A_77, %dma_start3A_78] : memref<2x10240x32xf32, #tpu.memory_space<hbm>> -> memref<1x640x32xf32, #tpu.memory_space<hbm>>
      %dma_start3A_80 = tpu.memref_squeeze %dma_start3A_79 : memref<1x640x32xf32, #tpu.memory_space<hbm>> -> memref<640x32xf32, #tpu.memory_space<hbm>>
      %dma_start3A_81 = arith.constant 0 : i32
      %dma_start3A_82 = tpu.memref_slice %arg13[%mul3A_75, %dma_start3A_81] : memref<10240x32xf32, #tpu.memory_space<vmem_shared>> -> memref<640x32xf32, #tpu.memory_space<vmem_shared>>
      tpu.enqueue_dma source(%dma_start3A_82 : memref<640x32xf32, #tpu.memory_space<vmem_shared>>) target(%dma_start3A_80 : memref<640x32xf32, #tpu.memory_space<hbm>>) target_semaphore(%run_scoped3A : memref<!tpu.dma_semaphore, #tpu.memory_space<semaphore_mem>>)
      %dma_wait3A_83 = arith.constant 0 : i32
      %dma_wait3A_84 = tpu.memref_slice %arg6[%arg0, %mul3A_77, %dma_wait3A_83] : memref<2x10240x32xf32, #tpu.memory_space<hbm>> -> memref<1x640x32xf32, #tpu.memory_space<hbm>>
      %dma_wait3A_85 = tpu.memref_squeeze %dma_wait3A_84 : memref<1x640x32xf32, #tpu.memory_space<hbm>> -> memref<640x32xf32, #tpu.memory_space<hbm>>
      %dma_wait3A_86 = arith.constant 0 : i32
      %dma_wait3A_87 = tpu.memref_slice %arg13[%mul3A_75, %dma_wait3A_86] : memref<10240x32xf32, #tpu.memory_space<vmem_shared>> -> memref<640x32xf32, #tpu.memory_space<vmem_shared>>
      tpu.wait_dma2 semaphore(%run_scoped3A : memref<!tpu.dma_semaphore, #tpu.memory_space<semaphore_mem>>) src(%dma_wait3A_87 : memref<640x32xf32, #tpu.memory_space<vmem_shared>>) dst(%dma_wait3A_85 : memref<640x32xf32, #tpu.memory_space<hbm>>)
      tpu.yield
    }) : () -> ()
    return
  }
}

#map = affine_map<(d0, d1) -> (0, 0)>
#map1 = affine_map<(d0, d1) -> (0, 0, 0)>
module attributes {stable_mosaic.version = 14 : i64} {
  func.func @edge_pass(%arg0: i32, %arg1: i32, %arg2: memref<10240x64xf32, #tpu.memory_space<hbm>>, %arg3: memref<32x80x125xi32, #tpu.memory_space<hbm>>, %arg4: memref<32x80x125xi32, #tpu.memory_space<hbm>>, %arg5: memref<10240x64xf32, #tpu.memory_space<hbm>>, %arg6: memref<2x10240x64xf32, #tpu.memory_space<hbm>>, %arg7: memref<80x125xi32, #tpu.memory_space<vmem>>, %arg8: memref<80x125xi32, #tpu.memory_space<vmem>>, %arg9: memref<125x64xf32, #tpu.memory_space<vmem>>, %arg10: memref<125x64xf32, #tpu.memory_space<vmem>>, %arg11: memref<125x64xf32, #tpu.memory_space<vmem>>, %arg12: memref<125x64xf32, #tpu.memory_space<vmem>>, %arg13: memref<10240x64xf32, #tpu.memory_space<vmem_shared>>, %arg14: memref<!tpu.dma_semaphore, #tpu.memory_space<semaphore_mem>>, %arg15: memref<!tpu.dma_semaphore, #tpu.memory_space<semaphore_mem>>, %arg16: memref<!tpu.dma_semaphore, #tpu.memory_space<semaphore_mem>>, %arg17: memref<!tpu.dma_semaphore, #tpu.memory_space<semaphore_mem>>, %arg18: memref<!tpu.dma_semaphore, #tpu.memory_space<semaphore_mem>>, %arg19: memref<!tpu.dma_semaphore, #tpu.memory_space<semaphore_mem>>, %arg20: memref<!tpu.dma_semaphore, #tpu.memory_space<semaphore_mem>>, %arg21: memref<!tpu.dma_semaphore, #tpu.memory_space<semaphore_mem>>) attributes {dimension_semantics = [#tpu.dimension_semantics<core_parallel>, #tpu.dimension_semantics<subcore_parallel>], iteration_bounds = array<i64: 2, 16>, scalar_prefetch = 0 : i64, scratch_operands = 15 : i64, tpu.core_type = #tpu.core_type<sc_vector_subcore>, window_params = [{transform_indices = #map}, {transform_indices = #map1}, {transform_indices = #map1}, {transform_indices = #map}, {transform_indices = #map1}]} {
    %mul3A = arith.constant 16 : i32
    %mul3A_0 = arith.muli %arg0, %mul3A : i32
    %add3A = arith.addi %mul3A_0, %arg1 : i32
    %mul3A_1 = arith.constant 640 : i32
    %mul3A_2 = arith.muli %arg1, %mul3A_1 : i32
    %mul3A_3 = arith.constant 640 : i32
    %mul3A_4 = arith.muli %arg1, %mul3A_3 : i32
    %dma_start3A = arith.constant 0 : i32
    %dma_start3A_5 = tpu.memref_slice %arg13[%mul3A_4, %dma_start3A] : memref<10240x64xf32, #tpu.memory_space<vmem_shared>> -> memref<640x64xf32, #tpu.memory_space<vmem_shared>>
    %dma_start3A_6 = arith.constant 0 : i32
    %dma_start3A_7 = tpu.memref_slice %arg5[%mul3A_2, %dma_start3A_6] : memref<10240x64xf32, #tpu.memory_space<hbm>> -> memref<640x64xf32, #tpu.memory_space<hbm>>
    tpu.enqueue_dma source(%dma_start3A_7 : memref<640x64xf32, #tpu.memory_space<hbm>>) target(%dma_start3A_5 : memref<640x64xf32, #tpu.memory_space<vmem_shared>>) target_semaphore(%arg18 : memref<!tpu.dma_semaphore, #tpu.memory_space<semaphore_mem>>)
    %dma_start3A_8 = arith.constant 0 : i32
    %dma_start3A_9 = arith.constant 0 : i32
    %dma_start3A_10 = tpu.memref_slice %arg3[%add3A, %dma_start3A_8, %dma_start3A_9] : memref<32x80x125xi32, #tpu.memory_space<hbm>> -> memref<1x80x125xi32, #tpu.memory_space<hbm>>
    %dma_start3A_11 = tpu.memref_squeeze %dma_start3A_10 : memref<1x80x125xi32, #tpu.memory_space<hbm>> -> memref<80x125xi32, #tpu.memory_space<hbm>>
    %dma_start3A_12 = arith.constant 0 : i32
    %dma_start3A_13 = arith.constant 0 : i32
    %dma_start3A_14 = tpu.memref_slice %arg3[%add3A, %dma_start3A_12, %dma_start3A_13] : memref<32x80x125xi32, #tpu.memory_space<hbm>> -> memref<1x80x125xi32, #tpu.memory_space<hbm>>
    %dma_start3A_15 = tpu.memref_squeeze %dma_start3A_14 : memref<1x80x125xi32, #tpu.memory_space<hbm>> -> memref<80x125xi32, #tpu.memory_space<hbm>>
    tpu.enqueue_dma source(%dma_start3A_15 : memref<80x125xi32, #tpu.memory_space<hbm>>) target(%arg7 : memref<80x125xi32, #tpu.memory_space<vmem>>) target_semaphore(%arg19 : memref<!tpu.dma_semaphore, #tpu.memory_space<semaphore_mem>>)
    %dma_start3A_16 = arith.constant 0 : i32
    %dma_start3A_17 = arith.constant 0 : i32
    %dma_start3A_18 = tpu.memref_slice %arg4[%add3A, %dma_start3A_16, %dma_start3A_17] : memref<32x80x125xi32, #tpu.memory_space<hbm>> -> memref<1x80x125xi32, #tpu.memory_space<hbm>>
    %dma_start3A_19 = tpu.memref_squeeze %dma_start3A_18 : memref<1x80x125xi32, #tpu.memory_space<hbm>> -> memref<80x125xi32, #tpu.memory_space<hbm>>
    %dma_start3A_20 = arith.constant 0 : i32
    %dma_start3A_21 = arith.constant 0 : i32
    %dma_start3A_22 = tpu.memref_slice %arg4[%add3A, %dma_start3A_20, %dma_start3A_21] : memref<32x80x125xi32, #tpu.memory_space<hbm>> -> memref<1x80x125xi32, #tpu.memory_space<hbm>>
    %dma_start3A_23 = tpu.memref_squeeze %dma_start3A_22 : memref<1x80x125xi32, #tpu.memory_space<hbm>> -> memref<80x125xi32, #tpu.memory_space<hbm>>
    tpu.enqueue_dma source(%dma_start3A_23 : memref<80x125xi32, #tpu.memory_space<hbm>>) target(%arg8 : memref<80x125xi32, #tpu.memory_space<vmem>>) target_semaphore(%arg20 : memref<!tpu.dma_semaphore, #tpu.memory_space<semaphore_mem>>)
    %mul3A_24 = arith.constant 640 : i32
    %mul3A_25 = arith.muli %arg1, %mul3A_24 : i32
    %mul3A_26 = arith.constant 640 : i32
    %mul3A_27 = arith.muli %arg1, %mul3A_26 : i32
    %dma_wait3A = arith.constant 0 : i32
    %dma_wait3A_28 = tpu.memref_slice %arg13[%mul3A_27, %dma_wait3A] : memref<10240x64xf32, #tpu.memory_space<vmem_shared>> -> memref<640x64xf32, #tpu.memory_space<vmem_shared>>
    %dma_wait3A_29 = arith.constant 0 : i32
    %dma_wait3A_30 = tpu.memref_slice %arg5[%mul3A_25, %dma_wait3A_29] : memref<10240x64xf32, #tpu.memory_space<hbm>> -> memref<640x64xf32, #tpu.memory_space<hbm>>
    tpu.wait_dma2 semaphore(%arg18 : memref<!tpu.dma_semaphore, #tpu.memory_space<semaphore_mem>>) src(%dma_wait3A_30 : memref<640x64xf32, #tpu.memory_space<hbm>>) dst(%dma_wait3A_28 : memref<640x64xf32, #tpu.memory_space<vmem_shared>>)
    %dma_wait3A_31 = arith.constant 0 : i32
    %dma_wait3A_32 = arith.constant 0 : i32
    %dma_wait3A_33 = tpu.memref_slice %arg3[%add3A, %dma_wait3A_31, %dma_wait3A_32] : memref<32x80x125xi32, #tpu.memory_space<hbm>> -> memref<1x80x125xi32, #tpu.memory_space<hbm>>
    %dma_wait3A_34 = tpu.memref_squeeze %dma_wait3A_33 : memref<1x80x125xi32, #tpu.memory_space<hbm>> -> memref<80x125xi32, #tpu.memory_space<hbm>>
    %dma_wait3A_35 = arith.constant 0 : i32
    %dma_wait3A_36 = arith.constant 0 : i32
    %dma_wait3A_37 = tpu.memref_slice %arg3[%add3A, %dma_wait3A_35, %dma_wait3A_36] : memref<32x80x125xi32, #tpu.memory_space<hbm>> -> memref<1x80x125xi32, #tpu.memory_space<hbm>>
    %dma_wait3A_38 = tpu.memref_squeeze %dma_wait3A_37 : memref<1x80x125xi32, #tpu.memory_space<hbm>> -> memref<80x125xi32, #tpu.memory_space<hbm>>
    tpu.wait_dma2 semaphore(%arg19 : memref<!tpu.dma_semaphore, #tpu.memory_space<semaphore_mem>>) src(%dma_wait3A_38 : memref<80x125xi32, #tpu.memory_space<hbm>>) dst(%arg7 : memref<80x125xi32, #tpu.memory_space<vmem>>)
    %dma_wait3A_39 = arith.constant 0 : i32
    %dma_wait3A_40 = arith.constant 0 : i32
    %dma_wait3A_41 = tpu.memref_slice %arg4[%add3A, %dma_wait3A_39, %dma_wait3A_40] : memref<32x80x125xi32, #tpu.memory_space<hbm>> -> memref<1x80x125xi32, #tpu.memory_space<hbm>>
    %dma_wait3A_42 = tpu.memref_squeeze %dma_wait3A_41 : memref<1x80x125xi32, #tpu.memory_space<hbm>> -> memref<80x125xi32, #tpu.memory_space<hbm>>
    %dma_wait3A_43 = arith.constant 0 : i32
    %dma_wait3A_44 = arith.constant 0 : i32
    %dma_wait3A_45 = tpu.memref_slice %arg4[%add3A, %dma_wait3A_43, %dma_wait3A_44] : memref<32x80x125xi32, #tpu.memory_space<hbm>> -> memref<1x80x125xi32, #tpu.memory_space<hbm>>
    %dma_wait3A_46 = tpu.memref_squeeze %dma_wait3A_45 : memref<1x80x125xi32, #tpu.memory_space<hbm>> -> memref<80x125xi32, #tpu.memory_space<hbm>>
    tpu.wait_dma2 semaphore(%arg20 : memref<!tpu.dma_semaphore, #tpu.memory_space<semaphore_mem>>) src(%dma_wait3A_46 : memref<80x125xi32, #tpu.memory_space<hbm>>) dst(%arg8 : memref<80x125xi32, #tpu.memory_space<vmem>>)
    %barrier3A = arith.constant 0 : index
    tpu.barrier barrier_id(%barrier3A)
    %dma_start3A_47 = arith.constant 0 : i32
    %dma_start3A_48 = arith.constant 0 : i32
    %dma_start3A_49 = tpu.memref_slice %arg7[%dma_start3A_47, %dma_start3A_48] : memref<80x125xi32, #tpu.memory_space<vmem>> -> memref<1x125xi32, #tpu.memory_space<vmem>>
    %dma_start3A_50 = tpu.memref_squeeze %dma_start3A_49 : memref<1x125xi32, #tpu.memory_space<vmem>> -> memref<125xi32, #tpu.memory_space<vmem>>
    %dma_start3A_51 = arith.constant 0 : i32
    %dma_start3A_52 = arith.constant 0 : i32
    %dma_start3A_53 = tpu.memref_slice %arg2[%dma_start3A_51, %dma_start3A_52] : memref<10240x64xf32, #tpu.memory_space<hbm>> -> memref<10240x64xf32, #tpu.memory_space<hbm>>
    tpu.enqueue_indirect_dma source(%dma_start3A_53 : memref<10240x64xf32, #tpu.memory_space<hbm>>) target(%arg9 : memref<125x64xf32, #tpu.memory_space<vmem>>) offsets(%dma_start3A_50 : memref<125xi32, #tpu.memory_space<vmem>>) semaphore(%arg14 : memref<!tpu.dma_semaphore, #tpu.memory_space<semaphore_mem>>)
    %dma_start3A_54 = arith.constant 1 : i32
    %dma_start3A_55 = arith.constant 0 : i32
    %dma_start3A_56 = tpu.memref_slice %arg7[%dma_start3A_54, %dma_start3A_55] : memref<80x125xi32, #tpu.memory_space<vmem>> -> memref<1x125xi32, #tpu.memory_space<vmem>>
    %dma_start3A_57 = tpu.memref_squeeze %dma_start3A_56 : memref<1x125xi32, #tpu.memory_space<vmem>> -> memref<125xi32, #tpu.memory_space<vmem>>
    %dma_start3A_58 = arith.constant 0 : i32
    %dma_start3A_59 = arith.constant 0 : i32
    %dma_start3A_60 = tpu.memref_slice %arg2[%dma_start3A_58, %dma_start3A_59] : memref<10240x64xf32, #tpu.memory_space<hbm>> -> memref<10240x64xf32, #tpu.memory_space<hbm>>
    tpu.enqueue_indirect_dma source(%dma_start3A_60 : memref<10240x64xf32, #tpu.memory_space<hbm>>) target(%arg10 : memref<125x64xf32, #tpu.memory_space<vmem>>) offsets(%dma_start3A_57 : memref<125xi32, #tpu.memory_space<vmem>>) semaphore(%arg15 : memref<!tpu.dma_semaphore, #tpu.memory_space<semaphore_mem>>)
    %dma_start3A_61 = arith.constant 2 : i32
    %dma_start3A_62 = arith.constant 0 : i32
    %dma_start3A_63 = tpu.memref_slice %arg7[%dma_start3A_61, %dma_start3A_62] : memref<80x125xi32, #tpu.memory_space<vmem>> -> memref<1x125xi32, #tpu.memory_space<vmem>>
    %dma_start3A_64 = tpu.memref_squeeze %dma_start3A_63 : memref<1x125xi32, #tpu.memory_space<vmem>> -> memref<125xi32, #tpu.memory_space<vmem>>
    %dma_start3A_65 = arith.constant 0 : i32
    %dma_start3A_66 = arith.constant 0 : i32
    %dma_start3A_67 = tpu.memref_slice %arg2[%dma_start3A_65, %dma_start3A_66] : memref<10240x64xf32, #tpu.memory_space<hbm>> -> memref<10240x64xf32, #tpu.memory_space<hbm>>
    tpu.enqueue_indirect_dma source(%dma_start3A_67 : memref<10240x64xf32, #tpu.memory_space<hbm>>) target(%arg11 : memref<125x64xf32, #tpu.memory_space<vmem>>) offsets(%dma_start3A_64 : memref<125xi32, #tpu.memory_space<vmem>>) semaphore(%arg16 : memref<!tpu.dma_semaphore, #tpu.memory_space<semaphore_mem>>)
    %scan3A = arith.constant 0 : i32
    %scan3A_68 = arith.constant 0 : i32
    %scan3A_69 = arith.constant 20 : i32
    %scan3A_70 = arith.addi %scan3A_68, %scan3A_69 : i32
    %scan3A_71 = arith.constant 1 : i32
    scf.for %scan3A_78 = %scan3A_68 to %scan3A_70 step %scan3A_71  : i32 {
      %mul3A_79 = arith.constant 4 : i32
      %mul3A_80 = arith.muli %mul3A_79, %scan3A_78 : i32
      %add3A_81 = arith.constant 0 : i32
      %add3A_82 = arith.addi %mul3A_80, %add3A_81 : i32
      %dma_wait3A_83 = arith.constant 0 : i32
      %dma_wait3A_84 = tpu.memref_slice %arg7[%add3A_82, %dma_wait3A_83] : memref<80x125xi32, #tpu.memory_space<vmem>> -> memref<1x125xi32, #tpu.memory_space<vmem>>
      %dma_wait3A_85 = tpu.memref_squeeze %dma_wait3A_84 : memref<1x125xi32, #tpu.memory_space<vmem>> -> memref<125xi32, #tpu.memory_space<vmem>>
      %dma_wait3A_86 = arith.constant 0 : i32
      %dma_wait3A_87 = arith.constant 0 : i32
      %dma_wait3A_88 = tpu.memref_slice %arg2[%dma_wait3A_86, %dma_wait3A_87] : memref<10240x64xf32, #tpu.memory_space<hbm>> -> memref<10240x64xf32, #tpu.memory_space<hbm>>
      tpu.wait_indirect_dma semaphore(%arg14 : memref<!tpu.dma_semaphore, #tpu.memory_space<semaphore_mem>>) src(%dma_wait3A_88 : memref<10240x64xf32, #tpu.memory_space<hbm>>) dst(%arg9 : memref<125x64xf32, #tpu.memory_space<vmem>>)
      %add3A_89 = arith.constant 3 : i32
      %add3A_90 = arith.addi %add3A_82, %add3A_89 : i32
      %lt3A = arith.constant 80 : i32
      %lt3A_91 = arith.cmpi slt, %add3A_90, %lt3A : i32
      %convert_element_type3A = arith.extui %lt3A_91 : i1 to i32
      %cond3A = arith.constant 0 : i32
      %cond3A_92 = arith.cmpi ne, %convert_element_type3A, %cond3A : i32
      scf.if %cond3A_92 {
        %add3A_144 = arith.constant 3 : i32
        %add3A_145 = arith.addi %add3A_82, %add3A_144 : i32
        %dma_start3A_146 = arith.constant 0 : i32
        %dma_start3A_147 = tpu.memref_slice %arg7[%add3A_145, %dma_start3A_146] : memref<80x125xi32, #tpu.memory_space<vmem>> -> memref<1x125xi32, #tpu.memory_space<vmem>>
        %dma_start3A_148 = tpu.memref_squeeze %dma_start3A_147 : memref<1x125xi32, #tpu.memory_space<vmem>> -> memref<125xi32, #tpu.memory_space<vmem>>
        %dma_start3A_149 = arith.constant 0 : i32
        %dma_start3A_150 = arith.constant 0 : i32
        %dma_start3A_151 = tpu.memref_slice %arg2[%dma_start3A_149, %dma_start3A_150] : memref<10240x64xf32, #tpu.memory_space<hbm>> -> memref<10240x64xf32, #tpu.memory_space<hbm>>
        tpu.enqueue_indirect_dma source(%dma_start3A_151 : memref<10240x64xf32, #tpu.memory_space<hbm>>) target(%arg12 : memref<125x64xf32, #tpu.memory_space<vmem>>) offsets(%dma_start3A_148 : memref<125xi32, #tpu.memory_space<vmem>>) semaphore(%arg17 : memref<!tpu.dma_semaphore, #tpu.memory_space<semaphore_mem>>)
      } else {
      }
      "tpu.region"() ({
        %run_scoped3A = tpu.sem_alloc : memref<!tpu.dma_semaphore, #tpu.memory_space<semaphore_mem>>
        %dma_start3A_144 = arith.constant 0 : i32
        %dma_start3A_145 = tpu.memref_slice %arg8[%add3A_82, %dma_start3A_144] : memref<80x125xi32, #tpu.memory_space<vmem>> -> memref<1x125xi32, #tpu.memory_space<vmem>>
        %dma_start3A_146 = tpu.memref_squeeze %dma_start3A_145 : memref<1x125xi32, #tpu.memory_space<vmem>> -> memref<125xi32, #tpu.memory_space<vmem>>
        %dma_start3A_147 = arith.constant 0 : i32
        %dma_start3A_148 = arith.constant 0 : i32
        %dma_start3A_149 = tpu.memref_slice %arg13[%dma_start3A_147, %dma_start3A_148] : memref<10240x64xf32, #tpu.memory_space<vmem_shared>> -> memref<10240x64xf32, #tpu.memory_space<vmem_shared>>
        tpu.enqueue_indirect_dma source(%arg9 : memref<125x64xf32, #tpu.memory_space<vmem>>) target(%dma_start3A_149 : memref<10240x64xf32, #tpu.memory_space<vmem_shared>>) offsets(%dma_start3A_146 : memref<125xi32, #tpu.memory_space<vmem>>) semaphore(%run_scoped3A : memref<!tpu.dma_semaphore, #tpu.memory_space<semaphore_mem>>) {add = true}
        %dma_wait3A_150 = arith.constant 0 : i32
        %dma_wait3A_151 = tpu.memref_slice %arg8[%add3A_82, %dma_wait3A_150] : memref<80x125xi32, #tpu.memory_space<vmem>> -> memref<1x125xi32, #tpu.memory_space<vmem>>
        %dma_wait3A_152 = tpu.memref_squeeze %dma_wait3A_151 : memref<1x125xi32, #tpu.memory_space<vmem>> -> memref<125xi32, #tpu.memory_space<vmem>>
        %dma_wait3A_153 = arith.constant 0 : i32
        %dma_wait3A_154 = arith.constant 0 : i32
        %dma_wait3A_155 = tpu.memref_slice %arg13[%dma_wait3A_153, %dma_wait3A_154] : memref<10240x64xf32, #tpu.memory_space<vmem_shared>> -> memref<10240x64xf32, #tpu.memory_space<vmem_shared>>
        tpu.wait_indirect_dma semaphore(%run_scoped3A : memref<!tpu.dma_semaphore, #tpu.memory_space<semaphore_mem>>) src(%arg9 : memref<125x64xf32, #tpu.memory_space<vmem>>) dst(%dma_wait3A_155 : memref<10240x64xf32, #tpu.memory_space<vmem_shared>>)
        tpu.yield
      }) : () -> ()
      %mul3A_93 = arith.constant 4 : i32
      %mul3A_94 = arith.muli %mul3A_93, %scan3A_78 : i32
      %add3A_95 = arith.constant 1 : i32
      %add3A_96 = arith.addi %mul3A_94, %add3A_95 : i32
      %dma_wait3A_97 = arith.constant 0 : i32
      %dma_wait3A_98 = tpu.memref_slice %arg7[%add3A_96, %dma_wait3A_97] : memref<80x125xi32, #tpu.memory_space<vmem>> -> memref<1x125xi32, #tpu.memory_space<vmem>>
      %dma_wait3A_99 = tpu.memref_squeeze %dma_wait3A_98 : memref<1x125xi32, #tpu.memory_space<vmem>> -> memref<125xi32, #tpu.memory_space<vmem>>
      %dma_wait3A_100 = arith.constant 0 : i32
      %dma_wait3A_101 = arith.constant 0 : i32
      %dma_wait3A_102 = tpu.memref_slice %arg2[%dma_wait3A_100, %dma_wait3A_101] : memref<10240x64xf32, #tpu.memory_space<hbm>> -> memref<10240x64xf32, #tpu.memory_space<hbm>>
      tpu.wait_indirect_dma semaphore(%arg15 : memref<!tpu.dma_semaphore, #tpu.memory_space<semaphore_mem>>) src(%dma_wait3A_102 : memref<10240x64xf32, #tpu.memory_space<hbm>>) dst(%arg10 : memref<125x64xf32, #tpu.memory_space<vmem>>)
      %add3A_103 = arith.constant 3 : i32
      %add3A_104 = arith.addi %add3A_96, %add3A_103 : i32
      %lt3A_105 = arith.constant 80 : i32
      %lt3A_106 = arith.cmpi slt, %add3A_104, %lt3A_105 : i32
      %convert_element_type3A_107 = arith.extui %lt3A_106 : i1 to i32
      %cond3A_108 = arith.constant 0 : i32
      %cond3A_109 = arith.cmpi ne, %convert_element_type3A_107, %cond3A_108 : i32
      scf.if %cond3A_109 {
        %add3A_144 = arith.constant 3 : i32
        %add3A_145 = arith.addi %add3A_96, %add3A_144 : i32
        %dma_start3A_146 = arith.constant 0 : i32
        %dma_start3A_147 = tpu.memref_slice %arg7[%add3A_145, %dma_start3A_146] : memref<80x125xi32, #tpu.memory_space<vmem>> -> memref<1x125xi32, #tpu.memory_space<vmem>>
        %dma_start3A_148 = tpu.memref_squeeze %dma_start3A_147 : memref<1x125xi32, #tpu.memory_space<vmem>> -> memref<125xi32, #tpu.memory_space<vmem>>
        %dma_start3A_149 = arith.constant 0 : i32
        %dma_start3A_150 = arith.constant 0 : i32
        %dma_start3A_151 = tpu.memref_slice %arg2[%dma_start3A_149, %dma_start3A_150] : memref<10240x64xf32, #tpu.memory_space<hbm>> -> memref<10240x64xf32, #tpu.memory_space<hbm>>
        tpu.enqueue_indirect_dma source(%dma_start3A_151 : memref<10240x64xf32, #tpu.memory_space<hbm>>) target(%arg9 : memref<125x64xf32, #tpu.memory_space<vmem>>) offsets(%dma_start3A_148 : memref<125xi32, #tpu.memory_space<vmem>>) semaphore(%arg14 : memref<!tpu.dma_semaphore, #tpu.memory_space<semaphore_mem>>)
      } else {
      }
      "tpu.region"() ({
        %run_scoped3A = tpu.sem_alloc : memref<!tpu.dma_semaphore, #tpu.memory_space<semaphore_mem>>
        %dma_start3A_144 = arith.constant 0 : i32
        %dma_start3A_145 = tpu.memref_slice %arg8[%add3A_96, %dma_start3A_144] : memref<80x125xi32, #tpu.memory_space<vmem>> -> memref<1x125xi32, #tpu.memory_space<vmem>>
        %dma_start3A_146 = tpu.memref_squeeze %dma_start3A_145 : memref<1x125xi32, #tpu.memory_space<vmem>> -> memref<125xi32, #tpu.memory_space<vmem>>
        %dma_start3A_147 = arith.constant 0 : i32
        %dma_start3A_148 = arith.constant 0 : i32
        %dma_start3A_149 = tpu.memref_slice %arg13[%dma_start3A_147, %dma_start3A_148] : memref<10240x64xf32, #tpu.memory_space<vmem_shared>> -> memref<10240x64xf32, #tpu.memory_space<vmem_shared>>
        tpu.enqueue_indirect_dma source(%arg10 : memref<125x64xf32, #tpu.memory_space<vmem>>) target(%dma_start3A_149 : memref<10240x64xf32, #tpu.memory_space<vmem_shared>>) offsets(%dma_start3A_146 : memref<125xi32, #tpu.memory_space<vmem>>) semaphore(%run_scoped3A : memref<!tpu.dma_semaphore, #tpu.memory_space<semaphore_mem>>) {add = true}
        %dma_wait3A_150 = arith.constant 0 : i32
        %dma_wait3A_151 = tpu.memref_slice %arg8[%add3A_96, %dma_wait3A_150] : memref<80x125xi32, #tpu.memory_space<vmem>> -> memref<1x125xi32, #tpu.memory_space<vmem>>
        %dma_wait3A_152 = tpu.memref_squeeze %dma_wait3A_151 : memref<1x125xi32, #tpu.memory_space<vmem>> -> memref<125xi32, #tpu.memory_space<vmem>>
        %dma_wait3A_153 = arith.constant 0 : i32
        %dma_wait3A_154 = arith.constant 0 : i32
        %dma_wait3A_155 = tpu.memref_slice %arg13[%dma_wait3A_153, %dma_wait3A_154] : memref<10240x64xf32, #tpu.memory_space<vmem_shared>> -> memref<10240x64xf32, #tpu.memory_space<vmem_shared>>
        tpu.wait_indirect_dma semaphore(%run_scoped3A : memref<!tpu.dma_semaphore, #tpu.memory_space<semaphore_mem>>) src(%arg10 : memref<125x64xf32, #tpu.memory_space<vmem>>) dst(%dma_wait3A_155 : memref<10240x64xf32, #tpu.memory_space<vmem_shared>>)
        tpu.yield
      }) : () -> ()
      %mul3A_110 = arith.constant 4 : i32
      %mul3A_111 = arith.muli %mul3A_110, %scan3A_78 : i32
      %add3A_112 = arith.constant 2 : i32
      %add3A_113 = arith.addi %mul3A_111, %add3A_112 : i32
      %dma_wait3A_114 = arith.constant 0 : i32
      %dma_wait3A_115 = tpu.memref_slice %arg7[%add3A_113, %dma_wait3A_114] : memref<80x125xi32, #tpu.memory_space<vmem>> -> memref<1x125xi32, #tpu.memory_space<vmem>>
      %dma_wait3A_116 = tpu.memref_squeeze %dma_wait3A_115 : memref<1x125xi32, #tpu.memory_space<vmem>> -> memref<125xi32, #tpu.memory_space<vmem>>
      %dma_wait3A_117 = arith.constant 0 : i32
      %dma_wait3A_118 = arith.constant 0 : i32
      %dma_wait3A_119 = tpu.memref_slice %arg2[%dma_wait3A_117, %dma_wait3A_118] : memref<10240x64xf32, #tpu.memory_space<hbm>> -> memref<10240x64xf32, #tpu.memory_space<hbm>>
      tpu.wait_indirect_dma semaphore(%arg16 : memref<!tpu.dma_semaphore, #tpu.memory_space<semaphore_mem>>) src(%dma_wait3A_119 : memref<10240x64xf32, #tpu.memory_space<hbm>>) dst(%arg11 : memref<125x64xf32, #tpu.memory_space<vmem>>)
      %add3A_120 = arith.constant 3 : i32
      %add3A_121 = arith.addi %add3A_113, %add3A_120 : i32
      %lt3A_122 = arith.constant 80 : i32
      %lt3A_123 = arith.cmpi slt, %add3A_121, %lt3A_122 : i32
      %convert_element_type3A_124 = arith.extui %lt3A_123 : i1 to i32
      %cond3A_125 = arith.constant 0 : i32
      %cond3A_126 = arith.cmpi ne, %convert_element_type3A_124, %cond3A_125 : i32
      scf.if %cond3A_126 {
        %add3A_144 = arith.constant 3 : i32
        %add3A_145 = arith.addi %add3A_113, %add3A_144 : i32
        %dma_start3A_146 = arith.constant 0 : i32
        %dma_start3A_147 = tpu.memref_slice %arg7[%add3A_145, %dma_start3A_146] : memref<80x125xi32, #tpu.memory_space<vmem>> -> memref<1x125xi32, #tpu.memory_space<vmem>>
        %dma_start3A_148 = tpu.memref_squeeze %dma_start3A_147 : memref<1x125xi32, #tpu.memory_space<vmem>> -> memref<125xi32, #tpu.memory_space<vmem>>
        %dma_start3A_149 = arith.constant 0 : i32
        %dma_start3A_150 = arith.constant 0 : i32
        %dma_start3A_151 = tpu.memref_slice %arg2[%dma_start3A_149, %dma_start3A_150] : memref<10240x64xf32, #tpu.memory_space<hbm>> -> memref<10240x64xf32, #tpu.memory_space<hbm>>
        tpu.enqueue_indirect_dma source(%dma_start3A_151 : memref<10240x64xf32, #tpu.memory_space<hbm>>) target(%arg10 : memref<125x64xf32, #tpu.memory_space<vmem>>) offsets(%dma_start3A_148 : memref<125xi32, #tpu.memory_space<vmem>>) semaphore(%arg15 : memref<!tpu.dma_semaphore, #tpu.memory_space<semaphore_mem>>)
      } else {
      }
      "tpu.region"() ({
        %run_scoped3A = tpu.sem_alloc : memref<!tpu.dma_semaphore, #tpu.memory_space<semaphore_mem>>
        %dma_start3A_144 = arith.constant 0 : i32
        %dma_start3A_145 = tpu.memref_slice %arg8[%add3A_113, %dma_start3A_144] : memref<80x125xi32, #tpu.memory_space<vmem>> -> memref<1x125xi32, #tpu.memory_space<vmem>>
        %dma_start3A_146 = tpu.memref_squeeze %dma_start3A_145 : memref<1x125xi32, #tpu.memory_space<vmem>> -> memref<125xi32, #tpu.memory_space<vmem>>
        %dma_start3A_147 = arith.constant 0 : i32
        %dma_start3A_148 = arith.constant 0 : i32
        %dma_start3A_149 = tpu.memref_slice %arg13[%dma_start3A_147, %dma_start3A_148] : memref<10240x64xf32, #tpu.memory_space<vmem_shared>> -> memref<10240x64xf32, #tpu.memory_space<vmem_shared>>
        tpu.enqueue_indirect_dma source(%arg11 : memref<125x64xf32, #tpu.memory_space<vmem>>) target(%dma_start3A_149 : memref<10240x64xf32, #tpu.memory_space<vmem_shared>>) offsets(%dma_start3A_146 : memref<125xi32, #tpu.memory_space<vmem>>) semaphore(%run_scoped3A : memref<!tpu.dma_semaphore, #tpu.memory_space<semaphore_mem>>) {add = true}
        %dma_wait3A_150 = arith.constant 0 : i32
        %dma_wait3A_151 = tpu.memref_slice %arg8[%add3A_113, %dma_wait3A_150] : memref<80x125xi32, #tpu.memory_space<vmem>> -> memref<1x125xi32, #tpu.memory_space<vmem>>
        %dma_wait3A_152 = tpu.memref_squeeze %dma_wait3A_151 : memref<1x125xi32, #tpu.memory_space<vmem>> -> memref<125xi32, #tpu.memory_space<vmem>>
        %dma_wait3A_153 = arith.constant 0 : i32
        %dma_wait3A_154 = arith.constant 0 : i32
        %dma_wait3A_155 = tpu.memref_slice %arg13[%dma_wait3A_153, %dma_wait3A_154] : memref<10240x64xf32, #tpu.memory_space<vmem_shared>> -> memref<10240x64xf32, #tpu.memory_space<vmem_shared>>
        tpu.wait_indirect_dma semaphore(%run_scoped3A : memref<!tpu.dma_semaphore, #tpu.memory_space<semaphore_mem>>) src(%arg11 : memref<125x64xf32, #tpu.memory_space<vmem>>) dst(%dma_wait3A_155 : memref<10240x64xf32, #tpu.memory_space<vmem_shared>>)
        tpu.yield
      }) : () -> ()
      %mul3A_127 = arith.constant 4 : i32
      %mul3A_128 = arith.muli %mul3A_127, %scan3A_78 : i32
      %add3A_129 = arith.constant 3 : i32
      %add3A_130 = arith.addi %mul3A_128, %add3A_129 : i32
      %dma_wait3A_131 = arith.constant 0 : i32
      %dma_wait3A_132 = tpu.memref_slice %arg7[%add3A_130, %dma_wait3A_131] : memref<80x125xi32, #tpu.memory_space<vmem>> -> memref<1x125xi32, #tpu.memory_space<vmem>>
      %dma_wait3A_133 = tpu.memref_squeeze %dma_wait3A_132 : memref<1x125xi32, #tpu.memory_space<vmem>> -> memref<125xi32, #tpu.memory_space<vmem>>
      %dma_wait3A_134 = arith.constant 0 : i32
      %dma_wait3A_135 = arith.constant 0 : i32
      %dma_wait3A_136 = tpu.memref_slice %arg2[%dma_wait3A_134, %dma_wait3A_135] : memref<10240x64xf32, #tpu.memory_space<hbm>> -> memref<10240x64xf32, #tpu.memory_space<hbm>>
      tpu.wait_indirect_dma semaphore(%arg17 : memref<!tpu.dma_semaphore, #tpu.memory_space<semaphore_mem>>) src(%dma_wait3A_136 : memref<10240x64xf32, #tpu.memory_space<hbm>>) dst(%arg12 : memref<125x64xf32, #tpu.memory_space<vmem>>)
      %add3A_137 = arith.constant 3 : i32
      %add3A_138 = arith.addi %add3A_130, %add3A_137 : i32
      %lt3A_139 = arith.constant 80 : i32
      %lt3A_140 = arith.cmpi slt, %add3A_138, %lt3A_139 : i32
      %convert_element_type3A_141 = arith.extui %lt3A_140 : i1 to i32
      %cond3A_142 = arith.constant 0 : i32
      %cond3A_143 = arith.cmpi ne, %convert_element_type3A_141, %cond3A_142 : i32
      scf.if %cond3A_143 {
        %add3A_144 = arith.constant 3 : i32
        %add3A_145 = arith.addi %add3A_130, %add3A_144 : i32
        %dma_start3A_146 = arith.constant 0 : i32
        %dma_start3A_147 = tpu.memref_slice %arg7[%add3A_145, %dma_start3A_146] : memref<80x125xi32, #tpu.memory_space<vmem>> -> memref<1x125xi32, #tpu.memory_space<vmem>>
        %dma_start3A_148 = tpu.memref_squeeze %dma_start3A_147 : memref<1x125xi32, #tpu.memory_space<vmem>> -> memref<125xi32, #tpu.memory_space<vmem>>
        %dma_start3A_149 = arith.constant 0 : i32
        %dma_start3A_150 = arith.constant 0 : i32
        %dma_start3A_151 = tpu.memref_slice %arg2[%dma_start3A_149, %dma_start3A_150] : memref<10240x64xf32, #tpu.memory_space<hbm>> -> memref<10240x64xf32, #tpu.memory_space<hbm>>
        tpu.enqueue_indirect_dma source(%dma_start3A_151 : memref<10240x64xf32, #tpu.memory_space<hbm>>) target(%arg11 : memref<125x64xf32, #tpu.memory_space<vmem>>) offsets(%dma_start3A_148 : memref<125xi32, #tpu.memory_space<vmem>>) semaphore(%arg16 : memref<!tpu.dma_semaphore, #tpu.memory_space<semaphore_mem>>)
      } else {
      }
      "tpu.region"() ({
        %run_scoped3A = tpu.sem_alloc : memref<!tpu.dma_semaphore, #tpu.memory_space<semaphore_mem>>
        %dma_start3A_144 = arith.constant 0 : i32
        %dma_start3A_145 = tpu.memref_slice %arg8[%add3A_130, %dma_start3A_144] : memref<80x125xi32, #tpu.memory_space<vmem>> -> memref<1x125xi32, #tpu.memory_space<vmem>>
        %dma_start3A_146 = tpu.memref_squeeze %dma_start3A_145 : memref<1x125xi32, #tpu.memory_space<vmem>> -> memref<125xi32, #tpu.memory_space<vmem>>
        %dma_start3A_147 = arith.constant 0 : i32
        %dma_start3A_148 = arith.constant 0 : i32
        %dma_start3A_149 = tpu.memref_slice %arg13[%dma_start3A_147, %dma_start3A_148] : memref<10240x64xf32, #tpu.memory_space<vmem_shared>> -> memref<10240x64xf32, #tpu.memory_space<vmem_shared>>
        tpu.enqueue_indirect_dma source(%arg12 : memref<125x64xf32, #tpu.memory_space<vmem>>) target(%dma_start3A_149 : memref<10240x64xf32, #tpu.memory_space<vmem_shared>>) offsets(%dma_start3A_146 : memref<125xi32, #tpu.memory_space<vmem>>) semaphore(%run_scoped3A : memref<!tpu.dma_semaphore, #tpu.memory_space<semaphore_mem>>) {add = true}
        %dma_wait3A_150 = arith.constant 0 : i32
        %dma_wait3A_151 = tpu.memref_slice %arg8[%add3A_130, %dma_wait3A_150] : memref<80x125xi32, #tpu.memory_space<vmem>> -> memref<1x125xi32, #tpu.memory_space<vmem>>
        %dma_wait3A_152 = tpu.memref_squeeze %dma_wait3A_151 : memref<1x125xi32, #tpu.memory_space<vmem>> -> memref<125xi32, #tpu.memory_space<vmem>>
        %dma_wait3A_153 = arith.constant 0 : i32
        %dma_wait3A_154 = arith.constant 0 : i32
        %dma_wait3A_155 = tpu.memref_slice %arg13[%dma_wait3A_153, %dma_wait3A_154] : memref<10240x64xf32, #tpu.memory_space<vmem_shared>> -> memref<10240x64xf32, #tpu.memory_space<vmem_shared>>
        tpu.wait_indirect_dma semaphore(%run_scoped3A : memref<!tpu.dma_semaphore, #tpu.memory_space<semaphore_mem>>) src(%arg12 : memref<125x64xf32, #tpu.memory_space<vmem>>) dst(%dma_wait3A_155 : memref<10240x64xf32, #tpu.memory_space<vmem_shared>>)
        tpu.yield
      }) : () -> ()
    }
    %scan3A_72 = arith.constant 20 : i32
    %barrier3A_73 = arith.constant 0 : index
    tpu.barrier barrier_id(%barrier3A_73)
    %mul3A_74 = arith.constant 640 : i32
    %mul3A_75 = arith.muli %arg1, %mul3A_74 : i32
    %mul3A_76 = arith.constant 640 : i32
    %mul3A_77 = arith.muli %arg1, %mul3A_76 : i32
    "tpu.region"() ({
      %run_scoped3A = tpu.sem_alloc : memref<!tpu.dma_semaphore, #tpu.memory_space<semaphore_mem>>
      %dma_start3A_78 = arith.constant 0 : i32
      %dma_start3A_79 = tpu.memref_slice %arg6[%arg0, %mul3A_77, %dma_start3A_78] : memref<2x10240x64xf32, #tpu.memory_space<hbm>> -> memref<1x640x64xf32, #tpu.memory_space<hbm>>
      %dma_start3A_80 = tpu.memref_squeeze %dma_start3A_79 : memref<1x640x64xf32, #tpu.memory_space<hbm>> -> memref<640x64xf32, #tpu.memory_space<hbm>>
      %dma_start3A_81 = arith.constant 0 : i32
      %dma_start3A_82 = tpu.memref_slice %arg13[%mul3A_75, %dma_start3A_81] : memref<10240x64xf32, #tpu.memory_space<vmem_shared>> -> memref<640x64xf32, #tpu.memory_space<vmem_shared>>
      tpu.enqueue_dma source(%dma_start3A_82 : memref<640x64xf32, #tpu.memory_space<vmem_shared>>) target(%dma_start3A_80 : memref<640x64xf32, #tpu.memory_space<hbm>>) target_semaphore(%run_scoped3A : memref<!tpu.dma_semaphore, #tpu.memory_space<semaphore_mem>>)
      %dma_wait3A_83 = arith.constant 0 : i32
      %dma_wait3A_84 = tpu.memref_slice %arg6[%arg0, %mul3A_77, %dma_wait3A_83] : memref<2x10240x64xf32, #tpu.memory_space<hbm>> -> memref<1x640x64xf32, #tpu.memory_space<hbm>>
      %dma_wait3A_85 = tpu.memref_squeeze %dma_wait3A_84 : memref<1x640x64xf32, #tpu.memory_space<hbm>> -> memref<640x64xf32, #tpu.memory_space<hbm>>
      %dma_wait3A_86 = arith.constant 0 : i32
      %dma_wait3A_87 = tpu.memref_slice %arg13[%mul3A_75, %dma_wait3A_86] : memref<10240x64xf32, #tpu.memory_space<vmem_shared>> -> memref<640x64xf32, #tpu.memory_space<vmem_shared>>
      tpu.wait_dma2 semaphore(%run_scoped3A : memref<!tpu.dma_semaphore, #tpu.memory_space<semaphore_mem>>) src(%dma_wait3A_87 : memref<640x64xf32, #tpu.memory_space<vmem_shared>>) dst(%dma_wait3A_85 : memref<640x64xf32, #tpu.memory_space<hbm>>)
      tpu.yield
    }) : () -> ()
    return
  }
}

#map = affine_map<(d0, d1) -> (0, 0)>
#map1 = affine_map<(d0, d1) -> (0, 0, 0)>
module attributes {stable_mosaic.version = 14 : i64} {
  func.func @edge_pass(%arg0: i32, %arg1: i32, %arg2: memref<10240x48xf32, #tpu.memory_space<hbm>>, %arg3: memref<32x80x125xi32, #tpu.memory_space<hbm>>, %arg4: memref<32x80x125xi32, #tpu.memory_space<hbm>>, %arg5: memref<10240x48xf32, #tpu.memory_space<hbm>>, %arg6: memref<2x10240x48xf32, #tpu.memory_space<hbm>>, %arg7: memref<80x125xi32, #tpu.memory_space<vmem>>, %arg8: memref<80x125xi32, #tpu.memory_space<vmem>>, %arg9: memref<125x48xf32, #tpu.memory_space<vmem>>, %arg10: memref<125x48xf32, #tpu.memory_space<vmem>>, %arg11: memref<125x48xf32, #tpu.memory_space<vmem>>, %arg12: memref<125x48xf32, #tpu.memory_space<vmem>>, %arg13: memref<10240x48xf32, #tpu.memory_space<vmem_shared>>, %arg14: memref<!tpu.dma_semaphore, #tpu.memory_space<semaphore_mem>>, %arg15: memref<!tpu.dma_semaphore, #tpu.memory_space<semaphore_mem>>, %arg16: memref<!tpu.dma_semaphore, #tpu.memory_space<semaphore_mem>>, %arg17: memref<!tpu.dma_semaphore, #tpu.memory_space<semaphore_mem>>, %arg18: memref<!tpu.dma_semaphore, #tpu.memory_space<semaphore_mem>>, %arg19: memref<!tpu.dma_semaphore, #tpu.memory_space<semaphore_mem>>, %arg20: memref<!tpu.dma_semaphore, #tpu.memory_space<semaphore_mem>>, %arg21: memref<!tpu.dma_semaphore, #tpu.memory_space<semaphore_mem>>) attributes {dimension_semantics = [#tpu.dimension_semantics<core_parallel>, #tpu.dimension_semantics<subcore_parallel>], iteration_bounds = array<i64: 2, 16>, scalar_prefetch = 0 : i64, scratch_operands = 15 : i64, tpu.core_type = #tpu.core_type<sc_vector_subcore>, window_params = [{transform_indices = #map}, {transform_indices = #map1}, {transform_indices = #map1}, {transform_indices = #map}, {transform_indices = #map1}]} {
    %mul3A = arith.constant 16 : i32
    %mul3A_0 = arith.muli %arg0, %mul3A : i32
    %add3A = arith.addi %mul3A_0, %arg1 : i32
    %mul3A_1 = arith.constant 640 : i32
    %mul3A_2 = arith.muli %arg1, %mul3A_1 : i32
    %mul3A_3 = arith.constant 640 : i32
    %mul3A_4 = arith.muli %arg1, %mul3A_3 : i32
    %dma_start3A = arith.constant 0 : i32
    %dma_start3A_5 = tpu.memref_slice %arg13[%mul3A_4, %dma_start3A] : memref<10240x48xf32, #tpu.memory_space<vmem_shared>> -> memref<640x48xf32, #tpu.memory_space<vmem_shared>>
    %dma_start3A_6 = arith.constant 0 : i32
    %dma_start3A_7 = tpu.memref_slice %arg5[%mul3A_2, %dma_start3A_6] : memref<10240x48xf32, #tpu.memory_space<hbm>> -> memref<640x48xf32, #tpu.memory_space<hbm>>
    tpu.enqueue_dma source(%dma_start3A_7 : memref<640x48xf32, #tpu.memory_space<hbm>>) target(%dma_start3A_5 : memref<640x48xf32, #tpu.memory_space<vmem_shared>>) target_semaphore(%arg18 : memref<!tpu.dma_semaphore, #tpu.memory_space<semaphore_mem>>)
    %dma_start3A_8 = arith.constant 0 : i32
    %dma_start3A_9 = arith.constant 0 : i32
    %dma_start3A_10 = tpu.memref_slice %arg3[%add3A, %dma_start3A_8, %dma_start3A_9] : memref<32x80x125xi32, #tpu.memory_space<hbm>> -> memref<1x80x125xi32, #tpu.memory_space<hbm>>
    %dma_start3A_11 = tpu.memref_squeeze %dma_start3A_10 : memref<1x80x125xi32, #tpu.memory_space<hbm>> -> memref<80x125xi32, #tpu.memory_space<hbm>>
    %dma_start3A_12 = arith.constant 0 : i32
    %dma_start3A_13 = arith.constant 0 : i32
    %dma_start3A_14 = tpu.memref_slice %arg3[%add3A, %dma_start3A_12, %dma_start3A_13] : memref<32x80x125xi32, #tpu.memory_space<hbm>> -> memref<1x80x125xi32, #tpu.memory_space<hbm>>
    %dma_start3A_15 = tpu.memref_squeeze %dma_start3A_14 : memref<1x80x125xi32, #tpu.memory_space<hbm>> -> memref<80x125xi32, #tpu.memory_space<hbm>>
    tpu.enqueue_dma source(%dma_start3A_15 : memref<80x125xi32, #tpu.memory_space<hbm>>) target(%arg7 : memref<80x125xi32, #tpu.memory_space<vmem>>) target_semaphore(%arg19 : memref<!tpu.dma_semaphore, #tpu.memory_space<semaphore_mem>>)
    %dma_start3A_16 = arith.constant 0 : i32
    %dma_start3A_17 = arith.constant 0 : i32
    %dma_start3A_18 = tpu.memref_slice %arg4[%add3A, %dma_start3A_16, %dma_start3A_17] : memref<32x80x125xi32, #tpu.memory_space<hbm>> -> memref<1x80x125xi32, #tpu.memory_space<hbm>>
    %dma_start3A_19 = tpu.memref_squeeze %dma_start3A_18 : memref<1x80x125xi32, #tpu.memory_space<hbm>> -> memref<80x125xi32, #tpu.memory_space<hbm>>
    %dma_start3A_20 = arith.constant 0 : i32
    %dma_start3A_21 = arith.constant 0 : i32
    %dma_start3A_22 = tpu.memref_slice %arg4[%add3A, %dma_start3A_20, %dma_start3A_21] : memref<32x80x125xi32, #tpu.memory_space<hbm>> -> memref<1x80x125xi32, #tpu.memory_space<hbm>>
    %dma_start3A_23 = tpu.memref_squeeze %dma_start3A_22 : memref<1x80x125xi32, #tpu.memory_space<hbm>> -> memref<80x125xi32, #tpu.memory_space<hbm>>
    tpu.enqueue_dma source(%dma_start3A_23 : memref<80x125xi32, #tpu.memory_space<hbm>>) target(%arg8 : memref<80x125xi32, #tpu.memory_space<vmem>>) target_semaphore(%arg20 : memref<!tpu.dma_semaphore, #tpu.memory_space<semaphore_mem>>)
    %mul3A_24 = arith.constant 640 : i32
    %mul3A_25 = arith.muli %arg1, %mul3A_24 : i32
    %mul3A_26 = arith.constant 640 : i32
    %mul3A_27 = arith.muli %arg1, %mul3A_26 : i32
    %dma_wait3A = arith.constant 0 : i32
    %dma_wait3A_28 = tpu.memref_slice %arg13[%mul3A_27, %dma_wait3A] : memref<10240x48xf32, #tpu.memory_space<vmem_shared>> -> memref<640x48xf32, #tpu.memory_space<vmem_shared>>
    %dma_wait3A_29 = arith.constant 0 : i32
    %dma_wait3A_30 = tpu.memref_slice %arg5[%mul3A_25, %dma_wait3A_29] : memref<10240x48xf32, #tpu.memory_space<hbm>> -> memref<640x48xf32, #tpu.memory_space<hbm>>
    tpu.wait_dma2 semaphore(%arg18 : memref<!tpu.dma_semaphore, #tpu.memory_space<semaphore_mem>>) src(%dma_wait3A_30 : memref<640x48xf32, #tpu.memory_space<hbm>>) dst(%dma_wait3A_28 : memref<640x48xf32, #tpu.memory_space<vmem_shared>>)
    %dma_wait3A_31 = arith.constant 0 : i32
    %dma_wait3A_32 = arith.constant 0 : i32
    %dma_wait3A_33 = tpu.memref_slice %arg3[%add3A, %dma_wait3A_31, %dma_wait3A_32] : memref<32x80x125xi32, #tpu.memory_space<hbm>> -> memref<1x80x125xi32, #tpu.memory_space<hbm>>
    %dma_wait3A_34 = tpu.memref_squeeze %dma_wait3A_33 : memref<1x80x125xi32, #tpu.memory_space<hbm>> -> memref<80x125xi32, #tpu.memory_space<hbm>>
    %dma_wait3A_35 = arith.constant 0 : i32
    %dma_wait3A_36 = arith.constant 0 : i32
    %dma_wait3A_37 = tpu.memref_slice %arg3[%add3A, %dma_wait3A_35, %dma_wait3A_36] : memref<32x80x125xi32, #tpu.memory_space<hbm>> -> memref<1x80x125xi32, #tpu.memory_space<hbm>>
    %dma_wait3A_38 = tpu.memref_squeeze %dma_wait3A_37 : memref<1x80x125xi32, #tpu.memory_space<hbm>> -> memref<80x125xi32, #tpu.memory_space<hbm>>
    tpu.wait_dma2 semaphore(%arg19 : memref<!tpu.dma_semaphore, #tpu.memory_space<semaphore_mem>>) src(%dma_wait3A_38 : memref<80x125xi32, #tpu.memory_space<hbm>>) dst(%arg7 : memref<80x125xi32, #tpu.memory_space<vmem>>)
    %dma_wait3A_39 = arith.constant 0 : i32
    %dma_wait3A_40 = arith.constant 0 : i32
    %dma_wait3A_41 = tpu.memref_slice %arg4[%add3A, %dma_wait3A_39, %dma_wait3A_40] : memref<32x80x125xi32, #tpu.memory_space<hbm>> -> memref<1x80x125xi32, #tpu.memory_space<hbm>>
    %dma_wait3A_42 = tpu.memref_squeeze %dma_wait3A_41 : memref<1x80x125xi32, #tpu.memory_space<hbm>> -> memref<80x125xi32, #tpu.memory_space<hbm>>
    %dma_wait3A_43 = arith.constant 0 : i32
    %dma_wait3A_44 = arith.constant 0 : i32
    %dma_wait3A_45 = tpu.memref_slice %arg4[%add3A, %dma_wait3A_43, %dma_wait3A_44] : memref<32x80x125xi32, #tpu.memory_space<hbm>> -> memref<1x80x125xi32, #tpu.memory_space<hbm>>
    %dma_wait3A_46 = tpu.memref_squeeze %dma_wait3A_45 : memref<1x80x125xi32, #tpu.memory_space<hbm>> -> memref<80x125xi32, #tpu.memory_space<hbm>>
    tpu.wait_dma2 semaphore(%arg20 : memref<!tpu.dma_semaphore, #tpu.memory_space<semaphore_mem>>) src(%dma_wait3A_46 : memref<80x125xi32, #tpu.memory_space<hbm>>) dst(%arg8 : memref<80x125xi32, #tpu.memory_space<vmem>>)
    %barrier3A = arith.constant 0 : index
    tpu.barrier barrier_id(%barrier3A)
    %dma_start3A_47 = arith.constant 0 : i32
    %dma_start3A_48 = arith.constant 0 : i32
    %dma_start3A_49 = tpu.memref_slice %arg7[%dma_start3A_47, %dma_start3A_48] : memref<80x125xi32, #tpu.memory_space<vmem>> -> memref<1x125xi32, #tpu.memory_space<vmem>>
    %dma_start3A_50 = tpu.memref_squeeze %dma_start3A_49 : memref<1x125xi32, #tpu.memory_space<vmem>> -> memref<125xi32, #tpu.memory_space<vmem>>
    %dma_start3A_51 = arith.constant 0 : i32
    %dma_start3A_52 = arith.constant 0 : i32
    %dma_start3A_53 = tpu.memref_slice %arg2[%dma_start3A_51, %dma_start3A_52] : memref<10240x48xf32, #tpu.memory_space<hbm>> -> memref<10240x48xf32, #tpu.memory_space<hbm>>
    tpu.enqueue_indirect_dma source(%dma_start3A_53 : memref<10240x48xf32, #tpu.memory_space<hbm>>) target(%arg9 : memref<125x48xf32, #tpu.memory_space<vmem>>) offsets(%dma_start3A_50 : memref<125xi32, #tpu.memory_space<vmem>>) semaphore(%arg14 : memref<!tpu.dma_semaphore, #tpu.memory_space<semaphore_mem>>)
    %dma_start3A_54 = arith.constant 1 : i32
    %dma_start3A_55 = arith.constant 0 : i32
    %dma_start3A_56 = tpu.memref_slice %arg7[%dma_start3A_54, %dma_start3A_55] : memref<80x125xi32, #tpu.memory_space<vmem>> -> memref<1x125xi32, #tpu.memory_space<vmem>>
    %dma_start3A_57 = tpu.memref_squeeze %dma_start3A_56 : memref<1x125xi32, #tpu.memory_space<vmem>> -> memref<125xi32, #tpu.memory_space<vmem>>
    %dma_start3A_58 = arith.constant 0 : i32
    %dma_start3A_59 = arith.constant 0 : i32
    %dma_start3A_60 = tpu.memref_slice %arg2[%dma_start3A_58, %dma_start3A_59] : memref<10240x48xf32, #tpu.memory_space<hbm>> -> memref<10240x48xf32, #tpu.memory_space<hbm>>
    tpu.enqueue_indirect_dma source(%dma_start3A_60 : memref<10240x48xf32, #tpu.memory_space<hbm>>) target(%arg10 : memref<125x48xf32, #tpu.memory_space<vmem>>) offsets(%dma_start3A_57 : memref<125xi32, #tpu.memory_space<vmem>>) semaphore(%arg15 : memref<!tpu.dma_semaphore, #tpu.memory_space<semaphore_mem>>)
    %dma_start3A_61 = arith.constant 2 : i32
    %dma_start3A_62 = arith.constant 0 : i32
    %dma_start3A_63 = tpu.memref_slice %arg7[%dma_start3A_61, %dma_start3A_62] : memref<80x125xi32, #tpu.memory_space<vmem>> -> memref<1x125xi32, #tpu.memory_space<vmem>>
    %dma_start3A_64 = tpu.memref_squeeze %dma_start3A_63 : memref<1x125xi32, #tpu.memory_space<vmem>> -> memref<125xi32, #tpu.memory_space<vmem>>
    %dma_start3A_65 = arith.constant 0 : i32
    %dma_start3A_66 = arith.constant 0 : i32
    %dma_start3A_67 = tpu.memref_slice %arg2[%dma_start3A_65, %dma_start3A_66] : memref<10240x48xf32, #tpu.memory_space<hbm>> -> memref<10240x48xf32, #tpu.memory_space<hbm>>
    tpu.enqueue_indirect_dma source(%dma_start3A_67 : memref<10240x48xf32, #tpu.memory_space<hbm>>) target(%arg11 : memref<125x48xf32, #tpu.memory_space<vmem>>) offsets(%dma_start3A_64 : memref<125xi32, #tpu.memory_space<vmem>>) semaphore(%arg16 : memref<!tpu.dma_semaphore, #tpu.memory_space<semaphore_mem>>)
    %scan3A = arith.constant 0 : i32
    %scan3A_68 = arith.constant 0 : i32
    %scan3A_69 = arith.constant 20 : i32
    %scan3A_70 = arith.addi %scan3A_68, %scan3A_69 : i32
    %scan3A_71 = arith.constant 1 : i32
    scf.for %scan3A_78 = %scan3A_68 to %scan3A_70 step %scan3A_71  : i32 {
      %mul3A_79 = arith.constant 4 : i32
      %mul3A_80 = arith.muli %mul3A_79, %scan3A_78 : i32
      %add3A_81 = arith.constant 0 : i32
      %add3A_82 = arith.addi %mul3A_80, %add3A_81 : i32
      %dma_wait3A_83 = arith.constant 0 : i32
      %dma_wait3A_84 = tpu.memref_slice %arg7[%add3A_82, %dma_wait3A_83] : memref<80x125xi32, #tpu.memory_space<vmem>> -> memref<1x125xi32, #tpu.memory_space<vmem>>
      %dma_wait3A_85 = tpu.memref_squeeze %dma_wait3A_84 : memref<1x125xi32, #tpu.memory_space<vmem>> -> memref<125xi32, #tpu.memory_space<vmem>>
      %dma_wait3A_86 = arith.constant 0 : i32
      %dma_wait3A_87 = arith.constant 0 : i32
      %dma_wait3A_88 = tpu.memref_slice %arg2[%dma_wait3A_86, %dma_wait3A_87] : memref<10240x48xf32, #tpu.memory_space<hbm>> -> memref<10240x48xf32, #tpu.memory_space<hbm>>
      tpu.wait_indirect_dma semaphore(%arg14 : memref<!tpu.dma_semaphore, #tpu.memory_space<semaphore_mem>>) src(%dma_wait3A_88 : memref<10240x48xf32, #tpu.memory_space<hbm>>) dst(%arg9 : memref<125x48xf32, #tpu.memory_space<vmem>>)
      %add3A_89 = arith.constant 3 : i32
      %add3A_90 = arith.addi %add3A_82, %add3A_89 : i32
      %lt3A = arith.constant 80 : i32
      %lt3A_91 = arith.cmpi slt, %add3A_90, %lt3A : i32
      %convert_element_type3A = arith.extui %lt3A_91 : i1 to i32
      %cond3A = arith.constant 0 : i32
      %cond3A_92 = arith.cmpi ne, %convert_element_type3A, %cond3A : i32
      scf.if %cond3A_92 {
        %add3A_144 = arith.constant 3 : i32
        %add3A_145 = arith.addi %add3A_82, %add3A_144 : i32
        %dma_start3A_146 = arith.constant 0 : i32
        %dma_start3A_147 = tpu.memref_slice %arg7[%add3A_145, %dma_start3A_146] : memref<80x125xi32, #tpu.memory_space<vmem>> -> memref<1x125xi32, #tpu.memory_space<vmem>>
        %dma_start3A_148 = tpu.memref_squeeze %dma_start3A_147 : memref<1x125xi32, #tpu.memory_space<vmem>> -> memref<125xi32, #tpu.memory_space<vmem>>
        %dma_start3A_149 = arith.constant 0 : i32
        %dma_start3A_150 = arith.constant 0 : i32
        %dma_start3A_151 = tpu.memref_slice %arg2[%dma_start3A_149, %dma_start3A_150] : memref<10240x48xf32, #tpu.memory_space<hbm>> -> memref<10240x48xf32, #tpu.memory_space<hbm>>
        tpu.enqueue_indirect_dma source(%dma_start3A_151 : memref<10240x48xf32, #tpu.memory_space<hbm>>) target(%arg12 : memref<125x48xf32, #tpu.memory_space<vmem>>) offsets(%dma_start3A_148 : memref<125xi32, #tpu.memory_space<vmem>>) semaphore(%arg17 : memref<!tpu.dma_semaphore, #tpu.memory_space<semaphore_mem>>)
      } else {
      }
      "tpu.region"() ({
        %run_scoped3A = tpu.sem_alloc : memref<!tpu.dma_semaphore, #tpu.memory_space<semaphore_mem>>
        %dma_start3A_144 = arith.constant 0 : i32
        %dma_start3A_145 = tpu.memref_slice %arg8[%add3A_82, %dma_start3A_144] : memref<80x125xi32, #tpu.memory_space<vmem>> -> memref<1x125xi32, #tpu.memory_space<vmem>>
        %dma_start3A_146 = tpu.memref_squeeze %dma_start3A_145 : memref<1x125xi32, #tpu.memory_space<vmem>> -> memref<125xi32, #tpu.memory_space<vmem>>
        %dma_start3A_147 = arith.constant 0 : i32
        %dma_start3A_148 = arith.constant 0 : i32
        %dma_start3A_149 = tpu.memref_slice %arg13[%dma_start3A_147, %dma_start3A_148] : memref<10240x48xf32, #tpu.memory_space<vmem_shared>> -> memref<10240x48xf32, #tpu.memory_space<vmem_shared>>
        tpu.enqueue_indirect_dma source(%arg9 : memref<125x48xf32, #tpu.memory_space<vmem>>) target(%dma_start3A_149 : memref<10240x48xf32, #tpu.memory_space<vmem_shared>>) offsets(%dma_start3A_146 : memref<125xi32, #tpu.memory_space<vmem>>) semaphore(%run_scoped3A : memref<!tpu.dma_semaphore, #tpu.memory_space<semaphore_mem>>) {add = true}
        %dma_wait3A_150 = arith.constant 0 : i32
        %dma_wait3A_151 = tpu.memref_slice %arg8[%add3A_82, %dma_wait3A_150] : memref<80x125xi32, #tpu.memory_space<vmem>> -> memref<1x125xi32, #tpu.memory_space<vmem>>
        %dma_wait3A_152 = tpu.memref_squeeze %dma_wait3A_151 : memref<1x125xi32, #tpu.memory_space<vmem>> -> memref<125xi32, #tpu.memory_space<vmem>>
        %dma_wait3A_153 = arith.constant 0 : i32
        %dma_wait3A_154 = arith.constant 0 : i32
        %dma_wait3A_155 = tpu.memref_slice %arg13[%dma_wait3A_153, %dma_wait3A_154] : memref<10240x48xf32, #tpu.memory_space<vmem_shared>> -> memref<10240x48xf32, #tpu.memory_space<vmem_shared>>
        tpu.wait_indirect_dma semaphore(%run_scoped3A : memref<!tpu.dma_semaphore, #tpu.memory_space<semaphore_mem>>) src(%arg9 : memref<125x48xf32, #tpu.memory_space<vmem>>) dst(%dma_wait3A_155 : memref<10240x48xf32, #tpu.memory_space<vmem_shared>>)
        tpu.yield
      }) : () -> ()
      %mul3A_93 = arith.constant 4 : i32
      %mul3A_94 = arith.muli %mul3A_93, %scan3A_78 : i32
      %add3A_95 = arith.constant 1 : i32
      %add3A_96 = arith.addi %mul3A_94, %add3A_95 : i32
      %dma_wait3A_97 = arith.constant 0 : i32
      %dma_wait3A_98 = tpu.memref_slice %arg7[%add3A_96, %dma_wait3A_97] : memref<80x125xi32, #tpu.memory_space<vmem>> -> memref<1x125xi32, #tpu.memory_space<vmem>>
      %dma_wait3A_99 = tpu.memref_squeeze %dma_wait3A_98 : memref<1x125xi32, #tpu.memory_space<vmem>> -> memref<125xi32, #tpu.memory_space<vmem>>
      %dma_wait3A_100 = arith.constant 0 : i32
      %dma_wait3A_101 = arith.constant 0 : i32
      %dma_wait3A_102 = tpu.memref_slice %arg2[%dma_wait3A_100, %dma_wait3A_101] : memref<10240x48xf32, #tpu.memory_space<hbm>> -> memref<10240x48xf32, #tpu.memory_space<hbm>>
      tpu.wait_indirect_dma semaphore(%arg15 : memref<!tpu.dma_semaphore, #tpu.memory_space<semaphore_mem>>) src(%dma_wait3A_102 : memref<10240x48xf32, #tpu.memory_space<hbm>>) dst(%arg10 : memref<125x48xf32, #tpu.memory_space<vmem>>)
      %add3A_103 = arith.constant 3 : i32
      %add3A_104 = arith.addi %add3A_96, %add3A_103 : i32
      %lt3A_105 = arith.constant 80 : i32
      %lt3A_106 = arith.cmpi slt, %add3A_104, %lt3A_105 : i32
      %convert_element_type3A_107 = arith.extui %lt3A_106 : i1 to i32
      %cond3A_108 = arith.constant 0 : i32
      %cond3A_109 = arith.cmpi ne, %convert_element_type3A_107, %cond3A_108 : i32
      scf.if %cond3A_109 {
        %add3A_144 = arith.constant 3 : i32
        %add3A_145 = arith.addi %add3A_96, %add3A_144 : i32
        %dma_start3A_146 = arith.constant 0 : i32
        %dma_start3A_147 = tpu.memref_slice %arg7[%add3A_145, %dma_start3A_146] : memref<80x125xi32, #tpu.memory_space<vmem>> -> memref<1x125xi32, #tpu.memory_space<vmem>>
        %dma_start3A_148 = tpu.memref_squeeze %dma_start3A_147 : memref<1x125xi32, #tpu.memory_space<vmem>> -> memref<125xi32, #tpu.memory_space<vmem>>
        %dma_start3A_149 = arith.constant 0 : i32
        %dma_start3A_150 = arith.constant 0 : i32
        %dma_start3A_151 = tpu.memref_slice %arg2[%dma_start3A_149, %dma_start3A_150] : memref<10240x48xf32, #tpu.memory_space<hbm>> -> memref<10240x48xf32, #tpu.memory_space<hbm>>
        tpu.enqueue_indirect_dma source(%dma_start3A_151 : memref<10240x48xf32, #tpu.memory_space<hbm>>) target(%arg9 : memref<125x48xf32, #tpu.memory_space<vmem>>) offsets(%dma_start3A_148 : memref<125xi32, #tpu.memory_space<vmem>>) semaphore(%arg14 : memref<!tpu.dma_semaphore, #tpu.memory_space<semaphore_mem>>)
      } else {
      }
      "tpu.region"() ({
        %run_scoped3A = tpu.sem_alloc : memref<!tpu.dma_semaphore, #tpu.memory_space<semaphore_mem>>
        %dma_start3A_144 = arith.constant 0 : i32
        %dma_start3A_145 = tpu.memref_slice %arg8[%add3A_96, %dma_start3A_144] : memref<80x125xi32, #tpu.memory_space<vmem>> -> memref<1x125xi32, #tpu.memory_space<vmem>>
        %dma_start3A_146 = tpu.memref_squeeze %dma_start3A_145 : memref<1x125xi32, #tpu.memory_space<vmem>> -> memref<125xi32, #tpu.memory_space<vmem>>
        %dma_start3A_147 = arith.constant 0 : i32
        %dma_start3A_148 = arith.constant 0 : i32
        %dma_start3A_149 = tpu.memref_slice %arg13[%dma_start3A_147, %dma_start3A_148] : memref<10240x48xf32, #tpu.memory_space<vmem_shared>> -> memref<10240x48xf32, #tpu.memory_space<vmem_shared>>
        tpu.enqueue_indirect_dma source(%arg10 : memref<125x48xf32, #tpu.memory_space<vmem>>) target(%dma_start3A_149 : memref<10240x48xf32, #tpu.memory_space<vmem_shared>>) offsets(%dma_start3A_146 : memref<125xi32, #tpu.memory_space<vmem>>) semaphore(%run_scoped3A : memref<!tpu.dma_semaphore, #tpu.memory_space<semaphore_mem>>) {add = true}
        %dma_wait3A_150 = arith.constant 0 : i32
        %dma_wait3A_151 = tpu.memref_slice %arg8[%add3A_96, %dma_wait3A_150] : memref<80x125xi32, #tpu.memory_space<vmem>> -> memref<1x125xi32, #tpu.memory_space<vmem>>
        %dma_wait3A_152 = tpu.memref_squeeze %dma_wait3A_151 : memref<1x125xi32, #tpu.memory_space<vmem>> -> memref<125xi32, #tpu.memory_space<vmem>>
        %dma_wait3A_153 = arith.constant 0 : i32
        %dma_wait3A_154 = arith.constant 0 : i32
        %dma_wait3A_155 = tpu.memref_slice %arg13[%dma_wait3A_153, %dma_wait3A_154] : memref<10240x48xf32, #tpu.memory_space<vmem_shared>> -> memref<10240x48xf32, #tpu.memory_space<vmem_shared>>
        tpu.wait_indirect_dma semaphore(%run_scoped3A : memref<!tpu.dma_semaphore, #tpu.memory_space<semaphore_mem>>) src(%arg10 : memref<125x48xf32, #tpu.memory_space<vmem>>) dst(%dma_wait3A_155 : memref<10240x48xf32, #tpu.memory_space<vmem_shared>>)
        tpu.yield
      }) : () -> ()
      %mul3A_110 = arith.constant 4 : i32
      %mul3A_111 = arith.muli %mul3A_110, %scan3A_78 : i32
      %add3A_112 = arith.constant 2 : i32
      %add3A_113 = arith.addi %mul3A_111, %add3A_112 : i32
      %dma_wait3A_114 = arith.constant 0 : i32
      %dma_wait3A_115 = tpu.memref_slice %arg7[%add3A_113, %dma_wait3A_114] : memref<80x125xi32, #tpu.memory_space<vmem>> -> memref<1x125xi32, #tpu.memory_space<vmem>>
      %dma_wait3A_116 = tpu.memref_squeeze %dma_wait3A_115 : memref<1x125xi32, #tpu.memory_space<vmem>> -> memref<125xi32, #tpu.memory_space<vmem>>
      %dma_wait3A_117 = arith.constant 0 : i32
      %dma_wait3A_118 = arith.constant 0 : i32
      %dma_wait3A_119 = tpu.memref_slice %arg2[%dma_wait3A_117, %dma_wait3A_118] : memref<10240x48xf32, #tpu.memory_space<hbm>> -> memref<10240x48xf32, #tpu.memory_space<hbm>>
      tpu.wait_indirect_dma semaphore(%arg16 : memref<!tpu.dma_semaphore, #tpu.memory_space<semaphore_mem>>) src(%dma_wait3A_119 : memref<10240x48xf32, #tpu.memory_space<hbm>>) dst(%arg11 : memref<125x48xf32, #tpu.memory_space<vmem>>)
      %add3A_120 = arith.constant 3 : i32
      %add3A_121 = arith.addi %add3A_113, %add3A_120 : i32
      %lt3A_122 = arith.constant 80 : i32
      %lt3A_123 = arith.cmpi slt, %add3A_121, %lt3A_122 : i32
      %convert_element_type3A_124 = arith.extui %lt3A_123 : i1 to i32
      %cond3A_125 = arith.constant 0 : i32
      %cond3A_126 = arith.cmpi ne, %convert_element_type3A_124, %cond3A_125 : i32
      scf.if %cond3A_126 {
        %add3A_144 = arith.constant 3 : i32
        %add3A_145 = arith.addi %add3A_113, %add3A_144 : i32
        %dma_start3A_146 = arith.constant 0 : i32
        %dma_start3A_147 = tpu.memref_slice %arg7[%add3A_145, %dma_start3A_146] : memref<80x125xi32, #tpu.memory_space<vmem>> -> memref<1x125xi32, #tpu.memory_space<vmem>>
        %dma_start3A_148 = tpu.memref_squeeze %dma_start3A_147 : memref<1x125xi32, #tpu.memory_space<vmem>> -> memref<125xi32, #tpu.memory_space<vmem>>
        %dma_start3A_149 = arith.constant 0 : i32
        %dma_start3A_150 = arith.constant 0 : i32
        %dma_start3A_151 = tpu.memref_slice %arg2[%dma_start3A_149, %dma_start3A_150] : memref<10240x48xf32, #tpu.memory_space<hbm>> -> memref<10240x48xf32, #tpu.memory_space<hbm>>
        tpu.enqueue_indirect_dma source(%dma_start3A_151 : memref<10240x48xf32, #tpu.memory_space<hbm>>) target(%arg10 : memref<125x48xf32, #tpu.memory_space<vmem>>) offsets(%dma_start3A_148 : memref<125xi32, #tpu.memory_space<vmem>>) semaphore(%arg15 : memref<!tpu.dma_semaphore, #tpu.memory_space<semaphore_mem>>)
      } else {
      }
      "tpu.region"() ({
        %run_scoped3A = tpu.sem_alloc : memref<!tpu.dma_semaphore, #tpu.memory_space<semaphore_mem>>
        %dma_start3A_144 = arith.constant 0 : i32
        %dma_start3A_145 = tpu.memref_slice %arg8[%add3A_113, %dma_start3A_144] : memref<80x125xi32, #tpu.memory_space<vmem>> -> memref<1x125xi32, #tpu.memory_space<vmem>>
        %dma_start3A_146 = tpu.memref_squeeze %dma_start3A_145 : memref<1x125xi32, #tpu.memory_space<vmem>> -> memref<125xi32, #tpu.memory_space<vmem>>
        %dma_start3A_147 = arith.constant 0 : i32
        %dma_start3A_148 = arith.constant 0 : i32
        %dma_start3A_149 = tpu.memref_slice %arg13[%dma_start3A_147, %dma_start3A_148] : memref<10240x48xf32, #tpu.memory_space<vmem_shared>> -> memref<10240x48xf32, #tpu.memory_space<vmem_shared>>
        tpu.enqueue_indirect_dma source(%arg11 : memref<125x48xf32, #tpu.memory_space<vmem>>) target(%dma_start3A_149 : memref<10240x48xf32, #tpu.memory_space<vmem_shared>>) offsets(%dma_start3A_146 : memref<125xi32, #tpu.memory_space<vmem>>) semaphore(%run_scoped3A : memref<!tpu.dma_semaphore, #tpu.memory_space<semaphore_mem>>) {add = true}
        %dma_wait3A_150 = arith.constant 0 : i32
        %dma_wait3A_151 = tpu.memref_slice %arg8[%add3A_113, %dma_wait3A_150] : memref<80x125xi32, #tpu.memory_space<vmem>> -> memref<1x125xi32, #tpu.memory_space<vmem>>
        %dma_wait3A_152 = tpu.memref_squeeze %dma_wait3A_151 : memref<1x125xi32, #tpu.memory_space<vmem>> -> memref<125xi32, #tpu.memory_space<vmem>>
        %dma_wait3A_153 = arith.constant 0 : i32
        %dma_wait3A_154 = arith.constant 0 : i32
        %dma_wait3A_155 = tpu.memref_slice %arg13[%dma_wait3A_153, %dma_wait3A_154] : memref<10240x48xf32, #tpu.memory_space<vmem_shared>> -> memref<10240x48xf32, #tpu.memory_space<vmem_shared>>
        tpu.wait_indirect_dma semaphore(%run_scoped3A : memref<!tpu.dma_semaphore, #tpu.memory_space<semaphore_mem>>) src(%arg11 : memref<125x48xf32, #tpu.memory_space<vmem>>) dst(%dma_wait3A_155 : memref<10240x48xf32, #tpu.memory_space<vmem_shared>>)
        tpu.yield
      }) : () -> ()
      %mul3A_127 = arith.constant 4 : i32
      %mul3A_128 = arith.muli %mul3A_127, %scan3A_78 : i32
      %add3A_129 = arith.constant 3 : i32
      %add3A_130 = arith.addi %mul3A_128, %add3A_129 : i32
      %dma_wait3A_131 = arith.constant 0 : i32
      %dma_wait3A_132 = tpu.memref_slice %arg7[%add3A_130, %dma_wait3A_131] : memref<80x125xi32, #tpu.memory_space<vmem>> -> memref<1x125xi32, #tpu.memory_space<vmem>>
      %dma_wait3A_133 = tpu.memref_squeeze %dma_wait3A_132 : memref<1x125xi32, #tpu.memory_space<vmem>> -> memref<125xi32, #tpu.memory_space<vmem>>
      %dma_wait3A_134 = arith.constant 0 : i32
      %dma_wait3A_135 = arith.constant 0 : i32
      %dma_wait3A_136 = tpu.memref_slice %arg2[%dma_wait3A_134, %dma_wait3A_135] : memref<10240x48xf32, #tpu.memory_space<hbm>> -> memref<10240x48xf32, #tpu.memory_space<hbm>>
      tpu.wait_indirect_dma semaphore(%arg17 : memref<!tpu.dma_semaphore, #tpu.memory_space<semaphore_mem>>) src(%dma_wait3A_136 : memref<10240x48xf32, #tpu.memory_space<hbm>>) dst(%arg12 : memref<125x48xf32, #tpu.memory_space<vmem>>)
      %add3A_137 = arith.constant 3 : i32
      %add3A_138 = arith.addi %add3A_130, %add3A_137 : i32
      %lt3A_139 = arith.constant 80 : i32
      %lt3A_140 = arith.cmpi slt, %add3A_138, %lt3A_139 : i32
      %convert_element_type3A_141 = arith.extui %lt3A_140 : i1 to i32
      %cond3A_142 = arith.constant 0 : i32
      %cond3A_143 = arith.cmpi ne, %convert_element_type3A_141, %cond3A_142 : i32
      scf.if %cond3A_143 {
        %add3A_144 = arith.constant 3 : i32
        %add3A_145 = arith.addi %add3A_130, %add3A_144 : i32
        %dma_start3A_146 = arith.constant 0 : i32
        %dma_start3A_147 = tpu.memref_slice %arg7[%add3A_145, %dma_start3A_146] : memref<80x125xi32, #tpu.memory_space<vmem>> -> memref<1x125xi32, #tpu.memory_space<vmem>>
        %dma_start3A_148 = tpu.memref_squeeze %dma_start3A_147 : memref<1x125xi32, #tpu.memory_space<vmem>> -> memref<125xi32, #tpu.memory_space<vmem>>
        %dma_start3A_149 = arith.constant 0 : i32
        %dma_start3A_150 = arith.constant 0 : i32
        %dma_start3A_151 = tpu.memref_slice %arg2[%dma_start3A_149, %dma_start3A_150] : memref<10240x48xf32, #tpu.memory_space<hbm>> -> memref<10240x48xf32, #tpu.memory_space<hbm>>
        tpu.enqueue_indirect_dma source(%dma_start3A_151 : memref<10240x48xf32, #tpu.memory_space<hbm>>) target(%arg11 : memref<125x48xf32, #tpu.memory_space<vmem>>) offsets(%dma_start3A_148 : memref<125xi32, #tpu.memory_space<vmem>>) semaphore(%arg16 : memref<!tpu.dma_semaphore, #tpu.memory_space<semaphore_mem>>)
      } else {
      }
      "tpu.region"() ({
        %run_scoped3A = tpu.sem_alloc : memref<!tpu.dma_semaphore, #tpu.memory_space<semaphore_mem>>
        %dma_start3A_144 = arith.constant 0 : i32
        %dma_start3A_145 = tpu.memref_slice %arg8[%add3A_130, %dma_start3A_144] : memref<80x125xi32, #tpu.memory_space<vmem>> -> memref<1x125xi32, #tpu.memory_space<vmem>>
        %dma_start3A_146 = tpu.memref_squeeze %dma_start3A_145 : memref<1x125xi32, #tpu.memory_space<vmem>> -> memref<125xi32, #tpu.memory_space<vmem>>
        %dma_start3A_147 = arith.constant 0 : i32
        %dma_start3A_148 = arith.constant 0 : i32
        %dma_start3A_149 = tpu.memref_slice %arg13[%dma_start3A_147, %dma_start3A_148] : memref<10240x48xf32, #tpu.memory_space<vmem_shared>> -> memref<10240x48xf32, #tpu.memory_space<vmem_shared>>
        tpu.enqueue_indirect_dma source(%arg12 : memref<125x48xf32, #tpu.memory_space<vmem>>) target(%dma_start3A_149 : memref<10240x48xf32, #tpu.memory_space<vmem_shared>>) offsets(%dma_start3A_146 : memref<125xi32, #tpu.memory_space<vmem>>) semaphore(%run_scoped3A : memref<!tpu.dma_semaphore, #tpu.memory_space<semaphore_mem>>) {add = true}
        %dma_wait3A_150 = arith.constant 0 : i32
        %dma_wait3A_151 = tpu.memref_slice %arg8[%add3A_130, %dma_wait3A_150] : memref<80x125xi32, #tpu.memory_space<vmem>> -> memref<1x125xi32, #tpu.memory_space<vmem>>
        %dma_wait3A_152 = tpu.memref_squeeze %dma_wait3A_151 : memref<1x125xi32, #tpu.memory_space<vmem>> -> memref<125xi32, #tpu.memory_space<vmem>>
        %dma_wait3A_153 = arith.constant 0 : i32
        %dma_wait3A_154 = arith.constant 0 : i32
        %dma_wait3A_155 = tpu.memref_slice %arg13[%dma_wait3A_153, %dma_wait3A_154] : memref<10240x48xf32, #tpu.memory_space<vmem_shared>> -> memref<10240x48xf32, #tpu.memory_space<vmem_shared>>
        tpu.wait_indirect_dma semaphore(%run_scoped3A : memref<!tpu.dma_semaphore, #tpu.memory_space<semaphore_mem>>) src(%arg12 : memref<125x48xf32, #tpu.memory_space<vmem>>) dst(%dma_wait3A_155 : memref<10240x48xf32, #tpu.memory_space<vmem_shared>>)
        tpu.yield
      }) : () -> ()
    }
    %scan3A_72 = arith.constant 20 : i32
    %barrier3A_73 = arith.constant 0 : index
    tpu.barrier barrier_id(%barrier3A_73)
    %mul3A_74 = arith.constant 640 : i32
    %mul3A_75 = arith.muli %arg1, %mul3A_74 : i32
    %mul3A_76 = arith.constant 640 : i32
    %mul3A_77 = arith.muli %arg1, %mul3A_76 : i32
    "tpu.region"() ({
      %run_scoped3A = tpu.sem_alloc : memref<!tpu.dma_semaphore, #tpu.memory_space<semaphore_mem>>
      %dma_start3A_78 = arith.constant 0 : i32
      %dma_start3A_79 = tpu.memref_slice %arg6[%arg0, %mul3A_77, %dma_start3A_78] : memref<2x10240x48xf32, #tpu.memory_space<hbm>> -> memref<1x640x48xf32, #tpu.memory_space<hbm>>
      %dma_start3A_80 = tpu.memref_squeeze %dma_start3A_79 : memref<1x640x48xf32, #tpu.memory_space<hbm>> -> memref<640x48xf32, #tpu.memory_space<hbm>>
      %dma_start3A_81 = arith.constant 0 : i32
      %dma_start3A_82 = tpu.memref_slice %arg13[%mul3A_75, %dma_start3A_81] : memref<10240x48xf32, #tpu.memory_space<vmem_shared>> -> memref<640x48xf32, #tpu.memory_space<vmem_shared>>
      tpu.enqueue_dma source(%dma_start3A_82 : memref<640x48xf32, #tpu.memory_space<vmem_shared>>) target(%dma_start3A_80 : memref<640x48xf32, #tpu.memory_space<hbm>>) target_semaphore(%run_scoped3A : memref<!tpu.dma_semaphore, #tpu.memory_space<semaphore_mem>>)
      %dma_wait3A_83 = arith.constant 0 : i32
      %dma_wait3A_84 = tpu.memref_slice %arg6[%arg0, %mul3A_77, %dma_wait3A_83] : memref<2x10240x48xf32, #tpu.memory_space<hbm>> -> memref<1x640x48xf32, #tpu.memory_space<hbm>>
      %dma_wait3A_85 = tpu.memref_squeeze %dma_wait3A_84 : memref<1x640x48xf32, #tpu.memory_space<hbm>> -> memref<640x48xf32, #tpu.memory_space<hbm>>
      %dma_wait3A_86 = arith.constant 0 : i32
      %dma_wait3A_87 = tpu.memref_slice %arg13[%mul3A_75, %dma_wait3A_86] : memref<10240x48xf32, #tpu.memory_space<vmem_shared>> -> memref<640x48xf32, #tpu.memory_space<vmem_shared>>
      tpu.wait_dma2 semaphore(%run_scoped3A : memref<!tpu.dma_semaphore, #tpu.memory_space<semaphore_mem>>) src(%dma_wait3A_87 : memref<640x48xf32, #tpu.memory_space<vmem_shared>>) dst(%dma_wait3A_85 : memref<640x48xf32, #tpu.memory_space<hbm>>)
      tpu.yield
    }) : () -> ()
    return
  }
}

module attributes {stable_mosaic.version = 14 : i64} {
  func.func @_mm0_body(%arg0: i32, %arg1: memref<2560x128xf32, #tpu.memory_space<vmem>>, %arg2: memref<128x32xf32, #tpu.memory_space<vmem>>, %arg3: memref<2560x32xf32, #tpu.memory_space<vmem>>) attributes {dimension_semantics = [#tpu.dimension_semantics<arbitrary>], iteration_bounds = array<i64: 4>, scalar_prefetch = 0 : i64, scratch_operands = 0 : i64, tpu.core_type = #tpu.core_type<tc>, window_params = [{transform_indices = @transform_0, window_bounds = array<i64: 2560, 128>}, {pipeline_mode = #tpu.pipeline_mode<synchronous>, transform_indices = @transform_1, window_bounds = array<i64: 128, 32>}, {transform_indices = @transform_2, window_bounds = array<i64: 2560, 32>}]} {
    %get3A = arith.constant 0 : index
    %get3A_0 = arith.constant 0 : index
    %get3A_1 = vector.load %arg1[%get3A, %get3A_0] : memref<2560x128xf32, #tpu.memory_space<vmem>>, vector<2560x128xf32>
    %get3A_2 = arith.constant 0 : index
    %get3A_3 = arith.constant 0 : index
    %get3A_4 = vector.load %arg2[%get3A_2, %get3A_3] : memref<128x32xf32, #tpu.memory_space<vmem>>, vector<128x32xf32>
    %dot_general3A = arith.constant dense<0.000000e+00> : vector<2560x32xf32>
    %dot_general3A_5 = tpu.matmul %get3A_1, %get3A_4, %dot_general3A {dimension_numbers = #tpu.dot_dimension_numbers<[1], [0], [0], [1], [0, 0, 1, 1], [], []>, precision = #tpu.contract_precision<fp32>, transpose_lhs_hint = false} : vector<2560x128xf32>, vector<128x32xf32>, vector<2560x32xf32> -> vector<2560x32xf32>
    %swap3A = arith.constant 0 : index
    %swap3A_6 = arith.constant 0 : index
    %swap3A_7 = vector.load %arg3[%swap3A, %swap3A_6] : memref<2560x32xf32, #tpu.memory_space<vmem>>, vector<2560x32xf32>
    tpu.vector_store %arg3[%swap3A, %swap3A_6], %dot_general3A_5 {strides = array<i32>} : memref<2560x32xf32, #tpu.memory_space<vmem>>, vector<2560x32xf32>,
    return
  }
  func.func @transform_0(%arg0: i32) -> (i32, i32) {
    %c0_i32 = arith.constant 0 : i32
    %c0_i32_0 = arith.constant 0 : i32
    return %arg0, %c0_i32 : i32, i32
  }
  func.func @transform_1(%arg0: i32) -> (i32, i32) {
    %c0_i32 = arith.constant 0 : i32
    %c0_i32_0 = arith.constant 0 : i32
    %c0_i32_1 = arith.constant 0 : i32
    return %c0_i32, %c0_i32_0 : i32, i32
  }
  func.func @transform_2(%arg0: i32) -> (i32, i32) {
    %c0_i32 = arith.constant 0 : i32
    %c0_i32_0 = arith.constant 0 : i32
    return %arg0, %c0_i32 : i32, i32
  }
}

module attributes {stable_mosaic.version = 14 : i64} {
  func.func @_scale_body(%arg0: i32, %arg1: memref<2560x32xf32, #tpu.memory_space<vmem>>, %arg2: memref<2x2560x16xf32, #tpu.memory_space<vmem>>, %arg3: memref<2560x32xf32, #tpu.memory_space<vmem>>) attributes {dimension_semantics = [#tpu.dimension_semantics<arbitrary>], iteration_bounds = array<i64: 4>, scalar_prefetch = 0 : i64, scratch_operands = 0 : i64, tpu.core_type = #tpu.core_type<tc>, window_params = [{transform_indices = @transform_0, window_bounds = array<i64: 2560, 32>}, {transform_indices = @transform_1, window_bounds = array<i64: 2, 2560, 16>}, {transform_indices = @transform_2, window_bounds = array<i64: 2560, 32>}]} {
    %get3A = arith.constant 0 : index
    %get3A_0 = arith.constant 0 : index
    %get3A_1 = vector.load %arg1[%get3A, %get3A_0] : memref<2560x32xf32, #tpu.memory_space<vmem>>, vector<2560x32xf32>
    %get3A_2 = arith.constant 0 : index
    %get3A_3 = arith.constant 0 : index
    %get3A_4 = arith.constant 0 : index
    %get3A_5 = vector.load %arg2[%get3A_2, %get3A_3, %get3A_4] : memref<2x2560x16xf32, #tpu.memory_space<vmem>>, vector<1x2560x16xf32>
    %get3A_6 = vector.shape_cast %get3A_5 : vector<1x2560x16xf32> to vector<2560x16xf32>
    %get3A_7 = arith.constant 1 : index
    %get3A_8 = arith.constant 0 : index
    %get3A_9 = arith.constant 0 : index
    %get3A_10 = vector.load %arg2[%get3A_7, %get3A_8, %get3A_9] : memref<2x2560x16xf32, #tpu.memory_space<vmem>>, vector<1x2560x16xf32>
    %get3A_11 = vector.shape_cast %get3A_10 : vector<1x2560x16xf32> to vector<2560x16xf32>
    %add3A = arith.addf %get3A_6, %get3A_11 : vector<2560x16xf32>
    %slice3A = vector.extract_strided_slice %add3A {offsets = [0, 0], sizes = [2560, 1], strides = [1, 1]} : vector<2560x16xf32> to vector<2560x1xf32>
    %add3A_12 = arith.constant 1.000000e+00 : f32
    %add3A_13 = vector.broadcast %add3A_12 : f32 to vector<2560x1xf32>
    %add3A_14 = arith.addf %slice3A, %add3A_13 : vector<2560x1xf32>
    %rsqrt3A = math.rsqrt %add3A_14 : vector<2560x1xf32>
    %mul3A = vector.broadcast %rsqrt3A : vector<2560x1xf32> to vector<2560x32xf32>
    %mul3A_15 = arith.mulf %get3A_1, %mul3A : vector<2560x32xf32>
    %swap3A = arith.constant 0 : index
    %swap3A_16 = arith.constant 0 : index
    %swap3A_17 = vector.load %arg3[%swap3A, %swap3A_16] : memref<2560x32xf32, #tpu.memory_space<vmem>>, vector<2560x32xf32>
    tpu.vector_store %arg3[%swap3A, %swap3A_16], %mul3A_15 {strides = array<i32>} : memref<2560x32xf32, #tpu.memory_space<vmem>>, vector<2560x32xf32>,
    return
  }
  func.func @transform_0(%arg0: i32) -> (i32, i32) {
    %c0_i32 = arith.constant 0 : i32
    %c0_i32_0 = arith.constant 0 : i32
    return %arg0, %c0_i32 : i32, i32
  }
  func.func @transform_1(%arg0: i32) -> (i32, i32, i32) {
    %c0_i32 = arith.constant 0 : i32
    %c0_i32_0 = arith.constant 0 : i32
    %c0_i32_1 = arith.constant 0 : i32
    return %c0_i32, %arg0, %c0_i32_0 : i32, i32, i32
  }
  func.func @transform_2(%arg0: i32) -> (i32, i32) {
    %c0_i32 = arith.constant 0 : i32
    %c0_i32_0 = arith.constant 0 : i32
    return %arg0, %c0_i32 : i32, i32
  }
}

module attributes {stable_mosaic.version = 14 : i64} {
  func.func @_mid_body(%arg0: i32, %arg1: memref<2x2560x32xf32, #tpu.memory_space<vmem>>, %arg2: memref<2560x32xf32, #tpu.memory_space<vmem>>, %arg3: memref<2x2560x16xf32, #tpu.memory_space<vmem>>, %arg4: memref<1x32xf32, #tpu.memory_space<vmem>>, %arg5: memref<32x48xf32, #tpu.memory_space<vmem>>, %arg6: memref<2560x48xf32, #tpu.memory_space<vmem>>) attributes {dimension_semantics = [#tpu.dimension_semantics<arbitrary>], iteration_bounds = array<i64: 4>, scalar_prefetch = 0 : i64, scratch_operands = 0 : i64, tpu.core_type = #tpu.core_type<tc>, window_params = [{transform_indices = @transform_0, window_bounds = array<i64: 2, 2560, 32>}, {transform_indices = @transform_1, window_bounds = array<i64: 2560, 32>}, {transform_indices = @transform_2, window_bounds = array<i64: 2, 2560, 16>}, {pipeline_mode = #tpu.pipeline_mode<synchronous>, transform_indices = @transform_3, window_bounds = array<i64: 1, 32>}, {pipeline_mode = #tpu.pipeline_mode<synchronous>, transform_indices = @transform_4, window_bounds = array<i64: 32, 48>}, {transform_indices = @transform_5, window_bounds = array<i64: 2560, 48>}]} {
    %get3A = arith.constant 0 : index
    %get3A_0 = arith.constant 0 : index
    %get3A_1 = arith.constant 0 : index
    %get3A_2 = vector.load %arg3[%get3A, %get3A_0, %get3A_1] : memref<2x2560x16xf32, #tpu.memory_space<vmem>>, vector<1x2560x16xf32>
    %get3A_3 = vector.shape_cast %get3A_2 : vector<1x2560x16xf32> to vector<2560x16xf32>
    %get3A_4 = arith.constant 1 : index
    %get3A_5 = arith.constant 0 : index
    %get3A_6 = arith.constant 0 : index
    %get3A_7 = vector.load %arg3[%get3A_4, %get3A_5, %get3A_6] : memref<2x2560x16xf32, #tpu.memory_space<vmem>>, vector<1x2560x16xf32>
    %get3A_8 = vector.shape_cast %get3A_7 : vector<1x2560x16xf32> to vector<2560x16xf32>
    %add3A = arith.addf %get3A_3, %get3A_8 : vector<2560x16xf32>
    %slice3A = vector.extract_strided_slice %add3A {offsets = [0, 0], sizes = [2560, 1], strides = [1, 1]} : vector<2560x16xf32> to vector<2560x1xf32>
    %add3A_9 = arith.constant 1.000000e+00 : f32
    %add3A_10 = vector.broadcast %add3A_9 : f32 to vector<2560x1xf32>
    %add3A_11 = arith.addf %slice3A, %add3A_10 : vector<2560x1xf32>
    %rsqrt3A = math.rsqrt %add3A_11 : vector<2560x1xf32>
    %get3A_12 = arith.constant 0 : index
    %get3A_13 = arith.constant 0 : index
    %get3A_14 = arith.constant 0 : index
    %get3A_15 = vector.load %arg1[%get3A_12, %get3A_13, %get3A_14] : memref<2x2560x32xf32, #tpu.memory_space<vmem>>, vector<1x2560x32xf32>
    %get3A_16 = vector.shape_cast %get3A_15 : vector<1x2560x32xf32> to vector<2560x32xf32>
    %get3A_17 = arith.constant 1 : index
    %get3A_18 = arith.constant 0 : index
    %get3A_19 = arith.constant 0 : index
    %get3A_20 = vector.load %arg1[%get3A_17, %get3A_18, %get3A_19] : memref<2x2560x32xf32, #tpu.memory_space<vmem>>, vector<1x2560x32xf32>
    %get3A_21 = vector.shape_cast %get3A_20 : vector<1x2560x32xf32> to vector<2560x32xf32>
    %add3A_22 = arith.addf %get3A_16, %get3A_21 : vector<2560x32xf32>
    %get3A_23 = arith.constant 0 : index
    %get3A_24 = arith.constant 0 : index
    %get3A_25 = vector.load %arg2[%get3A_23, %get3A_24] : memref<2560x32xf32, #tpu.memory_space<vmem>>, vector<2560x32xf32>
    %add3A_26 = arith.addf %add3A_22, %get3A_25 : vector<2560x32xf32>
    %mul3A = vector.broadcast %rsqrt3A : vector<2560x1xf32> to vector<2560x32xf32>
    %mul3A_27 = arith.mulf %mul3A, %add3A_26 : vector<2560x32xf32>
    %get3A_28 = arith.constant 0 : index
    %get3A_29 = arith.constant 0 : index
    %get3A_30 = vector.load %arg4[%get3A_28, %get3A_29] : memref<1x32xf32, #tpu.memory_space<vmem>>, vector<1x32xf32>
    %add3A_31 = vector.broadcast %get3A_30 : vector<1x32xf32> to vector<2560x32xf32>
    %add3A_32 = arith.addf %mul3A_27, %add3A_31 : vector<2560x32xf32>
    %max3A = arith.constant 0.000000e+00 : f32
    %max3A_33 = vector.broadcast %max3A : f32 to vector<2560x32xf32>
    %max3A_34 = arith.maximumf %add3A_32, %max3A_33 : vector<2560x32xf32>
    %get3A_35 = arith.constant 0 : index
    %get3A_36 = arith.constant 0 : index
    %get3A_37 = vector.load %arg5[%get3A_35, %get3A_36] : memref<32x48xf32, #tpu.memory_space<vmem>>, vector<32x48xf32>
    %dot_general3A = arith.constant dense<0.000000e+00> : vector<2560x48xf32>
    %dot_general3A_38 = tpu.matmul %max3A_34, %get3A_37, %dot_general3A {dimension_numbers = #tpu.dot_dimension_numbers<[1], [0], [0], [1], [0, 0, 1, 1], [], []>, precision = #tpu.contract_precision<fp32>, transpose_lhs_hint = false} : vector<2560x32xf32>, vector<32x48xf32>, vector<2560x48xf32> -> vector<2560x48xf32>
    %mul3A_39 = vector.broadcast %rsqrt3A : vector<2560x1xf32> to vector<2560x48xf32>
    %mul3A_40 = arith.mulf %dot_general3A_38, %mul3A_39 : vector<2560x48xf32>
    %swap3A = arith.constant 0 : index
    %swap3A_41 = arith.constant 0 : index
    %swap3A_42 = vector.load %arg6[%swap3A, %swap3A_41] : memref<2560x48xf32, #tpu.memory_space<vmem>>, vector<2560x48xf32>
    tpu.vector_store %arg6[%swap3A, %swap3A_41], %mul3A_40 {strides = array<i32>} : memref<2560x48xf32, #tpu.memory_space<vmem>>, vector<2560x48xf32>,
    return
  }
  func.func @transform_0(%arg0: i32) -> (i32, i32, i32) {
    %c0_i32 = arith.constant 0 : i32
    %c0_i32_0 = arith.constant 0 : i32
    %c0_i32_1 = arith.constant 0 : i32
    return %c0_i32, %arg0, %c0_i32_0 : i32, i32, i32
  }
  func.func @transform_1(%arg0: i32) -> (i32, i32) {
    %c0_i32 = arith.constant 0 : i32
    %c0_i32_0 = arith.constant 0 : i32
    return %arg0, %c0_i32 : i32, i32
  }
  func.func @transform_2(%arg0: i32) -> (i32, i32, i32) {
    %c0_i32 = arith.constant 0 : i32
    %c0_i32_0 = arith.constant 0 : i32
    %c0_i32_1 = arith.constant 0 : i32
    return %c0_i32, %arg0, %c0_i32_0 : i32, i32, i32
  }
  func.func @transform_3(%arg0: i32) -> (i32, i32) {
    %c0_i32 = arith.constant 0 : i32
    %c0_i32_0 = arith.constant 0 : i32
    %c0_i32_1 = arith.constant 0 : i32
    return %c0_i32, %c0_i32_0 : i32, i32
  }
  func.func @transform_4(%arg0: i32) -> (i32, i32) {
    %c0_i32 = arith.constant 0 : i32
    %c0_i32_0 = arith.constant 0 : i32
    %c0_i32_1 = arith.constant 0 : i32
    return %c0_i32, %c0_i32_0 : i32, i32
  }
  func.func @transform_5(%arg0: i32) -> (i32, i32) {
    %c0_i32 = arith.constant 0 : i32
    %c0_i32_0 = arith.constant 0 : i32
    return %arg0, %c0_i32 : i32, i32
  }
}

module attributes {stable_mosaic.version = 14 : i64} {
  func.func @_mid_body(%arg0: i32, %arg1: memref<2x2560x48xf32, #tpu.memory_space<vmem>>, %arg2: memref<2560x48xf32, #tpu.memory_space<vmem>>, %arg3: memref<2x2560x16xf32, #tpu.memory_space<vmem>>, %arg4: memref<1x48xf32, #tpu.memory_space<vmem>>, %arg5: memref<48x64xf32, #tpu.memory_space<vmem>>, %arg6: memref<2560x64xf32, #tpu.memory_space<vmem>>) attributes {dimension_semantics = [#tpu.dimension_semantics<arbitrary>], iteration_bounds = array<i64: 4>, scalar_prefetch = 0 : i64, scratch_operands = 0 : i64, tpu.core_type = #tpu.core_type<tc>, window_params = [{transform_indices = @transform_0, window_bounds = array<i64: 2, 2560, 48>}, {transform_indices = @transform_1, window_bounds = array<i64: 2560, 48>}, {transform_indices = @transform_2, window_bounds = array<i64: 2, 2560, 16>}, {pipeline_mode = #tpu.pipeline_mode<synchronous>, transform_indices = @transform_3, window_bounds = array<i64: 1, 48>}, {pipeline_mode = #tpu.pipeline_mode<synchronous>, transform_indices = @transform_4, window_bounds = array<i64: 48, 64>}, {transform_indices = @transform_5, window_bounds = array<i64: 2560, 64>}]} {
    %get3A = arith.constant 0 : index
    %get3A_0 = arith.constant 0 : index
    %get3A_1 = arith.constant 0 : index
    %get3A_2 = vector.load %arg3[%get3A, %get3A_0, %get3A_1] : memref<2x2560x16xf32, #tpu.memory_space<vmem>>, vector<1x2560x16xf32>
    %get3A_3 = vector.shape_cast %get3A_2 : vector<1x2560x16xf32> to vector<2560x16xf32>
    %get3A_4 = arith.constant 1 : index
    %get3A_5 = arith.constant 0 : index
    %get3A_6 = arith.constant 0 : index
    %get3A_7 = vector.load %arg3[%get3A_4, %get3A_5, %get3A_6] : memref<2x2560x16xf32, #tpu.memory_space<vmem>>, vector<1x2560x16xf32>
    %get3A_8 = vector.shape_cast %get3A_7 : vector<1x2560x16xf32> to vector<2560x16xf32>
    %add3A = arith.addf %get3A_3, %get3A_8 : vector<2560x16xf32>
    %slice3A = vector.extract_strided_slice %add3A {offsets = [0, 0], sizes = [2560, 1], strides = [1, 1]} : vector<2560x16xf32> to vector<2560x1xf32>
    %add3A_9 = arith.constant 1.000000e+00 : f32
    %add3A_10 = vector.broadcast %add3A_9 : f32 to vector<2560x1xf32>
    %add3A_11 = arith.addf %slice3A, %add3A_10 : vector<2560x1xf32>
    %rsqrt3A = math.rsqrt %add3A_11 : vector<2560x1xf32>
    %get3A_12 = arith.constant 0 : index
    %get3A_13 = arith.constant 0 : index
    %get3A_14 = arith.constant 0 : index
    %get3A_15 = vector.load %arg1[%get3A_12, %get3A_13, %get3A_14] : memref<2x2560x48xf32, #tpu.memory_space<vmem>>, vector<1x2560x48xf32>
    %get3A_16 = vector.shape_cast %get3A_15 : vector<1x2560x48xf32> to vector<2560x48xf32>
    %get3A_17 = arith.constant 1 : index
    %get3A_18 = arith.constant 0 : index
    %get3A_19 = arith.constant 0 : index
    %get3A_20 = vector.load %arg1[%get3A_17, %get3A_18, %get3A_19] : memref<2x2560x48xf32, #tpu.memory_space<vmem>>, vector<1x2560x48xf32>
    %get3A_21 = vector.shape_cast %get3A_20 : vector<1x2560x48xf32> to vector<2560x48xf32>
    %add3A_22 = arith.addf %get3A_16, %get3A_21 : vector<2560x48xf32>
    %get3A_23 = arith.constant 0 : index
    %get3A_24 = arith.constant 0 : index
    %get3A_25 = vector.load %arg2[%get3A_23, %get3A_24] : memref<2560x48xf32, #tpu.memory_space<vmem>>, vector<2560x48xf32>
    %add3A_26 = arith.addf %add3A_22, %get3A_25 : vector<2560x48xf32>
    %mul3A = vector.broadcast %rsqrt3A : vector<2560x1xf32> to vector<2560x48xf32>
    %mul3A_27 = arith.mulf %mul3A, %add3A_26 : vector<2560x48xf32>
    %get3A_28 = arith.constant 0 : index
    %get3A_29 = arith.constant 0 : index
    %get3A_30 = vector.load %arg4[%get3A_28, %get3A_29] : memref<1x48xf32, #tpu.memory_space<vmem>>, vector<1x48xf32>
    %add3A_31 = vector.broadcast %get3A_30 : vector<1x48xf32> to vector<2560x48xf32>
    %add3A_32 = arith.addf %mul3A_27, %add3A_31 : vector<2560x48xf32>
    %max3A = arith.constant 0.000000e+00 : f32
    %max3A_33 = vector.broadcast %max3A : f32 to vector<2560x48xf32>
    %max3A_34 = arith.maximumf %add3A_32, %max3A_33 : vector<2560x48xf32>
    %get3A_35 = arith.constant 0 : index
    %get3A_36 = arith.constant 0 : index
    %get3A_37 = vector.load %arg5[%get3A_35, %get3A_36] : memref<48x64xf32, #tpu.memory_space<vmem>>, vector<48x64xf32>
    %dot_general3A = arith.constant dense<0.000000e+00> : vector<2560x64xf32>
    %dot_general3A_38 = tpu.matmul %max3A_34, %get3A_37, %dot_general3A {dimension_numbers = #tpu.dot_dimension_numbers<[1], [0], [0], [1], [0, 0, 1, 1], [], []>, precision = #tpu.contract_precision<fp32>, transpose_lhs_hint = false} : vector<2560x48xf32>, vector<48x64xf32>, vector<2560x64xf32> -> vector<2560x64xf32>
    %mul3A_39 = vector.broadcast %rsqrt3A : vector<2560x1xf32> to vector<2560x64xf32>
    %mul3A_40 = arith.mulf %dot_general3A_38, %mul3A_39 : vector<2560x64xf32>
    %swap3A = arith.constant 0 : index
    %swap3A_41 = arith.constant 0 : index
    %swap3A_42 = vector.load %arg6[%swap3A, %swap3A_41] : memref<2560x64xf32, #tpu.memory_space<vmem>>, vector<2560x64xf32>
    tpu.vector_store %arg6[%swap3A, %swap3A_41], %mul3A_40 {strides = array<i32>} : memref<2560x64xf32, #tpu.memory_space<vmem>>, vector<2560x64xf32>,
    return
  }
  func.func @transform_0(%arg0: i32) -> (i32, i32, i32) {
    %c0_i32 = arith.constant 0 : i32
    %c0_i32_0 = arith.constant 0 : i32
    %c0_i32_1 = arith.constant 0 : i32
    return %c0_i32, %arg0, %c0_i32_0 : i32, i32, i32
  }
  func.func @transform_1(%arg0: i32) -> (i32, i32) {
    %c0_i32 = arith.constant 0 : i32
    %c0_i32_0 = arith.constant 0 : i32
    return %arg0, %c0_i32 : i32, i32
  }
  func.func @transform_2(%arg0: i32) -> (i32, i32, i32) {
    %c0_i32 = arith.constant 0 : i32
    %c0_i32_0 = arith.constant 0 : i32
    %c0_i32_1 = arith.constant 0 : i32
    return %c0_i32, %arg0, %c0_i32_0 : i32, i32, i32
  }
  func.func @transform_3(%arg0: i32) -> (i32, i32) {
    %c0_i32 = arith.constant 0 : i32
    %c0_i32_0 = arith.constant 0 : i32
    %c0_i32_1 = arith.constant 0 : i32
    return %c0_i32, %c0_i32_0 : i32, i32
  }
  func.func @transform_4(%arg0: i32) -> (i32, i32) {
    %c0_i32 = arith.constant 0 : i32
    %c0_i32_0 = arith.constant 0 : i32
    %c0_i32_1 = arith.constant 0 : i32
    return %c0_i32, %c0_i32_0 : i32, i32
  }
  func.func @transform_5(%arg0: i32) -> (i32, i32) {
    %c0_i32 = arith.constant 0 : i32
    %c0_i32_0 = arith.constant 0 : i32
    return %arg0, %c0_i32 : i32, i32
  }
}

module attributes {stable_mosaic.version = 14 : i64} {
  func.func @_final_body(%arg0: i32, %arg1: memref<2x2560x64xf32, #tpu.memory_space<vmem>>, %arg2: memref<2560x64xf32, #tpu.memory_space<vmem>>, %arg3: memref<2x2560x16xf32, #tpu.memory_space<vmem>>, %arg4: memref<1x64xf32, #tpu.memory_space<vmem>>, %arg5: memref<1x2560xi32, #tpu.memory_space<vmem>>, %arg6: memref<64x32xf32, #tpu.memory_space<vmem>>, %arg7: memref<1x32xf32, #tpu.memory_space<vmem>>, %arg8: memref<32x1xf32, #tpu.memory_space<vmem>>, %arg9: memref<1x1xf32, #tpu.memory_space<vmem>>, %arg10: memref<128x1xf32, #tpu.memory_space<vmem>>, %arg11: memref<128x64xf32, #tpu.memory_space<vmem>>, %arg12: memref<128x1xf32, #tpu.memory_space<vmem>>) attributes {dimension_semantics = [#tpu.dimension_semantics<arbitrary>], iteration_bounds = array<i64: 4>, scalar_prefetch = 0 : i64, scratch_operands = 2 : i64, tpu.core_type = #tpu.core_type<tc>, window_params = [{transform_indices = @transform_0, window_bounds = array<i64: 2, 2560, 64>}, {transform_indices = @transform_1, window_bounds = array<i64: 2560, 64>}, {transform_indices = @transform_2, window_bounds = array<i64: 2, 2560, 16>}, {pipeline_mode = #tpu.pipeline_mode<synchronous>, transform_indices = @transform_3, window_bounds = array<i64: 1, 64>}, {transform_indices = @transform_4, window_bounds = array<i64: 1, 2560>}, {pipeline_mode = #tpu.pipeline_mode<synchronous>, transform_indices = @transform_5, window_bounds = array<i64: 64, 32>}, {pipeline_mode = #tpu.pipeline_mode<synchronous>, transform_indices = @transform_6, window_bounds = array<i64: 1, 32>}, {pipeline_mode = #tpu.pipeline_mode<synchronous>, transform_indices = @transform_7, window_bounds = array<i64: 32, 1>}, {pipeline_mode = #tpu.pipeline_mode<synchronous>, transform_indices = @transform_8, window_bounds = array<i64: 1, 1>}, {pipeline_mode = #tpu.pipeline_mode<synchronous>, transform_indices = @transform_9, window_bounds = array<i64: 128, 1>}]} {
    %eq3A = arith.constant 0 : i32
    %eq3A_0 = arith.cmpi eq, %arg0, %eq3A : i32
    %convert_element_type3A = arith.extui %eq3A_0 : i1 to i32
    %cond3A = arith.constant 0 : i32
    %cond3A_1 = arith.cmpi ne, %convert_element_type3A, %cond3A : i32
    scf.if %cond3A_1 {
      %broadcast_in_dim3A_65 = arith.constant 0.000000e+00 : f32
      %broadcast_in_dim3A_66 = vector.broadcast %broadcast_in_dim3A_65 : f32 to vector<128x64xf32>
      %swap3A_67 = arith.constant 0 : index
      %swap3A_68 = arith.constant 0 : index
      %swap3A_69 = vector.load %arg11[%swap3A_67, %swap3A_68] : memref<128x64xf32, #tpu.memory_space<vmem>>, vector<128x64xf32>
      tpu.vector_store %arg11[%swap3A_67, %swap3A_68], %broadcast_in_dim3A_66 {strides = array<i32>} : memref<128x64xf32, #tpu.memory_space<vmem>>, vector<128x64xf32>,
      %broadcast_in_dim3A_70 = arith.constant 0.000000e+00 : f32
      %broadcast_in_dim3A_71 = vector.broadcast %broadcast_in_dim3A_70 : f32 to vector<128x1xf32>
      %swap3A_72 = arith.constant 0 : index
      %swap3A_73 = arith.constant 0 : index
      %swap3A_74 = vector.load %arg12[%swap3A_72, %swap3A_73] : memref<128x1xf32, #tpu.memory_space<vmem>>, vector<128x1xf32>
      tpu.vector_store %arg12[%swap3A_72, %swap3A_73], %broadcast_in_dim3A_71 {strides = array<i32>} : memref<128x1xf32, #tpu.memory_space<vmem>>, vector<128x1xf32>,
    } else {
    }
    %get3A = arith.constant 0 : index
    %get3A_2 = arith.constant 0 : index
    %get3A_3 = arith.constant 0 : index
    %get3A_4 = vector.load %arg3[%get3A, %get3A_2, %get3A_3] : memref<2x2560x16xf32, #tpu.memory_space<vmem>>, vector<1x2560x16xf32>
    %get3A_5 = vector.shape_cast %get3A_4 : vector<1x2560x16xf32> to vector<2560x16xf32>
    %get3A_6 = arith.constant 1 : index
    %get3A_7 = arith.constant 0 : index
    %get3A_8 = arith.constant 0 : index
    %get3A_9 = vector.load %arg3[%get3A_6, %get3A_7, %get3A_8] : memref<2x2560x16xf32, #tpu.memory_space<vmem>>, vector<1x2560x16xf32>
    %get3A_10 = vector.shape_cast %get3A_9 : vector<1x2560x16xf32> to vector<2560x16xf32>
    %add3A = arith.addf %get3A_5, %get3A_10 : vector<2560x16xf32>
    %slice3A = vector.extract_strided_slice %add3A {offsets = [0, 0], sizes = [2560, 1], strides = [1, 1]} : vector<2560x16xf32> to vector<2560x1xf32>
    %add3A_11 = arith.constant 1.000000e+00 : f32
    %add3A_12 = vector.broadcast %add3A_11 : f32 to vector<2560x1xf32>
    %add3A_13 = arith.addf %slice3A, %add3A_12 : vector<2560x1xf32>
    %rsqrt3A = math.rsqrt %add3A_13 : vector<2560x1xf32>
    %get3A_14 = arith.constant 0 : index
    %get3A_15 = arith.constant 0 : index
    %get3A_16 = arith.constant 0 : index
    %get3A_17 = vector.load %arg1[%get3A_14, %get3A_15, %get3A_16] : memref<2x2560x64xf32, #tpu.memory_space<vmem>>, vector<1x2560x64xf32>
    %get3A_18 = vector.shape_cast %get3A_17 : vector<1x2560x64xf32> to vector<2560x64xf32>
    %get3A_19 = arith.constant 1 : index
    %get3A_20 = arith.constant 0 : index
    %get3A_21 = arith.constant 0 : index
    %get3A_22 = vector.load %arg1[%get3A_19, %get3A_20, %get3A_21] : memref<2x2560x64xf32, #tpu.memory_space<vmem>>, vector<1x2560x64xf32>
    %get3A_23 = vector.shape_cast %get3A_22 : vector<1x2560x64xf32> to vector<2560x64xf32>
    %add3A_24 = arith.addf %get3A_18, %get3A_23 : vector<2560x64xf32>
    %get3A_25 = arith.constant 0 : index
    %get3A_26 = arith.constant 0 : index
    %get3A_27 = vector.load %arg2[%get3A_25, %get3A_26] : memref<2560x64xf32, #tpu.memory_space<vmem>>, vector<2560x64xf32>
    %add3A_28 = arith.addf %add3A_24, %get3A_27 : vector<2560x64xf32>
    %mul3A = vector.broadcast %rsqrt3A : vector<2560x1xf32> to vector<2560x64xf32>
    %mul3A_29 = arith.mulf %mul3A, %add3A_28 : vector<2560x64xf32>
    %get3A_30 = arith.constant 0 : index
    %get3A_31 = arith.constant 0 : index
    %get3A_32 = vector.load %arg4[%get3A_30, %get3A_31] : memref<1x64xf32, #tpu.memory_space<vmem>>, vector<1x64xf32>
    %add3A_33 = vector.broadcast %get3A_32 : vector<1x64xf32> to vector<2560x64xf32>
    %add3A_34 = arith.addf %mul3A_29, %add3A_33 : vector<2560x64xf32>
    %max3A = arith.constant 0.000000e+00 : f32
    %max3A_35 = vector.broadcast %max3A : f32 to vector<2560x64xf32>
    %max3A_36 = arith.maximumf %add3A_34, %max3A_35 : vector<2560x64xf32>
    %iota3A = tpu.iota {dimensions = array<i32: 0>} : vector<128x1xi32>
    %get3A_37 = arith.constant 0 : index
    %get3A_38 = arith.constant 0 : index
    %get3A_39 = vector.load %arg5[%get3A_37, %get3A_38] : memref<1x2560xi32, #tpu.memory_space<vmem>>, vector<1x2560xi32>
    %eq3A_40 = vector.broadcast %iota3A : vector<128x1xi32> to vector<128x2560xi32>
    %eq3A_41 = vector.broadcast %get3A_39 : vector<1x2560xi32> to vector<128x2560xi32>
    %eq3A_42 = arith.cmpi eq, %eq3A_40, %eq3A_41 : vector<128x2560xi32>
    %convert_element_type3A_43 = arith.extui %eq3A_42 : vector<128x2560xi1> to vector<128x2560xi32>
    %convert_element_type3A_44 = arith.sitofp %convert_element_type3A_43 : vector<128x2560xi32> to vector<128x2560xf32>
    %get3A_45 = arith.constant 0 : index
    %get3A_46 = arith.constant 0 : index
    %get3A_47 = vector.load %arg11[%get3A_45, %get3A_46] : memref<128x64xf32, #tpu.memory_space<vmem>>, vector<128x64xf32>
    %dot_general3A = arith.constant dense<0.000000e+00> : vector<128x64xf32>
    %dot_general3A_48 = tpu.matmul %convert_element_type3A_44, %max3A_36, %dot_general3A {dimension_numbers = #tpu.dot_dimension_numbers<[1], [0], [0], [1], [0, 0, 1, 1], [], []>, precision = #tpu.contract_precision<fp32>, transpose_lhs_hint = false} : vector<128x2560xf32>, vector<2560x64xf32>, vector<128x64xf32> -> vector<128x64xf32>
    %add3A_49 = arith.addf %get3A_47, %dot_general3A_48 : vector<128x64xf32>
    %swap3A = arith.constant 0 : index
    %swap3A_50 = arith.constant 0 : index
    %swap3A_51 = vector.load %arg11[%swap3A, %swap3A_50] : memref<128x64xf32, #tpu.memory_space<vmem>>, vector<128x64xf32>
    tpu.vector_store %arg11[%swap3A, %swap3A_50], %add3A_49 {strides = array<i32>} : memref<128x64xf32, #tpu.memory_space<vmem>>, vector<128x64xf32>,
    %get3A_52 = arith.constant 0 : index
    %get3A_53 = arith.constant 0 : index
    %get3A_54 = vector.load %arg12[%get3A_52, %get3A_53] : memref<128x1xf32, #tpu.memory_space<vmem>>, vector<128x1xf32>
    %reduce_sum3A = arith.constant dense<0.000000e+00> : vector<128xf32>
    %reduce_sum3A_55 = vector.multi_reduction <add>, %convert_element_type3A_44, %reduce_sum3A [1] : vector<128x2560xf32> to vector<128xf32>
    %broadcast_in_dim3A = vector.shape_cast %reduce_sum3A_55 : vector<128xf32> to vector<128x1xf32>
    %add3A_56 = arith.addf %get3A_54, %broadcast_in_dim3A : vector<128x1xf32>
    %swap3A_57 = arith.constant 0 : index
    %swap3A_58 = arith.constant 0 : index
    %swap3A_59 = vector.load %arg12[%swap3A_57, %swap3A_58] : memref<128x1xf32, #tpu.memory_space<vmem>>, vector<128x1xf32>
    tpu.vector_store %arg12[%swap3A_57, %swap3A_58], %add3A_56 {strides = array<i32>} : memref<128x1xf32, #tpu.memory_space<vmem>>, vector<128x1xf32>,
    %eq3A_60 = arith.constant 3 : i32
    %eq3A_61 = arith.cmpi eq, %arg0, %eq3A_60 : i32
    %convert_element_type3A_62 = arith.extui %eq3A_61 : i1 to i32
    %cond3A_63 = arith.constant 0 : i32
    %cond3A_64 = arith.cmpi ne, %convert_element_type3A_62, %cond3A_63 : i32
    scf.if %cond3A_64 {
      %get3A_65 = arith.constant 0 : index
      %get3A_66 = arith.constant 0 : index
      %get3A_67 = vector.load %arg11[%get3A_65, %get3A_66] : memref<128x64xf32, #tpu.memory_space<vmem>>, vector<128x64xf32>
      %get3A_68 = arith.constant 0 : index
      %get3A_69 = arith.constant 0 : index
      %get3A_70 = vector.load %arg12[%get3A_68, %get3A_69] : memref<128x1xf32, #tpu.memory_space<vmem>>, vector<128x1xf32>
      %max3A_71 = arith.constant 1.000000e+00 : f32
      %max3A_72 = vector.broadcast %max3A_71 : f32 to vector<128x1xf32>
      %max3A_73 = arith.maximumf %get3A_70, %max3A_72 : vector<128x1xf32>
      %div3A = vector.broadcast %max3A_73 : vector<128x1xf32> to vector<128x64xf32>
      %div3A_74 = arith.divf %get3A_67, %div3A : vector<128x64xf32>
      %get3A_75 = arith.constant 0 : index
      %get3A_76 = arith.constant 0 : index
      %get3A_77 = vector.load %arg6[%get3A_75, %get3A_76] : memref<64x32xf32, #tpu.memory_space<vmem>>, vector<64x32xf32>
      %dot_general3A_78 = arith.constant dense<0.000000e+00> : vector<128x32xf32>
      %dot_general3A_79 = tpu.matmul %div3A_74, %get3A_77, %dot_general3A_78 {dimension_numbers = #tpu.dot_dimension_numbers<[1], [0], [0], [1], [0, 0, 1, 1], [], []>, precision = #tpu.contract_precision<fp32>, transpose_lhs_hint = false} : vector<128x64xf32>, vector<64x32xf32>, vector<128x32xf32> -> vector<128x32xf32>
      %get3A_80 = arith.constant 0 : index
      %get3A_81 = arith.constant 0 : index
      %get3A_82 = vector.load %arg7[%get3A_80, %get3A_81] : memref<1x32xf32, #tpu.memory_space<vmem>>, vector<1x32xf32>
      %add3A_83 = vector.broadcast %get3A_82 : vector<1x32xf32> to vector<128x32xf32>
      %add3A_84 = arith.addf %dot_general3A_79, %add3A_83 : vector<128x32xf32>
      %max3A_85 = arith.constant 0.000000e+00 : f32
      %max3A_86 = vector.broadcast %max3A_85 : f32 to vector<128x32xf32>
      %max3A_87 = arith.maximumf %add3A_84, %max3A_86 : vector<128x32xf32>
      %get3A_88 = arith.constant 0 : index
      %get3A_89 = arith.constant 0 : index
      %get3A_90 = vector.load %arg8[%get3A_88, %get3A_89] : memref<32x1xf32, #tpu.memory_space<vmem>>, vector<32x1xf32>
      %dot_general3A_91 = arith.constant dense<0.000000e+00> : vector<128x1xf32>
      %dot_general3A_92 = tpu.matmul %max3A_87, %get3A_90, %dot_general3A_91 {dimension_numbers = #tpu.dot_dimension_numbers<[1], [0], [0], [1], [0, 0, 1, 1], [], []>, precision = #tpu.contract_precision<fp32>, transpose_lhs_hint = false} : vector<128x32xf32>, vector<32x1xf32>, vector<128x1xf32> -> vector<128x1xf32>
      %get3A_93 = arith.constant 0 : index
      %get3A_94 = arith.constant 0 : index
      %get3A_95 = vector.load %arg9[%get3A_93, %get3A_94] : memref<1x1xf32, #tpu.memory_space<vmem>>, vector<1x1xf32>
      %add3A_96 = vector.broadcast %get3A_95 : vector<1x1xf32> to vector<128x1xf32>
      %add3A_97 = arith.addf %dot_general3A_92, %add3A_96 : vector<128x1xf32>
      %neg3A = arith.constant 0.000000e+00 : f32
      %neg3A_98 = vector.broadcast %neg3A : f32 to vector<128x1xf32>
      %neg3A_99 = arith.subf %neg3A_98, %add3A_97 : vector<128x1xf32>
      %exp3A = math.exp %neg3A_99 : vector<128x1xf32>
      %add3A_100 = arith.constant 1.000000e+00 : f32
      %add3A_101 = vector.broadcast %add3A_100 : f32 to vector<128x1xf32>
      %add3A_102 = arith.addf %add3A_101, %exp3A : vector<128x1xf32>
      %div3A_103 = arith.constant 1.000000e+00 : f32
      %div3A_104 = vector.broadcast %div3A_103 : f32 to vector<128x1xf32>
      %div3A_105 = arith.divf %div3A_104, %add3A_102 : vector<128x1xf32>
      %swap3A_106 = arith.constant 0 : index
      %swap3A_107 = arith.constant 0 : index
      %swap3A_108 = vector.load %arg10[%swap3A_106, %swap3A_107] : memref<128x1xf32, #tpu.memory_space<vmem>>, vector<128x1xf32>
      tpu.vector_store %arg10[%swap3A_106, %swap3A_107], %div3A_105 {strides = array<i32>} : memref<128x1xf32, #tpu.memory_space<vmem>>, vector<128x1xf32>,
    } else {
    }
    return
  }
  func.func @transform_0(%arg0: i32) -> (i32, i32, i32) {
    %c0_i32 = arith.constant 0 : i32
    %c0_i32_0 = arith.constant 0 : i32
    %c0_i32_1 = arith.constant 0 : i32
    return %c0_i32, %arg0, %c0_i32_0 : i32, i32, i32
  }
  func.func @transform_1(%arg0: i32) -> (i32, i32) {
    %c0_i32 = arith.constant 0 : i32
    %c0_i32_0 = arith.constant 0 : i32
    return %arg0, %c0_i32 : i32, i32
  }
  func.func @transform_2(%arg0: i32) -> (i32, i32, i32) {
    %c0_i32 = arith.constant 0 : i32
    %c0_i32_0 = arith.constant 0 : i32
    %c0_i32_1 = arith.constant 0 : i32
    return %c0_i32, %arg0, %c0_i32_0 : i32, i32, i32
  }
  func.func @transform_3(%arg0: i32) -> (i32, i32) {
    %c0_i32 = arith.constant 0 : i32
    %c0_i32_0 = arith.constant 0 : i32
    %c0_i32_1 = arith.constant 0 : i32
    return %c0_i32, %c0_i32_0 : i32, i32
  }
  func.func @transform_4(%arg0: i32) -> (i32, i32) {
    %c0_i32 = arith.constant 0 : i32
    %c0_i32_0 = arith.constant 0 : i32
    return %c0_i32, %arg0 : i32, i32
  }
  func.func @transform_5(%arg0: i32) -> (i32, i32) {
    %c0_i32 = arith.constant 0 : i32
    %c0_i32_0 = arith.constant 0 : i32
    %c0_i32_1 = arith.constant 0 : i32
    return %c0_i32, %c0_i32_0 : i32, i32
  }
  func.func @transform_6(%arg0: i32) -> (i32, i32) {
    %c0_i32 = arith.constant 0 : i32
    %c0_i32_0 = arith.constant 0 : i32
    %c0_i32_1 = arith.constant 0 : i32
    return %c0_i32, %c0_i32_0 : i32, i32
  }
  func.func @transform_7(%arg0: i32) -> (i32, i32) {
    %c0_i32 = arith.constant 0 : i32
    %c0_i32_0 = arith.constant 0 : i32
    %c0_i32_1 = arith.constant 0 : i32
    return %c0_i32, %c0_i32_0 : i32, i32
  }
  func.func @transform_8(%arg0: i32) -> (i32, i32) {
    %c0_i32 = arith.constant 0 : i32
    %c0_i32_0 = arith.constant 0 : i32
    %c0_i32_1 = arith.constant 0 : i32
    return %c0_i32, %c0_i32_0 : i32, i32
  }
  func.func @transform_9(%arg0: i32) -> (i32, i32) {
    %c0_i32 = arith.constant 0 : i32
    %c0_i32_0 = arith.constant 0 : i32
    %c0_i32_1 = arith.constant 0 : i32
    return %c0_i32, %c0_i32_0 : i32, i32
  }
}

</mosaic_0001>

<sc_bundles>
// kernel: kernel.11.cloned.1.call-start
scs
__scs_entry_jumppad:
0x0: {  	(pc) =	sbr.rel $0x88, $3  }
0x1: {  	(tag) =	ssettag $0x0;
	lr =	simm.s32 $0x1  }
0x2: {  	[smem:$0x3F94] =	sst lr;
	_ =	strace $0xD0000000  }
0x3: {  	_ = 	snop  }
0x4: {  	_ = 	snop  }
0x5: {  	_ = 	snop  }
0x6: {  	_ = 	snop  }
0x7: {  	_ = 	snop  }
__scs_overlays_trampoline_lowered:
0x8: {  	[smem:$0x3FA3] =	sst s0  }
0x9: {  	[smem:$0x3FA4] =	sst s1  }
0xa: {  	[smem:$0x3FA5] =	sst s2  }
0xb: {  	[smem:$0x3FA6] =	sst s3  }
0xc: {  	[smem:$0x3FA7] =	sst s4  }
0xd: {  	[smem:$0x3FA8] =	sst s5  }
0xe: {  	[smem:$0x3FA9] =	sst s6  }
0xf: {  	[smem:$0x3FAA] =	sst s7  }
0x10: {  	[smem:$0x3FAB] =	sst s8  }
0x11: {  	[smem:$0x3FAC] =	sst s9;
	s0 =	simm.s32 @!p0 $0x0  }
0x12: {  	s1 =	sld [smem:$0x3F92];
	s0 =	simm.s32 @p0 $0x1  }
0x13: {  	[smem:$0x3FAD] =	sst s0;
	s0 =	simm.s32 @!p1 $0x0  }
0x14: {  	s2 =	sld [smem:$0x3F91];
	s0 =	simm.s32 @p1 $0x1  }
0x15: {  	[smem:$0x3FAE] =	sst s0;
	s0 =	simm.s32 @!p2 $0x0  }
0x16: {  	s3 =	sld [smem:$0x3FDB];
	s0 =	simm.s32 @p2 $0x1  }
0x17: {  	s4 =	simm.s32 $0x1BF5;
	[smem:$0x3FB0] =	sst s0  }
0x18: {  	s0 =	sld [smem:$0x3F93];
	_ =	swait.ge [sflag:s4], $0x0  }
0x19: {  	s7 =	sld [smem:$0x3F94]  }
0x1a: {  	s8 =	sadd.s32 $0xFFFFE003, lr  }
0x1b: {  	s9 =	sadd.s32 $0xFFFFFEF7, lr;
	s5 =	simm.s32 $0xFFFFFFFF;
	p2 =	slt.u32 s8, $0xFFFFF086  }
0x1c: {  	p1 =	slt.u32 s9, $0xF7A;
	s5 =	simm.s32 @!p2 $0x0  }
0x1d: {  	s5 =	simm.s32 @p1 $0x1;
	p0 =	seq.s32 s7, s2  }
0x1e: {  	s7 =	smul.u32 @!p0 $0xF7A, s2;
	p2 =	seq.s32 @!p0 s5, $0x0  }
0x1f: {  	s9 =	smul.u32 $0xF7A, s1;
	s8 =	simm.s32 @!p0 $0x1BF5;
	p2 =	por !p2, p0  }
0x20: {  	[sflag:s8] =	ssyncset.s32 @!p0 $0xFFFFF086;
	s6 =	sadd.s32 @!p0 s3, s7;
	s7 =	simm.s32 @!p0 $0x108  }
0x21: {  	s3 =	sadd.s32 s3, s9;
	s6 =	sadd.s32 @!p0 $0x88, s6;
	s7 =	simm.s32 @p2 $0x1082  }
0x22: {  	[simem:s7], [sflag:s8] =	dma.local @!p0 [hbm:s6], $0xF7A  }
0x23: {  	s9 =	sor.u32 $0xD0000000, s2;
	s6 =	simm.s32 $0x108;
	_ =	swait.ge @!p0 [sflag:s8], $0x0  }
0x24: {  	s3 =	sadd.s32 $0x88, s3;
	s6 =	simm.s32 @!p1 $0x1082;
	[sflag:s4] =	ssyncset.s32 $0xFFFFF086  }
0x25: {  	[simem:s6], [sflag:s4] =	dma.local [hbm:s3], $0xF7A  }
0x26: {  	[smem:$0x3F94] =	sst s1;
	(tag) =	ssettag s2;
	_ =	strace s9  }
0x27: {  	s1 =	sld [smem:$0x3FA4]  }
0x28: {  	s2 =	sld [smem:$0x3FA5]  }
0x29: {  	s4 =	sld [smem:$0x3FA7]  }
0x2a: {  	p0 =	seq.s32 s5, $0x0;
	s5 =	sld [smem:$0x3FA8]  }
0x2b: {  	s6 =	sld [smem:$0x3FA9]  }
0x2c: {  	s7 =	sld [smem:$0x3FAA]  }
0x2d: {  	s3 =	simm.s32 $0x108;
	s8 =	sld [smem:$0x3FAB]  }
0x2e: {  	s3 =	simm.s32 @!p0 $0x1082;
	s9 =	sld [smem:$0x3FAC]  }
0x2f: {  	lr =	sadd.s32 s0, s3;
	s0 =	sld [smem:$0x3FA3]  }
0x30: {  	s3 =	sld [smem:$0x3FA6]  }
0x31: {  	[smem:$0x3FAF] =	sst s10  }
0x32: {  	s10 =	sld [smem:$0x3FAD];
	_ =	sdelay $0x3  }
0x33: {  	p0 =	seq.s32 s10, $0x1;
	s10 =	sld [smem:$0x3FAF];
	_ =	sdelay $0x3  }
0x34: {  	[smem:$0x3FAF] =	sst s10  }
0x35: {  	s10 =	sld [smem:$0x3FAE];
	_ =	sdelay $0x3  }
0x36: {  	p1 =	seq.s32 s10, $0x1;
	s10 =	sld [smem:$0x3FAF];
	_ =	sdelay $0x3  }
0x37: {  	[smem:$0x3FAF] =	sst s10  }
0x38: {  	s10 =	sld [smem:$0x3FB0]  }
0x39: {  	_ = 	snop;
	(pc) =	sbr.ind lr, $3  }
0x3a: {  	_ = 	snop  }
0x3b: {  	_ = 	snop  }
0x3c: {  	p2 =	seq.s32 s10, $0x1;
	s10 =	sld [smem:$0x3FAF]  }
0x3d: {  	_ =	shalt  }
0x3e: {  	_ =	shalt  }
0x3f: {  	_ =	shalt  }
0x40: {  	_ =	shalt  }
0x41: {  	_ =	shalt  }
0x42: {  	_ =	shalt  }
0x43: {  	_ =	shalt  }
0x44: {  	_ =	shalt  }
0x45: {  	_ =	shalt  }
0x46: {  	_ =	shalt  }
0x47: {  	_ =	shalt  }
0x48: {  	_ =	shalt  }
0x49: {  	_ =	shalt  }
0x4a: {  	_ =	shalt  }
0x4b: {  	_ =	shalt  }
0x4c: {  	_ =	shalt  }
0x4d: {  	_ =	shalt  }
0x4e: {  	_ =	shalt  }
0x4f: {  	_ =	shalt  }
0x50: {  	_ =	shalt  }
0x51: {  	_ =	shalt  }
0x52: {  	_ =	shalt  }
0x53: {  	_ =	shalt  }
0x54: {  	_ =	shalt  }
0x55: {  	_ =	shalt  }
0x56: {  	_ =	shalt  }
0x57: {  	_ =	shalt  }
0x58: {  	_ =	shalt  }
0x59: {  	_ =	shalt  }
0x5a: {  	_ =	shalt  }
0x5b: {  	_ =	shalt  }
0x5c: {  	_ =	shalt  }
0x5d: {  	_ =	shalt  }
0x5e: {  	_ =	shalt  }
0x5f: {  	_ =	shalt  }
0x60: {  	_ =	shalt  }
0x61: {  	_ =	shalt  }
0x62: {  	_ =	shalt  }
0x63: {  	_ =	shalt  }
0x64: {  	_ =	shalt  }
0x65: {  	_ =	shalt  }
0x66: {  	_ =	shalt  }
0x67: {  	_ =	shalt  }
0x68: {  	_ =	shalt  }
0x69: {  	_ =	shalt  }
0x6a: {  	_ =	shalt  }
0x6b: {  	_ =	shalt  }
0x6c: {  	_ =	shalt  }
0x6d: {  	_ =	shalt  }
0x6e: {  	_ =	shalt  }
0x6f: {  	_ =	shalt  }
0x70: {  	_ =	shalt  }
0x71: {  	_ =	shalt  }
0x72: {  	_ =	shalt  }
0x73: {  	_ =	shalt  }
0x74: {  	_ =	shalt  }
0x75: {  	_ =	shalt  }
0x76: {  	_ =	shalt  }
0x77: {  	_ =	shalt  }
0x78: {  	_ =	shalt  }
0x79: {  	_ =	shalt  }
0x7a: {  	_ =	shalt  }
0x7b: {  	_ =	shalt  }
0x7c: {  	_ =	shalt  }
0x7d: {  	_ =	shalt  }
0x7e: {  	_ =	shalt  }
0x7f: {  	_ =	shalt  }
0x80: {  	_ =	shalt  }
0x81: {  	_ =	shalt  }
0x82: {  	_ =	shalt  }
0x83: {  	_ =	shalt  }
0x84: {  	_ =	shalt  }
0x85: {  	_ =	shalt  }
0x86: {  	_ =	shalt  }
0x87: {  	_ =	shalt  }
.Lfunc_end0:
.L_simem_size_0:
called_computation_lowered:
.L_overlay_start_0:
0x88: {  	s2 =	sld [smem:$0x3FD9]  }
0x89: {  	s3 =	sld [smem:$0x3FFE];
	_ =	sdelay $0x1  }
0x8a: {  	s1 =	srdreg.scid  }
0x8b: {  	s0 =	sand.u32 $0x1, s1  }
0x8c: {  	s16 =	sshll.u32 s0, $0xA;
	s2 =	sadd.s32 s3, s2  }
0x8d: {  	s2 =	sadd.s32 s2, s16  }
0x8e: {  	[smem:$0x3FBB] =	sst s2  }
0x8f: {  	_ = 	snop  }
0x90: {  	(tm) =	ssettm $0x1  }
0x91: {  	s17 =	sld [smem:$0x3FFB];
	_ =	sdelay $0x3  }
0x92: {  	_ =	strace s17  }
0x93: {  	s2 =	sld [smem:$0x3FFC];
	_ =	sdelay $0x3  }
0x94: {  	_ =	strace s2  }
0x95: {  	s2 =	sld [smem:$0x3FFD];
	_ =	sdelay $0x3  }
0x96: {  	_ =	strace s2  }
0x97: {  	_ =	strace $0x8FFFFFFF  }
0x98: {  	s18 =	sld [smem:$0x3FDB];
	_ =	sdelay $0x1  }
0x99: {  	s19 =	simm.s32 $_scs_section_size  }
0x9a: {  	s4 =	simm.s32 $_size__tile_overlayer_lowered;
	s5 =	simm.s32 $_tile_overlayer_lowered  }
0x9b: {  	s22 =	simm.s32 $0x1BFF;
	s21 =	sshll.u32 s5, $0x1;
	s2 =	sadd.s32 s19, s18  }
0x9c: {  	s6 =	simm.s32 $0x0;
	s20 =	sshll.u32 s4, $0x1;
	s4 =	sadd.s32 s21, s2  }
0x9d: {  	[timem:s6], [sflag:s22] =	dma.local [hbm:s4], s20  }
0x9e: {  	_ =	swait.ge [sflag:s22], s20  }
0x9f: {  	s3 =	ssub.s32 $0x0, s20;
	[sflag:s22] =	ssyncset.done $0x0  }
0xa0: {  	[sflag:s22] =	ssyncadd.s32 s3;
	_ =	sdelay $0x1  }
0xa1: {  	s23 =	simm.s32 $0x1B8B  }
0xa2: {  	_ =	swait.ge [sflag:s23], $0x1  }
0xa3: {  	[sflag:s23] =	ssyncset.done $0x0  }
0xa4: {  	s25 =	simm.s32 $0x1B8E;
	s24 =	sld [smem:$0x3FFE];
	[sflag:s23] =	ssyncadd.s32 $0xFFFFFFFF  }
0xa5: {  	s26 =	simm.s32 $execute0_lowered;
	[smem:$0x3FD2] =	sst s25  }
0xa6: {  	s4 =	sshll.u32 s26, $0x1;
	_ =	strace $0x80000046;
	[dreg:$0x1] =	wrdreg $0xFFFFFFFF  }
0xa7: {  	s28 =	simm.s32 $_size_execute0_lowered;
	s2 =	sadd.s32 s2, s4;
	[dreg:$0x0] =	wrdreg $0x0  }
0xa8: {  	s4 =	sshll.u32 s28, $0x1;
	[dreg:$0x2] =	wrdreg s2  }
0xa9: {  	[dreg:$0x3] =	wrdreg s4  }
0xaa: {  	[dreg:$0x4] =	wrdreg $0xC0  }
0xab: {  	_ =	task [dreg:s6], $0x5FFFF  }
0xac: {  	[dreg:$0x1] =	wrdreg $0xFFFFFFFF  }
0xad: {  	[dreg:$0x0] =	wrdreg $0x60  }
0xae: {  	[dreg:$0x2] =	wrdreg s24  }
0xaf: {  	[dreg:$0x3] =	wrdreg $0x2FD00  }
0xb0: {  	[dreg:$0x4] =	wrdreg $0x9  }
0xb1: {  	_ =	task.clear_ibuf [dreg:s6], $0x5FFFF;
	_ =	strace $0x90000046  }
0xb2: {  	s29 =	simm.s32 $0x9;
	_ =	strace $0x80000048  }
0xb3: {  	_ =	swait.ge [sflag:s29], $0x1  }
0xb4: {  	[sflag:s29] =	ssyncadd.s32 $0xFFFFFFFF  }
0xb5: {  	_ =	strace $0x90000048  }
0xb6: {  	_ =	sfence  }
0xb7: {  	s30 =	sld [smem:$0x0];
	_ =	sdelay $0x2  }
0xb8: {  	s31 =	sshll.u32 s1, $0xD;
	s1 =	sshrl.u32 s1, $0x2  }
0xb9: {  	s3 =	sand.u32 $0x4000, s31;
	s1 =	sadd.s32 s1, s30  }
0xba: {  	s0 =	sor.u32 s3, s0;
	s1 =	sshll.u32 s1, $0x11  }
0xbb: {  	s0 =	sor.u32 s1, s0  }
0xbc: {  	s0 =	sadd.s32 $0x8F2B, s0  }
0xbd: {  	[sflag:s0] =	ssyncadd.remote.s32 $0x1  }
0xbe: {  	_ =	sfence.sel $0xFFFF  }
0xbf: {  	[dreg:$0x0] =	wrdreg $0xFFFFFFFF;
	(pc) =	sbr.abs _section_cstart, $3  }
0xc0: {  	[dreg:$0x1] =	wrdreg $0xFFFFFFFF  }
0xc1: {  	_ =	task.clear_ibuf [dreg:s6], $0x2FFFF;
	_ =	strace $0x9FFFFFFF  }
0xc2: {  	(tm) =	ssettm $0x7FFFFFFF  }
0xc3: {  	_ =	shalt  }
tec
execute0_lowered:
.L_overlay_start_1:
0x0: {  	(tag) =	ssettag $0x1  }
0x1: {  	s6 =	rddreg [dreg:$0x0]  }
0x2: {  	s0 =	srdreg.scid;
	s2 =	rddreg [dreg:$0x1]  }
0x3: {  	s3 =	simm.s32 $0x0;
	s13 =	simm.s32 $0x2;
	s14 =	simm.s32 $0x7D  }
0x4: {  	s15 =	simm.s32 $0x3;
	s5 =	sand.u32 $0x1, s0;
	s0 =	stileid.u32  }
0x5: {  	s17 =	simm.s32 $0x0;
	[smem:$0x7FF] =	sst s3;
	s7 =	smul.u32 $0x2800, s0  }
0x6: {  	s1 =	sshll.u32 s5, $0x4;
	s8 =	smul.u32 $0x28000, s5;
	s5 =	ssub.s32 $0x2, s5  }
0x7: {  	s16 =	sshll.u32 s0, $0x6;
	s1 =	sor.u32 s0, s1;
	s11 =	sshrl.u32 s5, $0x1  }
0x8: {  	s4 =	smul.u32 $0x500, s1;
	s1 =	rddreg [dreg:$0x2];
	_ =	strace $0x80000047  }
0x9: {  	s8 =	sadd.s32 s7, s8;
	s10 =	sshrl.u32 s7, $0x3;
	s11 =	ssub.s32 s5, s11  }
0xa: {  	s12 =	sadd.s32 s7, s2;
	s8 =	sshrl.u32 s8, $0x3;
	s10 =	sadd.s32 s10, s6  }
0xb: {  	s9 =	sadd.s32 s4, s6;
	s4 =	sadd.s32 $0x12000, s6;
	s8 =	sadd.s32 s8, s6  }
0xc: {  	s5 =	sadd.s32 $0xD000, s10;
	s6 =	sor.u32 $0x1C01, s16;
	s10 =	sshrl.u32 s12, $0x3  }
0xd: {  	s12 =	simm.s32 $0x1;
	s16 =	sor.u32 $0x1C03, s16;
	s7 =	sadd.s32 $0x3000, s9  }
0xe: {  	s8 =	sadd.s32 $0x12200, s8;
	s9 =	smax.u32 s11, $0x1;
	s11 =	simm.s32 $0x2800  }
.LBB2_1:
0xf: {  	[spmem:s10], [sflag:s6] =	dma.local [hbm:s5], $0x500  }
0x10: {  	[tilespmem:s11], [sflag:$0x2] =	stream.linear.gather [hbm4b:s4+s3], $0x7D0, $0x38;
	[tilespmem:$0x57D0] =	vst v63  }
0x11: {  	_ = 	snop  }
0x12: {  	[tilespmem:s3], [sflag:$0x1] =	stream.linear.gather [hbm4b:s7+s3], $0x2800, $0x38;
	[tilespmem:$0x57D0] =	vst v63  }
0x13: {  	_ =	swait.ge [sflag:s12], $0x500  }
0x14: {  	[sflag:s12] =	ssyncset.done $0x0  }
0x15: {  	[sflag:s12] =	ssyncadd.s32 $0xFFFFFB00  }
0x16: {  	_ =	swait.ge [sflag:s13], $0x7D0  }
0x17: {  	[sflag:s13] =	ssyncset.done $0x0  }
0x18: {  	[sflag:s13] =	ssyncadd.s32 $0xFFFFF830  }
0x19: {  	_ =	swait.ge [sflag:s12], $0x2800  }
0x1a: {  	[sflag:s12] =	ssyncset.done $0x0  }
0x1b: {  	[sflag:s12] =	ssyncadd.s32 $0xFFFFD800  }
0x1c: {  	s18 =	simm.s32 $0x0;
	[bflag:$0x0] =	sbarrier.arrive $0xFFFF  }
0x1d: {  	[spmem:s2] =	stream.indirect.scatter.add.f32 [tilespmem:s11], [sflag:$0x3], $0x10, s18, s14, $0xb8;
	[tilespmem:$0x57D0] =	vst v63  }
0x1e: {  	_ =	swait.ge [sflag:s15], $0x7D0  }
0x1f: {  	s18 =	simm.s32 $0x200;
	[sflag:s15] =	ssyncset.done $0x0  }
.LBB2_2:
0x20: {  	s19 =	sshra.s32 s18, $0x2;
	[sflag:s15] =	ssyncadd.s32 $0xFFFFF830;
	p0 =	sne.s32 s18, $0x9E00  }
0x21: {  	[spmem:s2] =	stream.indirect.scatter.add.f32 [tilespmem:s11], [sflag:$0x3], $0x10, s19, s14, $0xb8;
	[tilespmem:$0x57D0] =	vst v63  }
.Ltmp0:
0x22: {  	_ = 	snop;
	(pc) =	sbr.rel @p0 .LBB2_2-.Ltmp0, $4  }
0x23: {  	_ = 	snop  }
0x24: {  	s18 =	sadd.s32 $0x200, s18  }
0x25: {  	_ =	swait.ge [sflag:s15], $0x7D0  }
0x26: {  	[sflag:s15] =	ssyncset.done $0x0  }
0x27: {  	s17 =	sadd.s32 $0x1, s17  }
0x28: {  	[sflag:s15] =	ssyncadd.s32 $0xFFFFF830;
	p0 =	sne.s32 s17, s9  }
.Ltmp1:
0x29: {  	[bflag:$0x0] =	sbarrier.arrive $0xFFFF;
	(pc) =	sbr.rel @p0 .LBB2_1-.Ltmp1, $4  }
0x2a: {  	[hbm:s8], [sflag:s16] =	dma.local [spmem:s10], $0x500  }
0x2b: {  	_ =	swait.ge [sflag:s15], $0x500  }
0x2c: {  	[sflag:s15] =	ssyncset.done $0x0  }
0x2d: {  	[sflag:s15] =	ssyncadd.s32 $0xFFFFFB00  }
0x2e: {  	_ =	sfence.sel $0x180000  }
0x2f: {  	[bflag:$0x0] =	sbarrier.arrive $0xFFFF  }
0x30: {  	p0 =	sne.s32 s0, $0x0;
	_ =	strace $0x90000047  }
0x31: {  	s0 =	sadd.s32 @!p0 $0x100000, s1;
	[bflag:$0x2] =	sbarrier.arrive $0xFFFF  }
0x32: {  	[sflag:s0] =	ssyncadd.tile.s32 @!p0 $0x1;
	_ =	shalt  }
.Lfunc_end2:
_tile_overlayer_lowered:
.L_overlay_start_2:
0x33: {  	(tag) =	ssettag $0x2  }
0x34: {  	s0 =	rddreg [dreg:$0x0];
	s2 =	stileid.u32  }
0x35: {  	s1 =	rddreg [dreg:$0x1];
	p0 =	sne.s32 s2, $0x0  }
0x36: {  	s3 =	rddreg [dreg:$0x2];
	[bflag:$0x3] =	sbarrier.arrive $0xFFFF;
	s2 =	simm.s32 @!p0 $0x1C03  }
0x37: {  	[timem:s3], [sflag:s2] =	dma.local @!p0 [hbm:s0], s1  }
0x38: {  	s0 =	simm.s32 @!p0 $0x3  }
0x39: {  	_ =	swait.ge @!p0 [sflag:s0], s1  }
0x3a: {  	s1 =	ssub.s32 @!p0 $0x0, s1;
	[sflag:s0] =	ssyncset.done @!p0 $0x0  }
0x3b: {  	[sflag:s0] =	ssyncadd.s32 @!p0 s1  }
0x3c: {  	[bflag:$0x3] =	sbarrier.arrive $0xFFFF  }
0x3d: {  	_ =	shalt  }

// kernel: kernel.14.cloned.1.call-start
scs
__scs_entry_jumppad:
0x0: {  	(pc) =	sbr.rel $0x88, $3  }
0x1: {  	(tag) =	ssettag $0x0;
	lr =	simm.s32 $0x1  }
0x2: {  	[smem:$0x3F94] =	sst lr;
	_ =	strace $0xD0000000  }
0x3: {  	_ = 	snop  }
0x4: {  	_ = 	snop  }
0x5: {  	_ = 	snop  }
0x6: {  	_ = 	snop  }
0x7: {  	_ = 	snop  }
__scs_overlays_trampoline_lowered:
0x8: {  	[smem:$0x3FA3] =	sst s0  }
0x9: {  	[smem:$0x3FA4] =	sst s1  }
0xa: {  	[smem:$0x3FA5] =	sst s2  }
0xb: {  	[smem:$0x3FA6] =	sst s3  }
0xc: {  	[smem:$0x3FA7] =	sst s4  }
0xd: {  	[smem:$0x3FA8] =	sst s5  }
0xe: {  	[smem:$0x3FA9] =	sst s6  }
0xf: {  	[smem:$0x3FAA] =	sst s7  }
0x10: {  	[smem:$0x3FAB] =	sst s8  }
0x11: {  	[smem:$0x3FAC] =	sst s9;
	s0 =	simm.s32 @!p0 $0x0  }
0x12: {  	s1 =	sld [smem:$0x3F92];
	s0 =	simm.s32 @p0 $0x1  }
0x13: {  	[smem:$0x3FAD] =	sst s0;
	s0 =	simm.s32 @!p1 $0x0  }
0x14: {  	s2 =	sld [smem:$0x3F91];
	s0 =	simm.s32 @p1 $0x1  }
0x15: {  	[smem:$0x3FAE] =	sst s0;
	s0 =	simm.s32 @!p2 $0x0  }
0x16: {  	s3 =	sld [smem:$0x3FDB];
	s0 =	simm.s32 @p2 $0x1  }
0x17: {  	s4 =	simm.s32 $0x1BF5;
	[smem:$0x3FB0] =	sst s0  }
0x18: {  	s0 =	sld [smem:$0x3F93];
	_ =	swait.ge [sflag:s4], $0x0  }
0x19: {  	s7 =	sld [smem:$0x3F94]  }
0x1a: {  	s8 =	sadd.s32 $0xFFFFE003, lr  }
0x1b: {  	s9 =	sadd.s32 $0xFFFFFEF7, lr;
	s5 =	simm.s32 $0xFFFFFFFF;
	p2 =	slt.u32 s8, $0xFFFFF086  }
0x1c: {  	p1 =	slt.u32 s9, $0xF7A;
	s5 =	simm.s32 @!p2 $0x0  }
0x1d: {  	s5 =	simm.s32 @p1 $0x1;
	p0 =	seq.s32 s7, s2  }
0x1e: {  	s7 =	smul.u32 @!p0 $0xF7A, s2;
	p2 =	seq.s32 @!p0 s5, $0x0  }
0x1f: {  	s9 =	smul.u32 $0xF7A, s1;
	s8 =	simm.s32 @!p0 $0x1BF5;
	p2 =	por !p2, p0  }
0x20: {  	[sflag:s8] =	ssyncset.s32 @!p0 $0xFFFFF086;
	s6 =	sadd.s32 @!p0 s3, s7;
	s7 =	simm.s32 @!p0 $0x108  }
0x21: {  	s3 =	sadd.s32 s3, s9;
	s6 =	sadd.s32 @!p0 $0x88, s6;
	s7 =	simm.s32 @p2 $0x1082  }
0x22: {  	[simem:s7], [sflag:s8] =	dma.local @!p0 [hbm:s6], $0xF7A  }
0x23: {  	s9 =	sor.u32 $0xD0000000, s2;
	s6 =	simm.s32 $0x108;
	_ =	swait.ge @!p0 [sflag:s8], $0x0  }
0x24: {  	s3 =	sadd.s32 $0x88, s3;
	s6 =	simm.s32 @!p1 $0x1082;
	[sflag:s4] =	ssyncset.s32 $0xFFFFF086  }
0x25: {  	[simem:s6], [sflag:s4] =	dma.local [hbm:s3], $0xF7A  }
0x26: {  	[smem:$0x3F94] =	sst s1;
	(tag) =	ssettag s2;
	_ =	strace s9  }
0x27: {  	s1 =	sld [smem:$0x3FA4]  }
0x28: {  	s2 =	sld [smem:$0x3FA5]  }
0x29: {  	s4 =	sld [smem:$0x3FA7]  }
0x2a: {  	p0 =	seq.s32 s5, $0x0;
	s5 =	sld [smem:$0x3FA8]  }
0x2b: {  	s6 =	sld [smem:$0x3FA9]  }
0x2c: {  	s7 =	sld [smem:$0x3FAA]  }
0x2d: {  	s3 =	simm.s32 $0x108;
	s8 =	sld [smem:$0x3FAB]  }
0x2e: {  	s3 =	simm.s32 @!p0 $0x1082;
	s9 =	sld [smem:$0x3FAC]  }
0x2f: {  	lr =	sadd.s32 s0, s3;
	s0 =	sld [smem:$0x3FA3]  }
0x30: {  	s3 =	sld [smem:$0x3FA6]  }
0x31: {  	[smem:$0x3FAF] =	sst s10  }
0x32: {  	s10 =	sld [smem:$0x3FAD];
	_ =	sdelay $0x3  }
0x33: {  	p0 =	seq.s32 s10, $0x1;
	s10 =	sld [smem:$0x3FAF];
	_ =	sdelay $0x3  }
0x34: {  	[smem:$0x3FAF] =	sst s10  }
0x35: {  	s10 =	sld [smem:$0x3FAE];
	_ =	sdelay $0x3  }
0x36: {  	p1 =	seq.s32 s10, $0x1;
	s10 =	sld [smem:$0x3FAF];
	_ =	sdelay $0x3  }
0x37: {  	[smem:$0x3FAF] =	sst s10  }
0x38: {  	s10 =	sld [smem:$0x3FB0]  }
0x39: {  	_ = 	snop;
	(pc) =	sbr.ind lr, $3  }
0x3a: {  	_ = 	snop  }
0x3b: {  	_ = 	snop  }
0x3c: {  	p2 =	seq.s32 s10, $0x1;
	s10 =	sld [smem:$0x3FAF]  }
0x3d: {  	_ =	shalt  }
0x3e: {  	_ =	shalt  }
0x3f: {  	_ =	shalt  }
0x40: {  	_ =	shalt  }
0x41: {  	_ =	shalt  }
0x42: {  	_ =	shalt  }
0x43: {  	_ =	shalt  }
0x44: {  	_ =	shalt  }
0x45: {  	_ =	shalt  }
0x46: {  	_ =	shalt  }
0x47: {  	_ =	shalt  }
0x48: {  	_ =	shalt  }
0x49: {  	_ =	shalt  }
0x4a: {  	_ =	shalt  }
0x4b: {  	_ =	shalt  }
0x4c: {  	_ =	shalt  }
0x4d: {  	_ =	shalt  }
0x4e: {  	_ =	shalt  }
0x4f: {  	_ =	shalt  }
0x50: {  	_ =	shalt  }
0x51: {  	_ =	shalt  }
0x52: {  	_ =	shalt  }
0x53: {  	_ =	shalt  }
0x54: {  	_ =	shalt  }
0x55: {  	_ =	shalt  }
0x56: {  	_ =	shalt  }
0x57: {  	_ =	shalt  }
0x58: {  	_ =	shalt  }
0x59: {  	_ =	shalt  }
0x5a: {  	_ =	shalt  }
0x5b: {  	_ =	shalt  }
0x5c: {  	_ =	shalt  }
0x5d: {  	_ =	shalt  }
0x5e: {  	_ =	shalt  }
0x5f: {  	_ =	shalt  }
0x60: {  	_ =	shalt  }
0x61: {  	_ =	shalt  }
0x62: {  	_ =	shalt  }
0x63: {  	_ =	shalt  }
0x64: {  	_ =	shalt  }
0x65: {  	_ =	shalt  }
0x66: {  	_ =	shalt  }
0x67: {  	_ =	shalt  }
0x68: {  	_ =	shalt  }
0x69: {  	_ =	shalt  }
0x6a: {  	_ =	shalt  }
0x6b: {  	_ =	shalt  }
0x6c: {  	_ =	shalt  }
0x6d: {  	_ =	shalt  }
0x6e: {  	_ =	shalt  }
0x6f: {  	_ =	shalt  }
0x70: {  	_ =	shalt  }
0x71: {  	_ =	shalt  }
0x72: {  	_ =	shalt  }
0x73: {  	_ =	shalt  }
0x74: {  	_ =	shalt  }
0x75: {  	_ =	shalt  }
0x76: {  	_ =	shalt  }
0x77: {  	_ =	shalt  }
0x78: {  	_ =	shalt  }
0x79: {  	_ =	shalt  }
0x7a: {  	_ =	shalt  }
0x7b: {  	_ =	shalt  }
0x7c: {  	_ =	shalt  }
0x7d: {  	_ =	shalt  }
0x7e: {  	_ =	shalt  }
0x7f: {  	_ =	shalt  }
0x80: {  	_ =	shalt  }
0x81: {  	_ =	shalt  }
0x82: {  	_ =	shalt  }
0x83: {  	_ =	shalt  }
0x84: {  	_ =	shalt  }
0x85: {  	_ =	shalt  }
0x86: {  	_ =	shalt  }
0x87: {  	_ =	shalt  }
.Lfunc_end0:
.L_simem_size_0:
called_computation.1_lowered:
.L_overlay_start_0:
0x88: {  	s2 =	sld [smem:$0x3FD9]  }
0x89: {  	s3 =	sld [smem:$0x3FFE];
	_ =	sdelay $0x1  }
0x8a: {  	s1 =	srdreg.scid  }
0x8b: {  	s0 =	sand.u32 $0x1, s1  }
0x8c: {  	s16 =	sshll.u32 s0, $0xA;
	s2 =	sadd.s32 s3, s2  }
0x8d: {  	s2 =	sadd.s32 s2, s16  }
0x8e: {  	[smem:$0x3FBB] =	sst s2  }
0x8f: {  	_ = 	snop  }
0x90: {  	(tm) =	ssettm $0x1  }
0x91: {  	s17 =	sld [smem:$0x3FFB];
	_ =	sdelay $0x3  }
0x92: {  	_ =	strace s17  }
0x93: {  	s2 =	sld [smem:$0x3FFC];
	_ =	sdelay $0x3  }
0x94: {  	_ =	strace s2  }
0x95: {  	s2 =	sld [smem:$0x3FFD];
	_ =	sdelay $0x3  }
0x96: {  	_ =	strace s2  }
0x97: {  	_ =	strace $0x8FFFFFFF  }
0x98: {  	s18 =	sld [smem:$0x3FDB];
	_ =	sdelay $0x1  }
0x99: {  	s19 =	simm.s32 $_scs_section_size  }
0x9a: {  	s4 =	simm.s32 $_size__tile_overlayer_lowered;
	s5 =	simm.s32 $_tile_overlayer_lowered  }
0x9b: {  	s22 =	simm.s32 $0x1BFF;
	s21 =	sshll.u32 s5, $0x1;
	s2 =	sadd.s32 s19, s18  }
0x9c: {  	s6 =	simm.s32 $0x0;
	s20 =	sshll.u32 s4, $0x1;
	s4 =	sadd.s32 s21, s2  }
0x9d: {  	[timem:s6], [sflag:s22] =	dma.local [hbm:s4], s20  }
0x9e: {  	_ =	swait.ge [sflag:s22], s20  }
0x9f: {  	s3 =	ssub.s32 $0x0, s20;
	[sflag:s22] =	ssyncset.done $0x0  }
0xa0: {  	[sflag:s22] =	ssyncadd.s32 s3;
	_ =	sdelay $0x1  }
0xa1: {  	s23 =	simm.s32 $0x1B8B  }
0xa2: {  	_ =	swait.ge [sflag:s23], $0x1  }
0xa3: {  	[sflag:s23] =	ssyncset.done $0x0  }
0xa4: {  	s25 =	simm.s32 $0x1B8E;
	s24 =	sld [smem:$0x3FFE];
	[sflag:s23] =	ssyncadd.s32 $0xFFFFFFFF  }
0xa5: {  	s26 =	simm.s32 $execute0_lowered;
	[smem:$0x3FD2] =	sst s25  }
0xa6: {  	s4 =	sshll.u32 s26, $0x1;
	_ =	strace $0x80000049;
	[dreg:$0x1] =	wrdreg $0xFFFFFFFF  }
0xa7: {  	s28 =	simm.s32 $_size_execute0_lowered;
	s2 =	sadd.s32 s2, s4;
	[dreg:$0x0] =	wrdreg $0x0  }
0xa8: {  	s4 =	sshll.u32 s28, $0x1;
	[dreg:$0x2] =	wrdreg s2  }
0xa9: {  	[dreg:$0x3] =	wrdreg s4  }
0xaa: {  	[dreg:$0x4] =	wrdreg $0xC0  }
0xab: {  	_ =	task [dreg:s6], $0x5FFFF  }
0xac: {  	[dreg:$0x1] =	wrdreg $0xFFFFFFFF  }
0xad: {  	[dreg:$0x0] =	wrdreg $0x60  }
0xae: {  	[dreg:$0x2] =	wrdreg s24  }
0xaf: {  	[dreg:$0x3] =	wrdreg $0x8E800  }
0xb0: {  	[dreg:$0x4] =	wrdreg $0x9  }
0xb1: {  	_ =	task.clear_ibuf [dreg:s6], $0x5FFFF;
	_ =	strace $0x90000049  }
0xb2: {  	s29 =	simm.s32 $0x9;
	_ =	strace $0x8000004B  }
0xb3: {  	_ =	swait.ge [sflag:s29], $0x1  }
0xb4: {  	[sflag:s29] =	ssyncadd.s32 $0xFFFFFFFF  }
0xb5: {  	_ =	strace $0x9000004B  }
0xb6: {  	_ =	sfence  }
0xb7: {  	s30 =	sld [smem:$0x0];
	_ =	sdelay $0x2  }
0xb8: {  	s31 =	sshll.u32 s1, $0xD;
	s1 =	sshrl.u32 s1, $0x2  }
0xb9: {  	s3 =	sand.u32 $0x4000, s31;
	s1 =	sadd.s32 s1, s30  }
0xba: {  	s0 =	sor.u32 s3, s0;
	s1 =	sshll.u32 s1, $0x11  }
0xbb: {  	s0 =	sor.u32 s1, s0  }
0xbc: {  	s0 =	sadd.s32 $0x8F2B, s0  }
0xbd: {  	[sflag:s0] =	ssyncadd.remote.s32 $0x1  }
0xbe: {  	_ =	sfence.sel $0xFFFF  }
0xbf: {  	[dreg:$0x0] =	wrdreg $0xFFFFFFFF;
	(pc) =	sbr.abs _section_cstart, $3  }
0xc0: {  	[dreg:$0x1] =	wrdreg $0xFFFFFFFF  }
0xc1: {  	_ =	task.clear_ibuf [dreg:s6], $0x2FFFF;
	_ =	strace $0x9FFFFFFF  }
0xc2: {  	(tm) =	ssettm $0x7FFFFFFF  }
0xc3: {  	_ =	shalt  }
tec
execute0_lowered:
.L_overlay_start_1:
0x0: {  	(tag) =	ssettag $0x1  }
0x1: {  	s0 =	srdreg.scid;
	s5 =	rddreg [dreg:$0x0]  }
0x2: {  	s11 =	stileid.u32;
	s2 =	rddreg [dreg:$0x1]  }
0x3: {  	s3 =	simm.s32 $0x0;
	s14 =	simm.s32 $0x5;
	s15 =	simm.s32 $0x6  }
0x4: {  	s16 =	simm.s32 $0x7;
	s17 =	simm.s32 $0x7D;
	s18 =	simm.s32 $0x5000  }
0x5: {  	s20 =	simm.s32 $0x5FA0;
	s22 =	simm.s32 $0x6F40;
	s23 =	simm.s32 $0x1  }
0x6: {  	s24 =	simm.s32 $0x7EE0;
	s25 =	simm.s32 $0x8;
	s26 =	simm.s32 $0x2  }
0x7: {  	s28 =	simm.s32 $0x3;
	s29 =	simm.s32 $0x4;
	s13 =	simm.s32 $0x4F80  }
0x8: {  	s19 =	simm.s32 $0x0;
	s0 =	sand.u32 $0x1, s0;
	s6 =	smul.u32 $0x5000, s11  }
0x9: {  	[smem:$0x7FF] =	sst s3;
	s4 =	sadd.s32 $0xD000, s5;
	s1 =	sshll.u32 s0, $0x4  }
0xa: {  	s7 =	smul.u32 $0x50000, s0;
	_ =	strace $0x8000004A;
	s0 =	ssub.s32 $0x2, s0  }
0xb: {  	s1 =	sor.u32 s11, s1;
	s8 =	sshrl.u32 s6, $0x3;
	s9 =	sshrl.u32 s0, $0x1  }
0xc: {  	s12 =	sadd.s32 s6, s2;
	s1 =	smul.u32 $0x500, s1;
	s7 =	sadd.s32 s6, s7  }
0xd: {  	s8 =	sadd.s32 s8, s5;
	s0 =	ssub.s32 s0, s9;
	s12 =	sshrl.u32 s12, $0x3  }
0xe: {  	s7 =	sshrl.u32 s7, $0x3;
	s6 =	sadd.s32 $0x9E200, s8;
	s1 =	sadd.s32 s1, s5  }
0xf: {  	s10 =	sadd.s32 s7, s5;
	s5 =	sshll.u32 s11, $0x6;
	s11 =	smax.u32 s0, $0x1  }
0x10: {  	s0 =	simm.s32 $0x4F00;
	s7 =	sor.u32 $0x1C05, s5;
	s8 =	sadd.s32 $0x1C200, s1  }
0x11: {  	s9 =	sadd.s32 $0x3000, s1;
	s10 =	sadd.s32 $0xA8200, s10;
	s1 =	simm.s32 $0x4E80  }
.LBB2_1:
0x12: {  	[spmem:s12], [sflag:s7] =	dma.local [hbm:s6], $0xA00  }
0x13: {  	[tilespmem:s3], [sflag:$0x6] =	stream.linear.gather [hbm4b:s8+s3], $0x2800, $0x38;
	[tilespmem:$0xDE80] =	vst v63  }
0x14: {  	s21 =	simm.s32 $0x2800  }
0x15: {  	[tilespmem:s21], [sflag:$0x7] =	stream.linear.gather [hbm4b:s9+s3], $0x2800, $0x38;
	[tilespmem:$0xDE80] =	vst v63  }
0x16: {  	_ =	swait.ge [sflag:s14], $0xA00  }
0x17: {  	[sflag:s14] =	ssyncset.done $0x0  }
0x18: {  	[sflag:s14] =	ssyncadd.s32 $0xFFFFF600  }
0x19: {  	_ =	swait.ge [sflag:s15], $0x2800  }
0x1a: {  	[sflag:s15] =	ssyncset.done $0x0  }
0x1b: {  	[sflag:s15] =	ssyncadd.s32 $0xFFFFD800  }
0x1c: {  	_ =	swait.ge [sflag:s16], $0x2800  }
0x1d: {  	[sflag:s16] =	ssyncset.done $0x0  }
0x1e: {  	[sflag:s16] =	ssyncadd.s32 $0xFFFFD800  }
0x1f: {  	[bflag:$0x0] =	sbarrier.arrive $0xFFFF  }
0x20: {  	[tilespmem:s18], [sflag:$0x1] =	stream.indirect.gather [hbm4b:s4+s17], $0x20, s3, s17, $0xb8;
	[tilespmem:$0xDE80] =	vst v63  }
0x21: {  	s30 =	simm.s32 $0x80  }
0x22: {  	[tilespmem:s20], [sflag:$0x2] =	stream.indirect.gather [hbm4b:s4+s17], $0x20, s30, s17, $0xb8;
	[tilespmem:$0xDE80] =	vst v63  }
0x23: {  	s31 =	simm.s32 $0x100  }
0x24: {  	[tilespmem:s22], [sflag:$0x3] =	stream.indirect.gather [hbm4b:s4+s17], $0x20, s31, s17, $0xb8;
	[tilespmem:$0xDE80] =	vst v63  }
0x25: {  	_ =	swait.ge [sflag:s23], $0xFA0  }
0x26: {  	[sflag:s23] =	ssyncset.done $0x0  }
0x27: {  	s30 =	simm.s32 $0x180;
	[sflag:s23] =	ssyncadd.s32 $0xFFFFF060  }
0x28: {  	[tilespmem:s24], [sflag:$0x4] =	stream.indirect.gather [hbm4b:s4+s17], $0x20, s30, s17, $0xb8;
	[tilespmem:$0xDE80] =	vst v63  }
0x29: {  	s31 =	simm.s32 $0x2800  }
0x2a: {  	[spmem:s2] =	stream.indirect.scatter.add.f32 [tilespmem:s18], [sflag:$0x8], $0x20, s31, s17, $0xb8;
	[tilespmem:$0xDE80] =	vst v63  }
0x2b: {  	_ =	swait.ge [sflag:s25], $0xFA0  }
0x2c: {  	[sflag:s25] =	ssyncset.done $0x0  }
0x2d: {  	[sflag:s25] =	ssyncadd.s32 $0xFFFFF060  }
0x2e: {  	_ =	swait.ge [sflag:s26], $0xFA0  }
0x2f: {  	[sflag:s26] =	ssyncset.done $0x0  }
0x30: {  	s30 =	simm.s32 $0x200;
	[sflag:s26] =	ssyncadd.s32 $0xFFFFF060  }
0x31: {  	[tilespmem:s18], [sflag:$0x1] =	stream.indirect.gather [hbm4b:s4+s17], $0x20, s30, s17, $0xb8;
	[tilespmem:$0xDE80] =	vst v63  }
0x32: {  	s31 =	simm.s32 $0x2880  }
0x33: {  	[spmem:s2] =	stream.indirect.scatter.add.f32 [tilespmem:s20], [sflag:$0x8], $0x20, s31, s17, $0xb8;
	[tilespmem:$0xDE80] =	vst v63  }
0x34: {  	_ =	swait.ge [sflag:s25], $0xFA0  }
0x35: {  	[sflag:s25] =	ssyncset.done $0x0  }
0x36: {  	[sflag:s25] =	ssyncadd.s32 $0xFFFFF060  }
0x37: {  	_ =	swait.ge [sflag:s28], $0xFA0  }
0x38: {  	[sflag:s28] =	ssyncset.done $0x0  }
0x39: {  	s30 =	simm.s32 $0x280;
	[sflag:s28] =	ssyncadd.s32 $0xFFFFF060  }
0x3a: {  	[tilespmem:s20], [sflag:$0x2] =	stream.indirect.gather [hbm4b:s4+s17], $0x20, s30, s17, $0xb8;
	[tilespmem:$0xDE80] =	vst v63  }
0x3b: {  	s31 =	simm.s32 $0x2900  }
0x3c: {  	[spmem:s2] =	stream.indirect.scatter.add.f32 [tilespmem:s22], [sflag:$0x8], $0x20, s31, s17, $0xb8;
	[tilespmem:$0xDE80] =	vst v63  }
0x3d: {  	_ =	swait.ge [sflag:s25], $0xFA0  }
0x3e: {  	[sflag:s25] =	ssyncset.done $0x0  }
0x3f: {  	[sflag:s25] =	ssyncadd.s32 $0xFFFFF060  }
0x40: {  	_ =	swait.ge [sflag:s29], $0xFA0  }
0x41: {  	[sflag:s29] =	ssyncset.done $0x0  }
0x42: {  	s30 =	simm.s32 $0x300;
	[sflag:s29] =	ssyncadd.s32 $0xFFFFF060  }
0x43: {  	[tilespmem:s22], [sflag:$0x3] =	stream.indirect.gather [hbm4b:s4+s17], $0x20, s30, s17, $0xb8;
	[tilespmem:$0xDE80] =	vst v63  }
0x44: {  	s31 =	simm.s32 $0x2980  }
0x45: {  	[spmem:s2] =	stream.indirect.scatter.add.f32 [tilespmem:s24], [sflag:$0x8], $0x20, s31, s17, $0xb8;
	[tilespmem:$0xDE80] =	vst v63  }
0x46: {  	_ =	swait.ge [sflag:s25], $0xFA0  }
0x47: {  	s21 =	simm.s32 $0x800;
	[sflag:s25] =	ssyncset.done $0x0  }
.LBB2_2:
0x48: {  	p0 =	sne.s32 s21, $0x9000  }
0x49: {  	[sflag:s25] =	ssyncadd.s32 $0xFFFFF060;
	s30 =	smov.u32 s21;
	s21 =	sadd.s32 $0x800, s21  }
0x4a: {  	_ = 	snop  }
0x4b: {  	_ =	swait.ge [sflag:s23], $0xFA0  }
0x4c: {  	s30 =	sshra.s32 s30, $0x2;
	[sflag:s23] =	ssyncset.done $0x0  }
0x4d: {  	s31 =	sadd.s32 $0x180, s30;
	[sflag:s23] =	ssyncadd.s32 $0xFFFFF060  }
0x4e: {  	[tilespmem:s24], [sflag:$0x4] =	stream.indirect.gather [hbm4b:s4+s17], $0x20, s31, s17, $0xb8;
	[tilespmem:$0xDE80] =	vst v63  }
0x4f: {  	s31 =	sadd.s32 $0x2800, s30  }
0x50: {  	[spmem:s2] =	stream.indirect.scatter.add.f32 [tilespmem:s18], [sflag:$0x8], $0x20, s31, s17, $0xb8;
	[tilespmem:$0xDE80] =	vst v63  }
0x51: {  	_ =	swait.ge [sflag:s25], $0xFA0  }
0x52: {  	[sflag:s25] =	ssyncset.done $0x0  }
0x53: {  	[sflag:s25] =	ssyncadd.s32 $0xFFFFF060  }
0x54: {  	_ =	swait.ge [sflag:s26], $0xFA0  }
0x55: {  	[sflag:s26] =	ssyncset.done $0x0  }
0x56: {  	s31 =	sadd.s32 $0x200, s30;
	[sflag:s26] =	ssyncadd.s32 $0xFFFFF060  }
0x57: {  	[tilespmem:s18], [sflag:$0x1] =	stream.indirect.gather [hbm4b:s4+s17], $0x20, s31, s17, $0xb8;
	[tilespmem:$0xDE80] =	vst v63  }
0x58: {  	s31 =	sadd.s32 $0x2880, s30  }
0x59: {  	[spmem:s2] =	stream.indirect.scatter.add.f32 [tilespmem:s20], [sflag:$0x8], $0x20, s31, s17, $0xb8;
	[tilespmem:$0xDE80] =	vst v63  }
0x5a: {  	_ =	swait.ge [sflag:s25], $0xFA0  }
0x5b: {  	[sflag:s25] =	ssyncset.done $0x0  }
0x5c: {  	[sflag:s25] =	ssyncadd.s32 $0xFFFFF060  }
0x5d: {  	_ =	swait.ge [sflag:s28], $0xFA0  }
0x5e: {  	[sflag:s28] =	ssyncset.done $0x0  }
0x5f: {  	s31 =	sadd.s32 $0x280, s30;
	[sflag:s28] =	ssyncadd.s32 $0xFFFFF060  }
0x60: {  	[tilespmem:s20], [sflag:$0x2] =	stream.indirect.gather [hbm4b:s4+s17], $0x20, s31, s17, $0xb8;
	[tilespmem:$0xDE80] =	vst v63  }
0x61: {  	s31 =	sadd.s32 $0x2900, s30  }
0x62: {  	[spmem:s2] =	stream.indirect.scatter.add.f32 [tilespmem:s22], [sflag:$0x8], $0x20, s31, s17, $0xb8;
	[tilespmem:$0xDE80] =	vst v63  }
0x63: {  	_ =	swait.ge [sflag:s25], $0xFA0  }
0x64: {  	[sflag:s25] =	ssyncset.done $0x0  }
0x65: {  	[sflag:s25] =	ssyncadd.s32 $0xFFFFF060  }
0x66: {  	_ =	swait.ge [sflag:s29], $0xFA0  }
0x67: {  	[sflag:s29] =	ssyncset.done $0x0  }
0x68: {  	s31 =	sadd.s32 $0x300, s30;
	[sflag:s29] =	ssyncadd.s32 $0xFFFFF060  }
0x69: {  	[tilespmem:s22], [sflag:$0x3] =	stream.indirect.gather [hbm4b:s4+s17], $0x20, s31, s17, $0xb8;
	[tilespmem:$0xDE80] =	vst v63  }
.Ltmp0:
0x6a: {  	_ = 	snop;
	(pc) =	sbr.rel @p0 .LBB2_2-.Ltmp0, $4  }
0x6b: {  	s30 =	sadd.s32 $0x2980, s30  }
0x6c: {  	[spmem:s2] =	stream.indirect.scatter.add.f32 [tilespmem:s24], [sflag:$0x8], $0x20, s30, s17, $0xb8;
	[tilespmem:$0xDE80] =	vst v63  }
0x6d: {  	_ =	swait.ge [sflag:s25], $0xFA0  }
0x6e: {  	[sflag:s25] =	ssyncset.done $0x0  }
0x6f: {  	[sflag:s25] =	ssyncadd.s32 $0xFFFFF060  }
0x70: {  	_ =	swait.ge [sflag:s23], $0xFA0  }
0x71: {  	[sflag:s23] =	ssyncset.done $0x0  }
0x72: {  	s21 =	simm.s32 $0x2780;
	[sflag:s23] =	ssyncadd.s32 $0xFFFFF060  }
0x73: {  	[tilespmem:s24], [sflag:$0x4] =	stream.indirect.gather [hbm4b:s4+s17], $0x20, s21, s17, $0xb8;
	[tilespmem:$0xDE80] =	vst v63  }
0x74: {  	s30 =	simm.s32 $0x4E00  }
0x75: {  	[spmem:s2] =	stream.indirect.scatter.add.f32 [tilespmem:s18], [sflag:$0x8], $0x20, s30, s17, $0xb8;
	[tilespmem:$0xDE80] =	vst v63  }
0x76: {  	_ =	swait.ge [sflag:s25], $0xFA0  }
0x77: {  	[sflag:s25] =	ssyncset.done $0x0  }
0x78: {  	[sflag:s25] =	ssyncadd.s32 $0xFFFFF060  }
0x79: {  	_ =	swait.ge [sflag:s26], $0xFA0  }
0x7a: {  	[sflag:s26] =	ssyncset.done $0x0  }
0x7b: {  	[sflag:s26] =	ssyncadd.s32 $0xFFFFF060  }
0x7c: {  	[spmem:s2] =	stream.indirect.scatter.add.f32 [tilespmem:s20], [sflag:$0x8], $0x20, s1, s17, $0xb8;
	[tilespmem:$0xDE80] =	vst v63  }
0x7d: {  	_ =	swait.ge [sflag:s25], $0xFA0  }
0x7e: {  	[sflag:s25] =	ssyncset.done $0x0  }
0x7f: {  	[sflag:s25] =	ssyncadd.s32 $0xFFFFF060  }
0x80: {  	_ =	swait.ge [sflag:s28], $0xFA0  }
0x81: {  	[sflag:s28] =	ssyncset.done $0x0  }
0x82: {  	[sflag:s28] =	ssyncadd.s32 $0xFFFFF060  }
0x83: {  	[spmem:s2] =	stream.indirect.scatter.add.f32 [tilespmem:s22], [sflag:$0x8], $0x20, s0, s17, $0xb8;
	[tilespmem:$0xDE80] =	vst v63  }
0x84: {  	_ =	swait.ge [sflag:s25], $0xFA0  }
0x85: {  	[sflag:s25] =	ssyncset.done $0x0  }
0x86: {  	[sflag:s25] =	ssyncadd.s32 $0xFFFFF060  }
0x87: {  	_ =	swait.ge [sflag:s29], $0xFA0  }
0x88: {  	[sflag:s29] =	ssyncset.done $0x0  }
0x89: {  	[sflag:s29] =	ssyncadd.s32 $0xFFFFF060  }
0x8a: {  	[spmem:s2] =	stream.indirect.scatter.add.f32 [tilespmem:s24], [sflag:$0x8], $0x20, s13, s17, $0xb8;
	[tilespmem:$0xDE80] =	vst v63  }
0x8b: {  	_ =	swait.ge [sflag:s25], $0xFA0  }
0x8c: {  	s19 =	sadd.s32 $0x1, s19;
	[sflag:s25] =	ssyncset.done $0x0  }
0x8d: {  	p0 =	sne.s32 s19, s11;
	[sflag:s25] =	ssyncadd.s32 $0xFFFFF060  }
.Ltmp1:
0x8e: {  	s31 =	sor.u32 $0x1C08, s5;
	[bflag:$0x0] =	sbarrier.arrive $0xFFFF;
	(pc) =	sbr.rel @p0 .LBB2_1-.Ltmp1, $4  }
0x8f: {  	[hbm:s10], [sflag:s31] =	dma.local [spmem:s12], $0xA00  }
0x90: {  	_ =	swait.ge [sflag:s25], $0xA00  }
0x91: {  	[sflag:s25] =	ssyncset.done $0x0  }
0x92: {  	[sflag:s25] =	ssyncadd.s32 $0xFFFFF600  }
0x93: {  	_ =	sfence.sel $0x180000  }
0x94: {  	[bflag:$0x0] =	sbarrier.arrive $0xFFFF  }
0x95: {  	_ =	strace $0x9000004A  }
0x96: {  	s0 =	stileid.u32;
	[bflag:$0x2] =	sbarrier.arrive $0xFFFF  }
0x97: {  	p0 =	sne.s32 s0, $0x0;
	s0 =	rddreg [dreg:$0x2]  }
0x98: {  	s0 =	sadd.s32 @!p0 $0x100000, s0  }
0x99: {  	[sflag:s0] =	ssyncadd.tile.s32 @!p0 $0x1;
	_ =	shalt  }
.Lfunc_end2:
_tile_overlayer_lowered:
.L_overlay_start_2:
0x9a: {  	(tag) =	ssettag $0x2  }
0x9b: {  	s0 =	rddreg [dreg:$0x0];
	s2 =	stileid.u32  }
0x9c: {  	s1 =	rddreg [dreg:$0x1];
	p0 =	sne.s32 s2, $0x0  }
0x9d: {  	s3 =	rddreg [dreg:$0x2];
	[bflag:$0x3] =	sbarrier.arrive $0xFFFF;
	s2 =	simm.s32 @!p0 $0x1C08  }
0x9e: {  	[timem:s3], [sflag:s2] =	dma.local @!p0 [hbm:s0], s1  }
0x9f: {  	s0 =	simm.s32 @!p0 $0x8  }
0xa0: {  	_ =	swait.ge @!p0 [sflag:s0], s1  }
0xa1: {  	s1 =	ssub.s32 @!p0 $0x0, s1;
	[sflag:s0] =	ssyncset.done @!p0 $0x0  }
0xa2: {  	[sflag:s0] =	ssyncadd.s32 @!p0 s1  }
0xa3: {  	[bflag:$0x3] =	sbarrier.arrive $0xFFFF  }
0xa4: {  	_ =	shalt  }

// kernel: kernel.17.cloned.1.call-start
scs
__scs_entry_jumppad:
0x0: {  	(pc) =	sbr.rel $0x88, $3  }
0x1: {  	(tag) =	ssettag $0x0;
	lr =	simm.s32 $0x1  }
0x2: {  	[smem:$0x3F94] =	sst lr;
	_ =	strace $0xD0000000  }
0x3: {  	_ = 	snop  }
0x4: {  	_ = 	snop  }
0x5: {  	_ = 	snop  }
0x6: {  	_ = 	snop  }
0x7: {  	_ = 	snop  }
__scs_overlays_trampoline_lowered:
0x8: {  	[smem:$0x3FA3] =	sst s0  }
0x9: {  	[smem:$0x3FA4] =	sst s1  }
0xa: {  	[smem:$0x3FA5] =	sst s2  }
0xb: {  	[smem:$0x3FA6] =	sst s3  }
0xc: {  	[smem:$0x3FA7] =	sst s4  }
0xd: {  	[smem:$0x3FA8] =	sst s5  }
0xe: {  	[smem:$0x3FA9] =	sst s6  }
0xf: {  	[smem:$0x3FAA] =	sst s7  }
0x10: {  	[smem:$0x3FAB] =	sst s8  }
0x11: {  	[smem:$0x3FAC] =	sst s9;
	s0 =	simm.s32 @!p0 $0x0  }
0x12: {  	s1 =	sld [smem:$0x3F92];
	s0 =	simm.s32 @p0 $0x1  }
0x13: {  	[smem:$0x3FAD] =	sst s0;
	s0 =	simm.s32 @!p1 $0x0  }
0x14: {  	s2 =	sld [smem:$0x3F91];
	s0 =	simm.s32 @p1 $0x1  }
0x15: {  	[smem:$0x3FAE] =	sst s0;
	s0 =	simm.s32 @!p2 $0x0  }
0x16: {  	s3 =	sld [smem:$0x3FDB];
	s0 =	simm.s32 @p2 $0x1  }
0x17: {  	s4 =	simm.s32 $0x1BF5;
	[smem:$0x3FB0] =	sst s0  }
0x18: {  	s0 =	sld [smem:$0x3F93];
	_ =	swait.ge [sflag:s4], $0x0  }
0x19: {  	s7 =	sld [smem:$0x3F94]  }
0x1a: {  	s8 =	sadd.s32 $0xFFFFE003, lr  }
0x1b: {  	s9 =	sadd.s32 $0xFFFFFEF7, lr;
	s5 =	simm.s32 $0xFFFFFFFF;
	p2 =	slt.u32 s8, $0xFFFFF086  }
0x1c: {  	p1 =	slt.u32 s9, $0xF7A;
	s5 =	simm.s32 @!p2 $0x0  }
0x1d: {  	s5 =	simm.s32 @p1 $0x1;
	p0 =	seq.s32 s7, s2  }
0x1e: {  	s7 =	smul.u32 @!p0 $0xF7A, s2;
	p2 =	seq.s32 @!p0 s5, $0x0  }
0x1f: {  	s9 =	smul.u32 $0xF7A, s1;
	s8 =	simm.s32 @!p0 $0x1BF5;
	p2 =	por !p2, p0  }
0x20: {  	[sflag:s8] =	ssyncset.s32 @!p0 $0xFFFFF086;
	s6 =	sadd.s32 @!p0 s3, s7;
	s7 =	simm.s32 @!p0 $0x108  }
0x21: {  	s3 =	sadd.s32 s3, s9;
	s6 =	sadd.s32 @!p0 $0x88, s6;
	s7 =	simm.s32 @p2 $0x1082  }
0x22: {  	[simem:s7], [sflag:s8] =	dma.local @!p0 [hbm:s6], $0xF7A  }
0x23: {  	s9 =	sor.u32 $0xD0000000, s2;
	s6 =	simm.s32 $0x108;
	_ =	swait.ge @!p0 [sflag:s8], $0x0  }
0x24: {  	s3 =	sadd.s32 $0x88, s3;
	s6 =	simm.s32 @!p1 $0x1082;
	[sflag:s4] =	ssyncset.s32 $0xFFFFF086  }
0x25: {  	[simem:s6], [sflag:s4] =	dma.local [hbm:s3], $0xF7A  }
0x26: {  	[smem:$0x3F94] =	sst s1;
	(tag) =	ssettag s2;
	_ =	strace s9  }
0x27: {  	s1 =	sld [smem:$0x3FA4]  }
0x28: {  	s2 =	sld [smem:$0x3FA5]  }
0x29: {  	s4 =	sld [smem:$0x3FA7]  }
0x2a: {  	p0 =	seq.s32 s5, $0x0;
	s5 =	sld [smem:$0x3FA8]  }
0x2b: {  	s6 =	sld [smem:$0x3FA9]  }
0x2c: {  	s7 =	sld [smem:$0x3FAA]  }
0x2d: {  	s3 =	simm.s32 $0x108;
	s8 =	sld [smem:$0x3FAB]  }
0x2e: {  	s3 =	simm.s32 @!p0 $0x1082;
	s9 =	sld [smem:$0x3FAC]  }
0x2f: {  	lr =	sadd.s32 s0, s3;
	s0 =	sld [smem:$0x3FA3]  }
0x30: {  	s3 =	sld [smem:$0x3FA6]  }
0x31: {  	[smem:$0x3FAF] =	sst s10  }
0x32: {  	s10 =	sld [smem:$0x3FAD];
	_ =	sdelay $0x3  }
0x33: {  	p0 =	seq.s32 s10, $0x1;
	s10 =	sld [smem:$0x3FAF];
	_ =	sdelay $0x3  }
0x34: {  	[smem:$0x3FAF] =	sst s10  }
0x35: {  	s10 =	sld [smem:$0x3FAE];
	_ =	sdelay $0x3  }
0x36: {  	p1 =	seq.s32 s10, $0x1;
	s10 =	sld [smem:$0x3FAF];
	_ =	sdelay $0x3  }
0x37: {  	[smem:$0x3FAF] =	sst s10  }
0x38: {  	s10 =	sld [smem:$0x3FB0]  }
0x39: {  	_ = 	snop;
	(pc) =	sbr.ind lr, $3  }
0x3a: {  	_ = 	snop  }
0x3b: {  	_ = 	snop  }
0x3c: {  	p2 =	seq.s32 s10, $0x1;
	s10 =	sld [smem:$0x3FAF]  }
0x3d: {  	_ =	shalt  }
0x3e: {  	_ =	shalt  }
0x3f: {  	_ =	shalt  }
0x40: {  	_ =	shalt  }
0x41: {  	_ =	shalt  }
0x42: {  	_ =	shalt  }
0x43: {  	_ =	shalt  }
0x44: {  	_ =	shalt  }
0x45: {  	_ =	shalt  }
0x46: {  	_ =	shalt  }
0x47: {  	_ =	shalt  }
0x48: {  	_ =	shalt  }
0x49: {  	_ =	shalt  }
0x4a: {  	_ =	shalt  }
0x4b: {  	_ =	shalt  }
0x4c: {  	_ =	shalt  }
0x4d: {  	_ =	shalt  }
0x4e: {  	_ =	shalt  }
0x4f: {  	_ =	shalt  }
0x50: {  	_ =	shalt  }
0x51: {  	_ =	shalt  }
0x52: {  	_ =	shalt  }
0x53: {  	_ =	shalt  }
0x54: {  	_ =	shalt  }
0x55: {  	_ =	shalt  }
0x56: {  	_ =	shalt  }
0x57: {  	_ =	shalt  }
0x58: {  	_ =	shalt  }
0x59: {  	_ =	shalt  }
0x5a: {  	_ =	shalt  }
0x5b: {  	_ =	shalt  }
0x5c: {  	_ =	shalt  }
0x5d: {  	_ =	shalt  }
0x5e: {  	_ =	shalt  }
0x5f: {  	_ =	shalt  }
0x60: {  	_ =	shalt  }
0x61: {  	_ =	shalt  }
0x62: {  	_ =	shalt  }
0x63: {  	_ =	shalt  }
0x64: {  	_ =	shalt  }
0x65: {  	_ =	shalt  }
0x66: {  	_ =	shalt  }
0x67: {  	_ =	shalt  }
0x68: {  	_ =	shalt  }
0x69: {  	_ =	shalt  }
0x6a: {  	_ =	shalt  }
0x6b: {  	_ =	shalt  }
0x6c: {  	_ =	shalt  }
0x6d: {  	_ =	shalt  }
0x6e: {  	_ =	shalt  }
0x6f: {  	_ =	shalt  }
0x70: {  	_ =	shalt  }
0x71: {  	_ =	shalt  }
0x72: {  	_ =	shalt  }
0x73: {  	_ =	shalt  }
0x74: {  	_ =	shalt  }
0x75: {  	_ =	shalt  }
0x76: {  	_ =	shalt  }
0x77: {  	_ =	shalt  }
0x78: {  	_ =	shalt  }
0x79: {  	_ =	shalt  }
0x7a: {  	_ =	shalt  }
0x7b: {  	_ =	shalt  }
0x7c: {  	_ =	shalt  }
0x7d: {  	_ =	shalt  }
0x7e: {  	_ =	shalt  }
0x7f: {  	_ =	shalt  }
0x80: {  	_ =	shalt  }
0x81: {  	_ =	shalt  }
0x82: {  	_ =	shalt  }
0x83: {  	_ =	shalt  }
0x84: {  	_ =	shalt  }
0x85: {  	_ =	shalt  }
0x86: {  	_ =	shalt  }
0x87: {  	_ =	shalt  }
.Lfunc_end0:
.L_simem_size_0:
called_computation.2_lowered:
.L_overlay_start_0:
0x88: {  	s2 =	sld [smem:$0x3FD9]  }
0x89: {  	s3 =	sld [smem:$0x3FFE];
	_ =	sdelay $0x1  }
0x8a: {  	s1 =	srdreg.scid  }
0x8b: {  	s0 =	sand.u32 $0x1, s1  }
0x8c: {  	s16 =	sshll.u32 s0, $0xA;
	s2 =	sadd.s32 s3, s2  }
0x8d: {  	s2 =	sadd.s32 s2, s16  }
0x8e: {  	[smem:$0x3FBB] =	sst s2  }
0x8f: {  	_ = 	snop  }
0x90: {  	(tm) =	ssettm $0x1  }
0x91: {  	s17 =	sld [smem:$0x3FFB];
	_ =	sdelay $0x3  }
0x92: {  	_ =	strace s17  }
0x93: {  	s2 =	sld [smem:$0x3FFC];
	_ =	sdelay $0x3  }
0x94: {  	_ =	strace s2  }
0x95: {  	s2 =	sld [smem:$0x3FFD];
	_ =	sdelay $0x3  }
0x96: {  	_ =	strace s2  }
0x97: {  	_ =	strace $0x8FFFFFFF  }
0x98: {  	s18 =	sld [smem:$0x3FDB];
	_ =	sdelay $0x1  }
0x99: {  	s19 =	simm.s32 $_scs_section_size  }
0x9a: {  	s4 =	simm.s32 $_size__tile_overlayer_lowered;
	s5 =	simm.s32 $_tile_overlayer_lowered  }
0x9b: {  	s22 =	simm.s32 $0x1BFF;
	s21 =	sshll.u32 s5, $0x1;
	s2 =	sadd.s32 s19, s18  }
0x9c: {  	s6 =	simm.s32 $0x0;
	s20 =	sshll.u32 s4, $0x1;
	s4 =	sadd.s32 s21, s2  }
0x9d: {  	[timem:s6], [sflag:s22] =	dma.local [hbm:s4], s20  }
0x9e: {  	_ =	swait.ge [sflag:s22], s20  }
0x9f: {  	s3 =	ssub.s32 $0x0, s20;
	[sflag:s22] =	ssyncset.done $0x0  }
0xa0: {  	[sflag:s22] =	ssyncadd.s32 s3;
	_ =	sdelay $0x1  }
0xa1: {  	s23 =	simm.s32 $0x1B8B  }
0xa2: {  	_ =	swait.ge [sflag:s23], $0x1  }
0xa3: {  	[sflag:s23] =	ssyncset.done $0x0  }
0xa4: {  	s25 =	simm.s32 $0x1B8E;
	s24 =	sld [smem:$0x3FFE];
	[sflag:s23] =	ssyncadd.s32 $0xFFFFFFFF  }
0xa5: {  	s26 =	simm.s32 $execute0_lowered;
	[smem:$0x3FD2] =	sst s25  }
0xa6: {  	s4 =	sshll.u32 s26, $0x1;
	_ =	strace $0x8000004C;
	[dreg:$0x1] =	wrdreg $0xFFFFFFFF  }
0xa7: {  	s28 =	simm.s32 $_size_execute0_lowered;
	s2 =	sadd.s32 s2, s4;
	[dreg:$0x0] =	wrdreg $0x0  }
0xa8: {  	s4 =	sshll.u32 s28, $0x1;
	[dreg:$0x2] =	wrdreg s2  }
0xa9: {  	[dreg:$0x3] =	wrdreg s4  }
0xaa: {  	[dreg:$0x4] =	wrdreg $0xC0  }
0xab: {  	_ =	task [dreg:s6], $0x5FFFF  }
0xac: {  	[dreg:$0x1] =	wrdreg $0xFFFFFFFF  }
0xad: {  	[dreg:$0x0] =	wrdreg $0x60  }
0xae: {  	[dreg:$0x2] =	wrdreg s24  }
0xaf: {  	[dreg:$0x3] =	wrdreg $0xADC00  }
0xb0: {  	[dreg:$0x4] =	wrdreg $0x9  }
0xb1: {  	_ =	task.clear_ibuf [dreg:s6], $0x5FFFF;
	_ =	strace $0x9000004C  }
0xb2: {  	s29 =	simm.s32 $0x9;
	_ =	strace $0x8000004E  }
0xb3: {  	_ =	swait.ge [sflag:s29], $0x1  }
0xb4: {  	[sflag:s29] =	ssyncadd.s32 $0xFFFFFFFF  }
0xb5: {  	_ =	strace $0x9000004E  }
0xb6: {  	_ =	sfence  }
0xb7: {  	s30 =	sld [smem:$0x0];
	_ =	sdelay $0x2  }
0xb8: {  	s31 =	sshll.u32 s1, $0xD;
	s1 =	sshrl.u32 s1, $0x2  }
0xb9: {  	s3 =	sand.u32 $0x4000, s31;
	s1 =	sadd.s32 s1, s30  }
0xba: {  	s0 =	sor.u32 s3, s0;
	s1 =	sshll.u32 s1, $0x11  }
0xbb: {  	s0 =	sor.u32 s1, s0  }
0xbc: {  	s0 =	sadd.s32 $0x8F2B, s0  }
0xbd: {  	[sflag:s0] =	ssyncadd.remote.s32 $0x1  }
0xbe: {  	_ =	sfence.sel $0xFFFF  }
0xbf: {  	[dreg:$0x0] =	wrdreg $0xFFFFFFFF;
	(pc) =	sbr.abs _section_cstart, $3  }
0xc0: {  	[dreg:$0x1] =	wrdreg $0xFFFFFFFF  }
0xc1: {  	_ =	task.clear_ibuf [dreg:s6], $0x2FFFF;
	_ =	strace $0x9FFFFFFF  }
0xc2: {  	(tm) =	ssettm $0x7FFFFFFF  }
0xc3: {  	_ =	shalt  }
tec
execute0_lowered:
.L_overlay_start_1:
0x0: {  	(tag) =	ssettag $0x1  }
0x1: {  	s0 =	srdreg.scid;
	s5 =	rddreg [dreg:$0x0]  }
0x2: {  	s11 =	stileid.u32;
	s2 =	rddreg [dreg:$0x1]  }
0x3: {  	s3 =	simm.s32 $0x0;
	s14 =	simm.s32 $0x5;
	s15 =	simm.s32 $0x6  }
0x4: {  	s16 =	simm.s32 $0x7;
	s17 =	simm.s32 $0x7D;
	s18 =	simm.s32 $0x5000  }
0x5: {  	s20 =	simm.s32 $0x6770;
	s22 =	simm.s32 $0x7EE0;
	s23 =	simm.s32 $0x1  }
0x6: {  	s24 =	simm.s32 $0x9650;
	s25 =	simm.s32 $0x8;
	s26 =	simm.s32 $0x2  }
0x7: {  	s28 =	simm.s32 $0x3;
	s29 =	simm.s32 $0x4;
	s13 =	simm.s32 $0x4F80  }
0x8: {  	s19 =	simm.s32 $0x0;
	s0 =	sand.u32 $0x1, s0;
	s6 =	smul.u32 $0x7800, s11  }
0x9: {  	[smem:$0x7FF] =	sst s3;
	s4 =	sadd.s32 $0xD000, s5;
	s1 =	sshll.u32 s0, $0x4  }
0xa: {  	s7 =	smul.u32 $0x78000, s0;
	_ =	strace $0x8000004D;
	s0 =	ssub.s32 $0x2, s0  }
0xb: {  	s1 =	sor.u32 s11, s1;
	s8 =	sshrl.u32 s6, $0x3;
	s9 =	sshrl.u32 s0, $0x1  }
0xc: {  	s12 =	sadd.s32 s6, s2;
	s1 =	smul.u32 $0x500, s1;
	s7 =	sadd.s32 s6, s7  }
0xd: {  	s8 =	sadd.s32 s8, s5;
	s0 =	ssub.s32 s0, s9;
	s12 =	sshrl.u32 s12, $0x3  }
0xe: {  	s7 =	sshrl.u32 s7, $0x3;
	s6 =	sadd.s32 $0x76200, s8;
	s1 =	sadd.s32 s1, s5  }
0xf: {  	s10 =	sadd.s32 s7, s5;
	s5 =	sshll.u32 s11, $0x6;
	s11 =	smax.u32 s0, $0x1  }
0x10: {  	s0 =	simm.s32 $0x4F00;
	s7 =	sor.u32 $0x1C05, s5;
	s8 =	sadd.s32 $0x1C200, s1  }
0x11: {  	s9 =	sadd.s32 $0x3000, s1;
	s10 =	sadd.s32 $0x85200, s10;
	s1 =	simm.s32 $0x4E80  }
.LBB2_1:
0x12: {  	[spmem:s12], [sflag:s7] =	dma.local [hbm:s6], $0xF00  }
0x13: {  	[tilespmem:s3], [sflag:$0x6] =	stream.linear.gather [hbm4b:s8+s3], $0x2800, $0x38;
	[tilespmem:$0x125C0] =	vst v63  }
0x14: {  	s21 =	simm.s32 $0x2800  }
0x15: {  	[tilespmem:s21], [sflag:$0x7] =	stream.linear.gather [hbm4b:s9+s3], $0x2800, $0x38;
	[tilespmem:$0x125C0] =	vst v63  }
0x16: {  	_ =	swait.ge [sflag:s14], $0xF00  }
0x17: {  	[sflag:s14] =	ssyncset.done $0x0  }
0x18: {  	[sflag:s14] =	ssyncadd.s32 $0xFFFFF100  }
0x19: {  	_ =	swait.ge [sflag:s15], $0x2800  }
0x1a: {  	[sflag:s15] =	ssyncset.done $0x0  }
0x1b: {  	[sflag:s15] =	ssyncadd.s32 $0xFFFFD800  }
0x1c: {  	_ =	swait.ge [sflag:s16], $0x2800  }
0x1d: {  	[sflag:s16] =	ssyncset.done $0x0  }
0x1e: {  	[sflag:s16] =	ssyncadd.s32 $0xFFFFD800  }
0x1f: {  	[bflag:$0x0] =	sbarrier.arrive $0xFFFF  }
0x20: {  	[tilespmem:s18], [sflag:$0x1] =	stream.indirect.gather [hbm4b:s4+s17], $0x30, s3, s17, $0xb8;
	[tilespmem:$0x125C0] =	vst v63  }
0x21: {  	s30 =	simm.s32 $0x80  }
0x22: {  	[tilespmem:s20], [sflag:$0x2] =	stream.indirect.gather [hbm4b:s4+s17], $0x30, s30, s17, $0xb8;
	[tilespmem:$0x125C0] =	vst v63  }
0x23: {  	s31 =	simm.s32 $0x100  }
0x24: {  	[tilespmem:s22], [sflag:$0x3] =	stream.indirect.gather [hbm4b:s4+s17], $0x30, s31, s17, $0xb8;
	[tilespmem:$0x125C0] =	vst v63  }
0x25: {  	_ =	swait.ge [sflag:s23], $0x1770  }
0x26: {  	[sflag:s23] =	ssyncset.done $0x0  }
0x27: {  	s30 =	simm.s32 $0x180;
	[sflag:s23] =	ssyncadd.s32 $0xFFFFE890  }
0x28: {  	[tilespmem:s24], [sflag:$0x4] =	stream.indirect.gather [hbm4b:s4+s17], $0x30, s30, s17, $0xb8;
	[tilespmem:$0x125C0] =	vst v63  }
0x29: {  	s31 =	simm.s32 $0x2800  }
0x2a: {  	[spmem:s2] =	stream.indirect.scatter.add.f32 [tilespmem:s18], [sflag:$0x8], $0x30, s31, s17, $0xb8;
	[tilespmem:$0x125C0] =	vst v63  }
0x2b: {  	_ =	swait.ge [sflag:s25], $0x1770  }
0x2c: {  	[sflag:s25] =	ssyncset.done $0x0  }
0x2d: {  	[sflag:s25] =	ssyncadd.s32 $0xFFFFE890  }
0x2e: {  	_ =	swait.ge [sflag:s26], $0x1770  }
0x2f: {  	[sflag:s26] =	ssyncset.done $0x0  }
0x30: {  	s30 =	simm.s32 $0x200;
	[sflag:s26] =	ssyncadd.s32 $0xFFFFE890  }
0x31: {  	[tilespmem:s18], [sflag:$0x1] =	stream.indirect.gather [hbm4b:s4+s17], $0x30, s30, s17, $0xb8;
	[tilespmem:$0x125C0] =	vst v63  }
0x32: {  	s31 =	simm.s32 $0x2880  }
0x33: {  	[spmem:s2] =	stream.indirect.scatter.add.f32 [tilespmem:s20], [sflag:$0x8], $0x30, s31, s17, $0xb8;
	[tilespmem:$0x125C0] =	vst v63  }
0x34: {  	_ =	swait.ge [sflag:s25], $0x1770  }
0x35: {  	[sflag:s25] =	ssyncset.done $0x0  }
0x36: {  	[sflag:s25] =	ssyncadd.s32 $0xFFFFE890  }
0x37: {  	_ =	swait.ge [sflag:s28], $0x1770  }
0x38: {  	[sflag:s28] =	ssyncset.done $0x0  }
0x39: {  	s30 =	simm.s32 $0x280;
	[sflag:s28] =	ssyncadd.s32 $0xFFFFE890  }
0x3a: {  	[tilespmem:s20], [sflag:$0x2] =	stream.indirect.gather [hbm4b:s4+s17], $0x30, s30, s17, $0xb8;
	[tilespmem:$0x125C0] =	vst v63  }
0x3b: {  	s31 =	simm.s32 $0x2900  }
0x3c: {  	[spmem:s2] =	stream.indirect.scatter.add.f32 [tilespmem:s22], [sflag:$0x8], $0x30, s31, s17, $0xb8;
	[tilespmem:$0x125C0] =	vst v63  }
0x3d: {  	_ =	swait.ge [sflag:s25], $0x1770  }
0x3e: {  	[sflag:s25] =	ssyncset.done $0x0  }
0x3f: {  	[sflag:s25] =	ssyncadd.s32 $0xFFFFE890  }
0x40: {  	_ =	swait.ge [sflag:s29], $0x1770  }
0x41: {  	[sflag:s29] =	ssyncset.done $0x0  }
0x42: {  	s30 =	simm.s32 $0x300;
	[sflag:s29] =	ssyncadd.s32 $0xFFFFE890  }
0x43: {  	[tilespmem:s22], [sflag:$0x3] =	stream.indirect.gather [hbm4b:s4+s17], $0x30, s30, s17, $0xb8;
	[tilespmem:$0x125C0] =	vst v63  }
0x44: {  	s31 =	simm.s32 $0x2980  }
0x45: {  	[spmem:s2] =	stream.indirect.scatter.add.f32 [tilespmem:s24], [sflag:$0x8], $0x30, s31, s17, $0xb8;
	[tilespmem:$0x125C0] =	vst v63  }
0x46: {  	_ =	swait.ge [sflag:s25], $0x1770  }
0x47: {  	s21 =	simm.s32 $0x800;
	[sflag:s25] =	ssyncset.done $0x0  }
.LBB2_2:
0x48: {  	p0 =	sne.s32 s21, $0x9000  }
0x49: {  	[sflag:s25] =	ssyncadd.s32 $0xFFFFE890;
	s30 =	smov.u32 s21;
	s21 =	sadd.s32 $0x800, s21  }
0x4a: {  	_ = 	snop  }
0x4b: {  	_ =	swait.ge [sflag:s23], $0x1770  }
0x4c: {  	s30 =	sshra.s32 s30, $0x2;
	[sflag:s23] =	ssyncset.done $0x0  }
0x4d: {  	s31 =	sadd.s32 $0x180, s30;
	[sflag:s23] =	ssyncadd.s32 $0xFFFFE890  }
0x4e: {  	[tilespmem:s24], [sflag:$0x4] =	stream.indirect.gather [hbm4b:s4+s17], $0x30, s31, s17, $0xb8;
	[tilespmem:$0x125C0] =	vst v63  }
0x4f: {  	s31 =	sadd.s32 $0x2800, s30  }
0x50: {  	[spmem:s2] =	stream.indirect.scatter.add.f32 [tilespmem:s18], [sflag:$0x8], $0x30, s31, s17, $0xb8;
	[tilespmem:$0x125C0] =	vst v63  }
0x51: {  	_ =	swait.ge [sflag:s25], $0x1770  }
0x52: {  	[sflag:s25] =	ssyncset.done $0x0  }
0x53: {  	[sflag:s25] =	ssyncadd.s32 $0xFFFFE890  }
0x54: {  	_ =	swait.ge [sflag:s26], $0x1770  }
0x55: {  	[sflag:s26] =	ssyncset.done $0x0  }
0x56: {  	s31 =	sadd.s32 $0x200, s30;
	[sflag:s26] =	ssyncadd.s32 $0xFFFFE890  }
0x57: {  	[tilespmem:s18], [sflag:$0x1] =	stream.indirect.gather [hbm4b:s4+s17], $0x30, s31, s17, $0xb8;
	[tilespmem:$0x125C0] =	vst v63  }
0x58: {  	s31 =	sadd.s32 $0x2880, s30  }
0x59: {  	[spmem:s2] =	stream.indirect.scatter.add.f32 [tilespmem:s20], [sflag:$0x8], $0x30, s31, s17, $0xb8;
	[tilespmem:$0x125C0] =	vst v63  }
0x5a: {  	_ =	swait.ge [sflag:s25], $0x1770  }
0x5b: {  	[sflag:s25] =	ssyncset.done $0x0  }
0x5c: {  	[sflag:s25] =	ssyncadd.s32 $0xFFFFE890  }
0x5d: {  	_ =	swait.ge [sflag:s28], $0x1770  }
0x5e: {  	[sflag:s28] =	ssyncset.done $0x0  }
0x5f: {  	s31 =	sadd.s32 $0x280, s30;
	[sflag:s28] =	ssyncadd.s32 $0xFFFFE890  }
0x60: {  	[tilespmem:s20], [sflag:$0x2] =	stream.indirect.gather [hbm4b:s4+s17], $0x30, s31, s17, $0xb8;
	[tilespmem:$0x125C0] =	vst v63  }
0x61: {  	s31 =	sadd.s32 $0x2900, s30  }
0x62: {  	[spmem:s2] =	stream.indirect.scatter.add.f32 [tilespmem:s22], [sflag:$0x8], $0x30, s31, s17, $0xb8;
	[tilespmem:$0x125C0] =	vst v63  }
0x63: {  	_ =	swait.ge [sflag:s25], $0x1770  }
0x64: {  	[sflag:s25] =	ssyncset.done $0x0  }
0x65: {  	[sflag:s25] =	ssyncadd.s32 $0xFFFFE890  }
0x66: {  	_ =	swait.ge [sflag:s29], $0x1770  }
0x67: {  	[sflag:s29] =	ssyncset.done $0x0  }
0x68: {  	s31 =	sadd.s32 $0x300, s30;
	[sflag:s29] =	ssyncadd.s32 $0xFFFFE890  }
0x69: {  	[tilespmem:s22], [sflag:$0x3] =	stream.indirect.gather [hbm4b:s4+s17], $0x30, s31, s17, $0xb8;
	[tilespmem:$0x125C0] =	vst v63  }
.Ltmp0:
0x6a: {  	_ = 	snop;
	(pc) =	sbr.rel @p0 .LBB2_2-.Ltmp0, $4  }
0x6b: {  	s30 =	sadd.s32 $0x2980, s30  }
0x6c: {  	[spmem:s2] =	stream.indirect.scatter.add.f32 [tilespmem:s24], [sflag:$0x8], $0x30, s30, s17, $0xb8;
	[tilespmem:$0x125C0] =	vst v63  }
0x6d: {  	_ =	swait.ge [sflag:s25], $0x1770  }
0x6e: {  	[sflag:s25] =	ssyncset.done $0x0  }
0x6f: {  	[sflag:s25] =	ssyncadd.s32 $0xFFFFE890  }
0x70: {  	_ =	swait.ge [sflag:s23], $0x1770  }
0x71: {  	[sflag:s23] =	ssyncset.done $0x0  }
0x72: {  	s21 =	simm.s32 $0x2780;
	[sflag:s23] =	ssyncadd.s32 $0xFFFFE890  }
0x73: {  	[tilespmem:s24], [sflag:$0x4] =	stream.indirect.gather [hbm4b:s4+s17], $0x30, s21, s17, $0xb8;
	[tilespmem:$0x125C0] =	vst v63  }
0x74: {  	s30 =	simm.s32 $0x4E00  }
0x75: {  	[spmem:s2] =	stream.indirect.scatter.add.f32 [tilespmem:s18], [sflag:$0x8], $0x30, s30, s17, $0xb8;
	[tilespmem:$0x125C0] =	vst v63  }
0x76: {  	_ =	swait.ge [sflag:s25], $0x1770  }
0x77: {  	[sflag:s25] =	ssyncset.done $0x0  }
0x78: {  	[sflag:s25] =	ssyncadd.s32 $0xFFFFE890  }
0x79: {  	_ =	swait.ge [sflag:s26], $0x1770  }
0x7a: {  	[sflag:s26] =	ssyncset.done $0x0  }
0x7b: {  	[sflag:s26] =	ssyncadd.s32 $0xFFFFE890  }
0x7c: {  	[spmem:s2] =	stream.indirect.scatter.add.f32 [tilespmem:s20], [sflag:$0x8], $0x30, s1, s17, $0xb8;
	[tilespmem:$0x125C0] =	vst v63  }
0x7d: {  	_ =	swait.ge [sflag:s25], $0x1770  }
0x7e: {  	[sflag:s25] =	ssyncset.done $0x0  }
0x7f: {  	[sflag:s25] =	ssyncadd.s32 $0xFFFFE890  }
0x80: {  	_ =	swait.ge [sflag:s28], $0x1770  }
0x81: {  	[sflag:s28] =	ssyncset.done $0x0  }
0x82: {  	[sflag:s28] =	ssyncadd.s32 $0xFFFFE890  }
0x83: {  	[spmem:s2] =	stream.indirect.scatter.add.f32 [tilespmem:s22], [sflag:$0x8], $0x30, s0, s17, $0xb8;
	[tilespmem:$0x125C0] =	vst v63  }
0x84: {  	_ =	swait.ge [sflag:s25], $0x1770  }
0x85: {  	[sflag:s25] =	ssyncset.done $0x0  }
0x86: {  	[sflag:s25] =	ssyncadd.s32 $0xFFFFE890  }
0x87: {  	_ =	swait.ge [sflag:s29], $0x1770  }
0x88: {  	[sflag:s29] =	ssyncset.done $0x0  }
0x89: {  	[sflag:s29] =	ssyncadd.s32 $0xFFFFE890  }
0x8a: {  	[spmem:s2] =	stream.indirect.scatter.add.f32 [tilespmem:s24], [sflag:$0x8], $0x30, s13, s17, $0xb8;
	[tilespmem:$0x125C0] =	vst v63  }
0x8b: {  	_ =	swait.ge [sflag:s25], $0x1770  }
0x8c: {  	s19 =	sadd.s32 $0x1, s19;
	[sflag:s25] =	ssyncset.done $0x0  }
0x8d: {  	p0 =	sne.s32 s19, s11;
	[sflag:s25] =	ssyncadd.s32 $0xFFFFE890  }
.Ltmp1:
0x8e: {  	s31 =	sor.u32 $0x1C08, s5;
	[bflag:$0x0] =	sbarrier.arrive $0xFFFF;
	(pc) =	sbr.rel @p0 .LBB2_1-.Ltmp1, $4  }
0x8f: {  	[hbm:s10], [sflag:s31] =	dma.local [spmem:s12], $0xF00  }
0x90: {  	_ =	swait.ge [sflag:s25], $0xF00  }
0x91: {  	[sflag:s25] =	ssyncset.done $0x0  }
0x92: {  	[sflag:s25] =	ssyncadd.s32 $0xFFFFF100  }
0x93: {  	_ =	sfence.sel $0x180000  }
0x94: {  	[bflag:$0x0] =	sbarrier.arrive $0xFFFF  }
0x95: {  	_ =	strace $0x9000004D  }
0x96: {  	s0 =	stileid.u32;
	[bflag:$0x2] =	sbarrier.arrive $0xFFFF  }
0x97: {  	p0 =	sne.s32 s0, $0x0;
	s0 =	rddreg [dreg:$0x2]  }
0x98: {  	s0 =	sadd.s32 @!p0 $0x100000, s0  }
0x99: {  	[sflag:s0] =	ssyncadd.tile.s32 @!p0 $0x1;
	_ =	shalt  }
.Lfunc_end2:
_tile_overlayer_lowered:
.L_overlay_start_2:
0x9a: {  	(tag) =	ssettag $0x2  }
0x9b: {  	s0 =	rddreg [dreg:$0x0];
	s2 =	stileid.u32  }
0x9c: {  	s1 =	rddreg [dreg:$0x1];
	p0 =	sne.s32 s2, $0x0  }
0x9d: {  	s3 =	rddreg [dreg:$0x2];
	[bflag:$0x3] =	sbarrier.arrive $0xFFFF;
	s2 =	simm.s32 @!p0 $0x1C08  }
0x9e: {  	[timem:s3], [sflag:s2] =	dma.local @!p0 [hbm:s0], s1  }
0x9f: {  	s0 =	simm.s32 @!p0 $0x8  }
0xa0: {  	_ =	swait.ge @!p0 [sflag:s0], s1  }
0xa1: {  	s1 =	ssub.s32 @!p0 $0x0, s1;
	[sflag:s0] =	ssyncset.done @!p0 $0x0  }
0xa2: {  	[sflag:s0] =	ssyncadd.s32 @!p0 s1  }
0xa3: {  	[bflag:$0x3] =	sbarrier.arrive $0xFFFF  }
0xa4: {  	_ =	shalt  }

// kernel: kernel.20.cloned.1.call-start
scs
__scs_entry_jumppad:
0x0: {  	(pc) =	sbr.rel $0x88, $3  }
0x1: {  	(tag) =	ssettag $0x0;
	lr =	simm.s32 $0x1  }
0x2: {  	[smem:$0x3F94] =	sst lr;
	_ =	strace $0xD0000000  }
0x3: {  	_ = 	snop  }
0x4: {  	_ = 	snop  }
0x5: {  	_ = 	snop  }
0x6: {  	_ = 	snop  }
0x7: {  	_ = 	snop  }
__scs_overlays_trampoline_lowered:
0x8: {  	[smem:$0x3FA3] =	sst s0  }
0x9: {  	[smem:$0x3FA4] =	sst s1  }
0xa: {  	[smem:$0x3FA5] =	sst s2  }
0xb: {  	[smem:$0x3FA6] =	sst s3  }
0xc: {  	[smem:$0x3FA7] =	sst s4  }
0xd: {  	[smem:$0x3FA8] =	sst s5  }
0xe: {  	[smem:$0x3FA9] =	sst s6  }
0xf: {  	[smem:$0x3FAA] =	sst s7  }
0x10: {  	[smem:$0x3FAB] =	sst s8  }
0x11: {  	[smem:$0x3FAC] =	sst s9;
	s0 =	simm.s32 @!p0 $0x0  }
0x12: {  	s1 =	sld [smem:$0x3F92];
	s0 =	simm.s32 @p0 $0x1  }
0x13: {  	[smem:$0x3FAD] =	sst s0;
	s0 =	simm.s32 @!p1 $0x0  }
0x14: {  	s2 =	sld [smem:$0x3F91];
	s0 =	simm.s32 @p1 $0x1  }
0x15: {  	[smem:$0x3FAE] =	sst s0;
	s0 =	simm.s32 @!p2 $0x0  }
0x16: {  	s3 =	sld [smem:$0x3FDB];
	s0 =	simm.s32 @p2 $0x1  }
0x17: {  	s4 =	simm.s32 $0x1BF5;
	[smem:$0x3FB0] =	sst s0  }
0x18: {  	s0 =	sld [smem:$0x3F93];
	_ =	swait.ge [sflag:s4], $0x0  }
0x19: {  	s7 =	sld [smem:$0x3F94]  }
0x1a: {  	s8 =	sadd.s32 $0xFFFFE003, lr  }
0x1b: {  	s9 =	sadd.s32 $0xFFFFFEF7, lr;
	s5 =	simm.s32 $0xFFFFFFFF;
	p2 =	slt.u32 s8, $0xFFFFF086  }
0x1c: {  	p1 =	slt.u32 s9, $0xF7A;
	s5 =	simm.s32 @!p2 $0x0  }
0x1d: {  	s5 =	simm.s32 @p1 $0x1;
	p0 =	seq.s32 s7, s2  }
0x1e: {  	s7 =	smul.u32 @!p0 $0xF7A, s2;
	p2 =	seq.s32 @!p0 s5, $0x0  }
0x1f: {  	s9 =	smul.u32 $0xF7A, s1;
	s8 =	simm.s32 @!p0 $0x1BF5;
	p2 =	por !p2, p0  }
0x20: {  	[sflag:s8] =	ssyncset.s32 @!p0 $0xFFFFF086;
	s6 =	sadd.s32 @!p0 s3, s7;
	s7 =	simm.s32 @!p0 $0x108  }
0x21: {  	s3 =	sadd.s32 s3, s9;
	s6 =	sadd.s32 @!p0 $0x88, s6;
	s7 =	simm.s32 @p2 $0x1082  }
0x22: {  	[simem:s7], [sflag:s8] =	dma.local @!p0 [hbm:s6], $0xF7A  }
0x23: {  	s9 =	sor.u32 $0xD0000000, s2;
	s6 =	simm.s32 $0x108;
	_ =	swait.ge @!p0 [sflag:s8], $0x0  }
0x24: {  	s3 =	sadd.s32 $0x88, s3;
	s6 =	simm.s32 @!p1 $0x1082;
	[sflag:s4] =	ssyncset.s32 $0xFFFFF086  }
0x25: {  	[simem:s6], [sflag:s4] =	dma.local [hbm:s3], $0xF7A  }
0x26: {  	[smem:$0x3F94] =	sst s1;
	(tag) =	ssettag s2;
	_ =	strace s9  }
0x27: {  	s1 =	sld [smem:$0x3FA4]  }
0x28: {  	s2 =	sld [smem:$0x3FA5]  }
0x29: {  	s4 =	sld [smem:$0x3FA7]  }
0x2a: {  	p0 =	seq.s32 s5, $0x0;
	s5 =	sld [smem:$0x3FA8]  }
0x2b: {  	s6 =	sld [smem:$0x3FA9]  }
0x2c: {  	s7 =	sld [smem:$0x3FAA]  }
0x2d: {  	s3 =	simm.s32 $0x108;
	s8 =	sld [smem:$0x3FAB]  }
0x2e: {  	s3 =	simm.s32 @!p0 $0x1082;
	s9 =	sld [smem:$0x3FAC]  }
0x2f: {  	lr =	sadd.s32 s0, s3;
	s0 =	sld [smem:$0x3FA3]  }
0x30: {  	s3 =	sld [smem:$0x3FA6]  }
0x31: {  	[smem:$0x3FAF] =	sst s10  }
0x32: {  	s10 =	sld [smem:$0x3FAD];
	_ =	sdelay $0x3  }
0x33: {  	p0 =	seq.s32 s10, $0x1;
	s10 =	sld [smem:$0x3FAF];
	_ =	sdelay $0x3  }
0x34: {  	[smem:$0x3FAF] =	sst s10  }
0x35: {  	s10 =	sld [smem:$0x3FAE];
	_ =	sdelay $0x3  }
0x36: {  	p1 =	seq.s32 s10, $0x1;
	s10 =	sld [smem:$0x3FAF];
	_ =	sdelay $0x3  }
0x37: {  	[smem:$0x3FAF] =	sst s10  }
0x38: {  	s10 =	sld [smem:$0x3FB0]  }
0x39: {  	_ = 	snop;
	(pc) =	sbr.ind lr, $3  }
0x3a: {  	_ = 	snop  }
0x3b: {  	_ = 	snop  }
0x3c: {  	p2 =	seq.s32 s10, $0x1;
	s10 =	sld [smem:$0x3FAF]  }
0x3d: {  	_ =	shalt  }
0x3e: {  	_ =	shalt  }
0x3f: {  	_ =	shalt  }
0x40: {  	_ =	shalt  }
0x41: {  	_ =	shalt  }
0x42: {  	_ =	shalt  }
0x43: {  	_ =	shalt  }
0x44: {  	_ =	shalt  }
0x45: {  	_ =	shalt  }
0x46: {  	_ =	shalt  }
0x47: {  	_ =	shalt  }
0x48: {  	_ =	shalt  }
0x49: {  	_ =	shalt  }
0x4a: {  	_ =	shalt  }
0x4b: {  	_ =	shalt  }
0x4c: {  	_ =	shalt  }
0x4d: {  	_ =	shalt  }
0x4e: {  	_ =	shalt  }
0x4f: {  	_ =	shalt  }
0x50: {  	_ =	shalt  }
0x51: {  	_ =	shalt  }
0x52: {  	_ =	shalt  }
0x53: {  	_ =	shalt  }
0x54: {  	_ =	shalt  }
0x55: {  	_ =	shalt  }
0x56: {  	_ =	shalt  }
0x57: {  	_ =	shalt  }
0x58: {  	_ =	shalt  }
0x59: {  	_ =	shalt  }
0x5a: {  	_ =	shalt  }
0x5b: {  	_ =	shalt  }
0x5c: {  	_ =	shalt  }
0x5d: {  	_ =	shalt  }
0x5e: {  	_ =	shalt  }
0x5f: {  	_ =	shalt  }
0x60: {  	_ =	shalt  }
0x61: {  	_ =	shalt  }
0x62: {  	_ =	shalt  }
0x63: {  	_ =	shalt  }
0x64: {  	_ =	shalt  }
0x65: {  	_ =	shalt  }
0x66: {  	_ =	shalt  }
0x67: {  	_ =	shalt  }
0x68: {  	_ =	shalt  }
0x69: {  	_ =	shalt  }
0x6a: {  	_ =	shalt  }
0x6b: {  	_ =	shalt  }
0x6c: {  	_ =	shalt  }
0x6d: {  	_ =	shalt  }
0x6e: {  	_ =	shalt  }
0x6f: {  	_ =	shalt  }
0x70: {  	_ =	shalt  }
0x71: {  	_ =	shalt  }
0x72: {  	_ =	shalt  }
0x73: {  	_ =	shalt  }
0x74: {  	_ =	shalt  }
0x75: {  	_ =	shalt  }
0x76: {  	_ =	shalt  }
0x77: {  	_ =	shalt  }
0x78: {  	_ =	shalt  }
0x79: {  	_ =	shalt  }
0x7a: {  	_ =	shalt  }
0x7b: {  	_ =	shalt  }
0x7c: {  	_ =	shalt  }
0x7d: {  	_ =	shalt  }
0x7e: {  	_ =	shalt  }
0x7f: {  	_ =	shalt  }
0x80: {  	_ =	shalt  }
0x81: {  	_ =	shalt  }
0x82: {  	_ =	shalt  }
0x83: {  	_ =	shalt  }
0x84: {  	_ =	shalt  }
0x85: {  	_ =	shalt  }
0x86: {  	_ =	shalt  }
0x87: {  	_ =	shalt  }
.Lfunc_end0:
.L_simem_size_0:
called_computation.3_lowered:
.L_overlay_start_0:
0x88: {  	s2 =	sld [smem:$0x3FD9]  }
0x89: {  	s3 =	sld [smem:$0x3FFE];
	_ =	sdelay $0x1  }
0x8a: {  	s1 =	srdreg.scid  }
0x8b: {  	s0 =	sand.u32 $0x1, s1  }
0x8c: {  	s16 =	sshll.u32 s0, $0xA;
	s2 =	sadd.s32 s3, s2  }
0x8d: {  	s2 =	sadd.s32 s2, s16  }
0x8e: {  	[smem:$0x3FBB] =	sst s2  }
0x8f: {  	_ = 	snop  }
0x90: {  	(tm) =	ssettm $0x1  }
0x91: {  	s17 =	sld [smem:$0x3FFB];
	_ =	sdelay $0x3  }
0x92: {  	_ =	strace s17  }
0x93: {  	s2 =	sld [smem:$0x3FFC];
	_ =	sdelay $0x3  }
0x94: {  	_ =	strace s2  }
0x95: {  	s2 =	sld [smem:$0x3FFD];
	_ =	sdelay $0x3  }
0x96: {  	_ =	strace s2  }
0x97: {  	_ =	strace $0x8FFFFFFF  }
0x98: {  	s18 =	sld [smem:$0x3FDB];
	_ =	sdelay $0x1  }
0x99: {  	s19 =	simm.s32 $_scs_section_size  }
0x9a: {  	s4 =	simm.s32 $_size__tile_overlayer_lowered;
	s5 =	simm.s32 $_tile_overlayer_lowered  }
0x9b: {  	s22 =	simm.s32 $0x1BFF;
	s21 =	sshll.u32 s5, $0x1;
	s2 =	sadd.s32 s19, s18  }
0x9c: {  	s6 =	simm.s32 $0x0;
	s20 =	sshll.u32 s4, $0x1;
	s4 =	sadd.s32 s21, s2  }
0x9d: {  	[timem:s6], [sflag:s22] =	dma.local [hbm:s4], s20  }
0x9e: {  	_ =	swait.ge [sflag:s22], s20  }
0x9f: {  	s3 =	ssub.s32 $0x0, s20;
	[sflag:s22] =	ssyncset.done $0x0  }
0xa0: {  	[sflag:s22] =	ssyncadd.s32 s3;
	_ =	sdelay $0x1  }
0xa1: {  	s23 =	simm.s32 $0x1B8B  }
0xa2: {  	_ =	swait.ge [sflag:s23], $0x1  }
0xa3: {  	[sflag:s23] =	ssyncset.done $0x0  }
0xa4: {  	s25 =	simm.s32 $0x1B8E;
	s24 =	sld [smem:$0x3FFE];
	[sflag:s23] =	ssyncadd.s32 $0xFFFFFFFF  }
0xa5: {  	s26 =	simm.s32 $execute0_lowered;
	[smem:$0x3FD2] =	sst s25  }
0xa6: {  	s4 =	sshll.u32 s26, $0x1;
	_ =	strace $0x8000004F;
	[dreg:$0x1] =	wrdreg $0xFFFFFFFF  }
0xa7: {  	s28 =	simm.s32 $_size_execute0_lowered;
	s2 =	sadd.s32 s2, s4;
	[dreg:$0x0] =	wrdreg $0x0  }
0xa8: {  	s4 =	sshll.u32 s28, $0x1;
	[dreg:$0x2] =	wrdreg s2  }
0xa9: {  	[dreg:$0x3] =	wrdreg s4  }
0xaa: {  	[dreg:$0x4] =	wrdreg $0xC0  }
0xab: {  	_ =	task [dreg:s6], $0x5FFFF  }
0xac: {  	[dreg:$0x1] =	wrdreg $0xFFFFFFFF  }
0xad: {  	[dreg:$0x0] =	wrdreg $0x60  }
0xae: {  	[dreg:$0x2] =	wrdreg s24  }
0xaf: {  	[dreg:$0x3] =	wrdreg $0xCD000  }
0xb0: {  	[dreg:$0x4] =	wrdreg $0x9  }
0xb1: {  	_ =	task.clear_ibuf [dreg:s6], $0x5FFFF;
	_ =	strace $0x9000004F  }
0xb2: {  	s29 =	simm.s32 $0x9;
	_ =	strace $0x80000051  }
0xb3: {  	_ =	swait.ge [sflag:s29], $0x1  }
0xb4: {  	[sflag:s29] =	ssyncadd.s32 $0xFFFFFFFF  }
0xb5: {  	_ =	strace $0x90000051  }
0xb6: {  	_ =	sfence  }
0xb7: {  	s30 =	sld [smem:$0x0];
	_ =	sdelay $0x2  }
0xb8: {  	s31 =	sshll.u32 s1, $0xD;
	s1 =	sshrl.u32 s1, $0x2  }
0xb9: {  	s3 =	sand.u32 $0x4000, s31;
	s1 =	sadd.s32 s1, s30  }
0xba: {  	s0 =	sor.u32 s3, s0;
	s1 =	sshll.u32 s1, $0x11  }
0xbb: {  	s0 =	sor.u32 s1, s0  }
0xbc: {  	s0 =	sadd.s32 $0x8F2B, s0  }
0xbd: {  	[sflag:s0] =	ssyncadd.remote.s32 $0x1  }
0xbe: {  	_ =	sfence.sel $0xFFFF  }
0xbf: {  	[dreg:$0x0] =	wrdreg $0xFFFFFFFF;
	(pc) =	sbr.abs _section_cstart, $3  }
0xc0: {  	[dreg:$0x1] =	wrdreg $0xFFFFFFFF  }
0xc1: {  	_ =	task.clear_ibuf [dreg:s6], $0x2FFFF;
	_ =	strace $0x9FFFFFFF  }
0xc2: {  	(tm) =	ssettm $0x7FFFFFFF  }
0xc3: {  	_ =	shalt  }
tec
execute0_lowered:
.L_overlay_start_1:
0x0: {  	(tag) =	ssettag $0x1  }
0x1: {  	s0 =	srdreg.scid;
	s5 =	rddreg [dreg:$0x0]  }
0x2: {  	s11 =	stileid.u32;
	s2 =	rddreg [dreg:$0x1]  }
0x3: {  	s3 =	simm.s32 $0x0;
	s14 =	simm.s32 $0x5;
	s15 =	simm.s32 $0x6  }
0x4: {  	s16 =	simm.s32 $0x7;
	s17 =	simm.s32 $0x7D;
	s18 =	simm.s32 $0x5000  }
0x5: {  	s20 =	simm.s32 $0x6F40;
	s22 =	simm.s32 $0x8E80;
	s23 =	simm.s32 $0x1  }
0x6: {  	s24 =	simm.s32 $0xADC0;
	s25 =	simm.s32 $0x8;
	s26 =	simm.s32 $0x2  }
0x7: {  	s28 =	simm.s32 $0x3;
	s29 =	simm.s32 $0x4;
	s13 =	simm.s32 $0x4F80  }
0x8: {  	s19 =	simm.s32 $0x0;
	s0 =	sand.u32 $0x1, s0;
	s6 =	smul.u32 $0xA000, s11  }
0x9: {  	[smem:$0x7FF] =	sst s3;
	s4 =	sadd.s32 $0x76200, s5;
	s1 =	sshll.u32 s0, $0x4  }
0xa: {  	s7 =	smul.u32 $0xA0000, s0;
	_ =	strace $0x80000050;
	s0 =	ssub.s32 $0x2, s0  }
0xb: {  	s1 =	sor.u32 s11, s1;
	s8 =	sshrl.u32 s6, $0x3;
	s9 =	sshrl.u32 s0, $0x1  }
0xc: {  	s12 =	sadd.s32 s6, s2;
	s1 =	smul.u32 $0x500, s1;
	s7 =	sadd.s32 s6, s7  }
0xd: {  	s8 =	sadd.s32 s8, s5;
	s0 =	ssub.s32 s0, s9;
	s12 =	sshrl.u32 s12, $0x3  }
0xe: {  	s7 =	sshrl.u32 s7, $0x3;
	s6 =	sadd.s32 $0x8A200, s8;
	s1 =	sadd.s32 s1, s5  }
0xf: {  	s10 =	sadd.s32 s7, s5;
	s5 =	sshll.u32 s11, $0x6;
	s11 =	smax.u32 s0, $0x1  }
0x10: {  	s0 =	simm.s32 $0x4F00;
	s7 =	sor.u32 $0x1C05, s5;
	s8 =	sadd.s32 $0x1C200, s1  }
0x11: {  	s9 =	sadd.s32 $0x3000, s1;
	s10 =	sadd.s32 $0x9E200, s10;
	s1 =	simm.s32 $0x4E80  }
.LBB2_1:
0x12: {  	[spmem:s12], [sflag:s7] =	dma.local [hbm:s6], $0x1400  }
0x13: {  	[tilespmem:s3], [sflag:$0x6] =	stream.linear.gather [hbm4b:s8+s3], $0x2800, $0x38;
	[tilespmem:$0x16D00] =	vst v63  }
0x14: {  	s21 =	simm.s32 $0x2800  }
0x15: {  	[tilespmem:s21], [sflag:$0x7] =	stream.linear.gather [hbm4b:s9+s3], $0x2800, $0x38;
	[tilespmem:$0x16D00] =	vst v63  }
0x16: {  	_ =	swait.ge [sflag:s14], $0x1400  }
0x17: {  	[sflag:s14] =	ssyncset.done $0x0  }
0x18: {  	[sflag:s14] =	ssyncadd.s32 $0xFFFFEC00  }
0x19: {  	_ =	swait.ge [sflag:s15], $0x2800  }
0x1a: {  	[sflag:s15] =	ssyncset.done $0x0  }
0x1b: {  	[sflag:s15] =	ssyncadd.s32 $0xFFFFD800  }
0x1c: {  	_ =	swait.ge [sflag:s16], $0x2800  }
0x1d: {  	[sflag:s16] =	ssyncset.done $0x0  }
0x1e: {  	[sflag:s16] =	ssyncadd.s32 $0xFFFFD800  }
0x1f: {  	[bflag:$0x0] =	sbarrier.arrive $0xFFFF  }
0x20: {  	[tilespmem:s18], [sflag:$0x1] =	stream.indirect.gather [hbm4b:s4+s17], $0x40, s3, s17, $0xb8;
	[tilespmem:$0x16D00] =	vst v63  }
0x21: {  	s30 =	simm.s32 $0x80  }
0x22: {  	[tilespmem:s20], [sflag:$0x2] =	stream.indirect.gather [hbm4b:s4+s17], $0x40, s30, s17, $0xb8;
	[tilespmem:$0x16D00] =	vst v63  }
0x23: {  	s31 =	simm.s32 $0x100  }
0x24: {  	[tilespmem:s22], [sflag:$0x3] =	stream.indirect.gather [hbm4b:s4+s17], $0x40, s31, s17, $0xb8;
	[tilespmem:$0x16D00] =	vst v63  }
0x25: {  	_ =	swait.ge [sflag:s23], $0x1F40  }
0x26: {  	[sflag:s23] =	ssyncset.done $0x0  }
0x27: {  	s30 =	simm.s32 $0x180;
	[sflag:s23] =	ssyncadd.s32 $0xFFFFE0C0  }
0x28: {  	[tilespmem:s24], [sflag:$0x4] =	stream.indirect.gather [hbm4b:s4+s17], $0x40, s30, s17, $0xb8;
	[tilespmem:$0x16D00] =	vst v63  }
0x29: {  	s31 =	simm.s32 $0x2800  }
0x2a: {  	[spmem:s2] =	stream.indirect.scatter.add.f32 [tilespmem:s18], [sflag:$0x8], $0x40, s31, s17, $0xb8;
	[tilespmem:$0x16D00] =	vst v63  }
0x2b: {  	_ =	swait.ge [sflag:s25], $0x1F40  }
0x2c: {  	[sflag:s25] =	ssyncset.done $0x0  }
0x2d: {  	[sflag:s25] =	ssyncadd.s32 $0xFFFFE0C0  }
0x2e: {  	_ =	swait.ge [sflag:s26], $0x1F40  }
0x2f: {  	[sflag:s26] =	ssyncset.done $0x0  }
0x30: {  	s30 =	simm.s32 $0x200;
	[sflag:s26] =	ssyncadd.s32 $0xFFFFE0C0  }
0x31: {  	[tilespmem:s18], [sflag:$0x1] =	stream.indirect.gather [hbm4b:s4+s17], $0x40, s30, s17, $0xb8;
	[tilespmem:$0x16D00] =	vst v63  }
0x32: {  	s31 =	simm.s32 $0x2880  }
0x33: {  	[spmem:s2] =	stream.indirect.scatter.add.f32 [tilespmem:s20], [sflag:$0x8], $0x40, s31, s17, $0xb8;
	[tilespmem:$0x16D00] =	vst v63  }
0x34: {  	_ =	swait.ge [sflag:s25], $0x1F40  }
0x35: {  	[sflag:s25] =	ssyncset.done $0x0  }
0x36: {  	[sflag:s25] =	ssyncadd.s32 $0xFFFFE0C0  }
0x37: {  	_ =	swait.ge [sflag:s28], $0x1F40  }
0x38: {  	[sflag:s28] =	ssyncset.done $0x0  }
0x39: {  	s30 =	simm.s32 $0x280;
	[sflag:s28] =	ssyncadd.s32 $0xFFFFE0C0  }
0x3a: {  	[tilespmem:s20], [sflag:$0x2] =	stream.indirect.gather [hbm4b:s4+s17], $0x40, s30, s17, $0xb8;
	[tilespmem:$0x16D00] =	vst v63  }
0x3b: {  	s31 =	simm.s32 $0x2900  }
0x3c: {  	[spmem:s2] =	stream.indirect.scatter.add.f32 [tilespmem:s22], [sflag:$0x8], $0x40, s31, s17, $0xb8;
	[tilespmem:$0x16D00] =	vst v63  }
0x3d: {  	_ =	swait.ge [sflag:s25], $0x1F40  }
0x3e: {  	[sflag:s25] =	ssyncset.done $0x0  }
0x3f: {  	[sflag:s25] =	ssyncadd.s32 $0xFFFFE0C0  }
0x40: {  	_ =	swait.ge [sflag:s29], $0x1F40  }
0x41: {  	[sflag:s29] =	ssyncset.done $0x0  }
0x42: {  	s30 =	simm.s32 $0x300;
	[sflag:s29] =	ssyncadd.s32 $0xFFFFE0C0  }
0x43: {  	[tilespmem:s22], [sflag:$0x3] =	stream.indirect.gather [hbm4b:s4+s17], $0x40, s30, s17, $0xb8;
	[tilespmem:$0x16D00] =	vst v63  }
0x44: {  	s31 =	simm.s32 $0x2980  }
0x45: {  	[spmem:s2] =	stream.indirect.scatter.add.f32 [tilespmem:s24], [sflag:$0x8], $0x40, s31, s17, $0xb8;
	[tilespmem:$0x16D00] =	vst v63  }
0x46: {  	_ =	swait.ge [sflag:s25], $0x1F40  }
0x47: {  	s21 =	simm.s32 $0x800;
	[sflag:s25] =	ssyncset.done $0x0  }
.LBB2_2:
0x48: {  	p0 =	sne.s32 s21, $0x9000  }
0x49: {  	[sflag:s25] =	ssyncadd.s32 $0xFFFFE0C0;
	s30 =	smov.u32 s21;
	s21 =	sadd.s32 $0x800, s21  }
0x4a: {  	_ = 	snop  }
0x4b: {  	_ =	swait.ge [sflag:s23], $0x1F40  }
0x4c: {  	s30 =	sshra.s32 s30, $0x2;
	[sflag:s23] =	ssyncset.done $0x0  }
0x4d: {  	s31 =	sadd.s32 $0x180, s30;
	[sflag:s23] =	ssyncadd.s32 $0xFFFFE0C0  }
0x4e: {  	[tilespmem:s24], [sflag:$0x4] =	stream.indirect.gather [hbm4b:s4+s17], $0x40, s31, s17, $0xb8;
	[tilespmem:$0x16D00] =	vst v63  }
0x4f: {  	s31 =	sadd.s32 $0x2800, s30  }
0x50: {  	[spmem:s2] =	stream.indirect.scatter.add.f32 [tilespmem:s18], [sflag:$0x8], $0x40, s31, s17, $0xb8;
	[tilespmem:$0x16D00] =	vst v63  }
0x51: {  	_ =	swait.ge [sflag:s25], $0x1F40  }
0x52: {  	[sflag:s25] =	ssyncset.done $0x0  }
0x53: {  	[sflag:s25] =	ssyncadd.s32 $0xFFFFE0C0  }
0x54: {  	_ =	swait.ge [sflag:s26], $0x1F40  }
0x55: {  	[sflag:s26] =	ssyncset.done $0x0  }
0x56: {  	s31 =	sadd.s32 $0x200, s30;
	[sflag:s26] =	ssyncadd.s32 $0xFFFFE0C0  }
0x57: {  	[tilespmem:s18], [sflag:$0x1] =	stream.indirect.gather [hbm4b:s4+s17], $0x40, s31, s17, $0xb8;
	[tilespmem:$0x16D00] =	vst v63  }
0x58: {  	s31 =	sadd.s32 $0x2880, s30  }
0x59: {  	[spmem:s2] =	stream.indirect.scatter.add.f32 [tilespmem:s20], [sflag:$0x8], $0x40, s31, s17, $0xb8;
	[tilespmem:$0x16D00] =	vst v63  }
0x5a: {  	_ =	swait.ge [sflag:s25], $0x1F40  }
0x5b: {  	[sflag:s25] =	ssyncset.done $0x0  }
0x5c: {  	[sflag:s25] =	ssyncadd.s32 $0xFFFFE0C0  }
0x5d: {  	_ =	swait.ge [sflag:s28], $0x1F40  }
0x5e: {  	[sflag:s28] =	ssyncset.done $0x0  }
0x5f: {  	s31 =	sadd.s32 $0x280, s30;
	[sflag:s28] =	ssyncadd.s32 $0xFFFFE0C0  }
0x60: {  	[tilespmem:s20], [sflag:$0x2] =	stream.indirect.gather [hbm4b:s4+s17], $0x40, s31, s17, $0xb8;
	[tilespmem:$0x16D00] =	vst v63  }
0x61: {  	s31 =	sadd.s32 $0x2900, s30  }
0x62: {  	[spmem:s2] =	stream.indirect.scatter.add.f32 [tilespmem:s22], [sflag:$0x8], $0x40, s31, s17, $0xb8;
	[tilespmem:$0x16D00] =	vst v63  }
0x63: {  	_ =	swait.ge [sflag:s25], $0x1F40  }
0x64: {  	[sflag:s25] =	ssyncset.done $0x0  }
0x65: {  	[sflag:s25] =	ssyncadd.s32 $0xFFFFE0C0  }
0x66: {  	_ =	swait.ge [sflag:s29], $0x1F40  }
0x67: {  	[sflag:s29] =	ssyncset.done $0x0  }
0x68: {  	s31 =	sadd.s32 $0x300, s30;
	[sflag:s29] =	ssyncadd.s32 $0xFFFFE0C0  }
0x69: {  	[tilespmem:s22], [sflag:$0x3] =	stream.indirect.gather [hbm4b:s4+s17], $0x40, s31, s17, $0xb8;
	[tilespmem:$0x16D00] =	vst v63  }
.Ltmp0:
0x6a: {  	_ = 	snop;
	(pc) =	sbr.rel @p0 .LBB2_2-.Ltmp0, $4  }
0x6b: {  	s30 =	sadd.s32 $0x2980, s30  }
0x6c: {  	[spmem:s2] =	stream.indirect.scatter.add.f32 [tilespmem:s24], [sflag:$0x8], $0x40, s30, s17, $0xb8;
	[tilespmem:$0x16D00] =	vst v63  }
0x6d: {  	_ =	swait.ge [sflag:s25], $0x1F40  }
0x6e: {  	[sflag:s25] =	ssyncset.done $0x0  }
0x6f: {  	[sflag:s25] =	ssyncadd.s32 $0xFFFFE0C0  }
0x70: {  	_ =	swait.ge [sflag:s23], $0x1F40  }
0x71: {  	[sflag:s23] =	ssyncset.done $0x0  }
0x72: {  	s21 =	simm.s32 $0x2780;
	[sflag:s23] =	ssyncadd.s32 $0xFFFFE0C0  }
0x73: {  	[tilespmem:s24], [sflag:$0x4] =	stream.indirect.gather [hbm4b:s4+s17], $0x40, s21, s17, $0xb8;
	[tilespmem:$0x16D00] =	vst v63  }
0x74: {  	s30 =	simm.s32 $0x4E00  }
0x75: {  	[spmem:s2] =	stream.indirect.scatter.add.f32 [tilespmem:s18], [sflag:$0x8], $0x40, s30, s17, $0xb8;
	[tilespmem:$0x16D00] =	vst v63  }
0x76: {  	_ =	swait.ge [sflag:s25], $0x1F40  }
0x77: {  	[sflag:s25] =	ssyncset.done $0x0  }
0x78: {  	[sflag:s25] =	ssyncadd.s32 $0xFFFFE0C0  }
0x79: {  	_ =	swait.ge [sflag:s26], $0x1F40  }
0x7a: {  	[sflag:s26] =	ssyncset.done $0x0  }
0x7b: {  	[sflag:s26] =	ssyncadd.s32 $0xFFFFE0C0  }
0x7c: {  	[spmem:s2] =	stream.indirect.scatter.add.f32 [tilespmem:s20], [sflag:$0x8], $0x40, s1, s17, $0xb8;
	[tilespmem:$0x16D00] =	vst v63  }
0x7d: {  	_ =	swait.ge [sflag:s25], $0x1F40  }
0x7e: {  	[sflag:s25] =	ssyncset.done $0x0  }
0x7f: {  	[sflag:s25] =	ssyncadd.s32 $0xFFFFE0C0  }
0x80: {  	_ =	swait.ge [sflag:s28], $0x1F40  }
0x81: {  	[sflag:s28] =	ssyncset.done $0x0  }
0x82: {  	[sflag:s28] =	ssyncadd.s32 $0xFFFFE0C0  }
0x83: {  	[spmem:s2] =	stream.indirect.scatter.add.f32 [tilespmem:s22], [sflag:$0x8], $0x40, s0, s17, $0xb8;
	[tilespmem:$0x16D00] =	vst v63  }
0x84: {  	_ =	swait.ge [sflag:s25], $0x1F40  }
0x85: {  	[sflag:s25] =	ssyncset.done $0x0  }
0x86: {  	[sflag:s25] =	ssyncadd.s32 $0xFFFFE0C0  }
0x87: {  	_ =	swait.ge [sflag:s29], $0x1F40  }
0x88: {  	[sflag:s29] =	ssyncset.done $0x0  }
0x89: {  	[sflag:s29] =	ssyncadd.s32 $0xFFFFE0C0  }
0x8a: {  	[spmem:s2] =	stream.indirect.scatter.add.f32 [tilespmem:s24], [sflag:$0x8], $0x40, s13, s17, $0xb8;
	[tilespmem:$0x16D00] =	vst v63  }
0x8b: {  	_ =	swait.ge [sflag:s25], $0x1F40  }
0x8c: {  	s19 =	sadd.s32 $0x1, s19;
	[sflag:s25] =	ssyncset.done $0x0  }
0x8d: {  	p0 =	sne.s32 s19, s11;
	[sflag:s25] =	ssyncadd.s32 $0xFFFFE0C0  }
.Ltmp1:
0x8e: {  	s31 =	sor.u32 $0x1C08, s5;
	[bflag:$0x0] =	sbarrier.arrive $0xFFFF;
	(pc) =	sbr.rel @p0 .LBB2_1-.Ltmp1, $4  }
0x8f: {  	[hbm:s10], [sflag:s31] =	dma.local [spmem:s12], $0x1400  }
0x90: {  	_ =	swait.ge [sflag:s25], $0x1400  }
0x91: {  	[sflag:s25] =	ssyncset.done $0x0  }
0x92: {  	[sflag:s25] =	ssyncadd.s32 $0xFFFFEC00  }
0x93: {  	_ =	sfence.sel $0x180000  }
0x94: {  	[bflag:$0x0] =	sbarrier.arrive $0xFFFF  }
0x95: {  	_ =	strace $0x90000050  }
0x96: {  	s0 =	stileid.u32;
	[bflag:$0x2] =	sbarrier.arrive $0xFFFF  }
0x97: {  	p0 =	sne.s32 s0, $0x0;
	s0 =	rddreg [dreg:$0x2]  }
0x98: {  	s0 =	sadd.s32 @!p0 $0x100000, s0  }
0x99: {  	[sflag:s0] =	ssyncadd.tile.s32 @!p0 $0x1;
	_ =	shalt  }
.Lfunc_end2:
_tile_overlayer_lowered:
.L_overlay_start_2:
0x9a: {  	(tag) =	ssettag $0x2  }
0x9b: {  	s0 =	rddreg [dreg:$0x0];
	s2 =	stileid.u32  }
0x9c: {  	s1 =	rddreg [dreg:$0x1];
	p0 =	sne.s32 s2, $0x0  }
0x9d: {  	s3 =	rddreg [dreg:$0x2];
	[bflag:$0x3] =	sbarrier.arrive $0xFFFF;
	s2 =	simm.s32 @!p0 $0x1C08  }
0x9e: {  	[timem:s3], [sflag:s2] =	dma.local @!p0 [hbm:s0], s1  }
0x9f: {  	s0 =	simm.s32 @!p0 $0x8  }
0xa0: {  	_ =	swait.ge @!p0 [sflag:s0], s1  }
0xa1: {  	s1 =	ssub.s32 @!p0 $0x0, s1;
	[sflag:s0] =	ssyncset.done @!p0 $0x0  }
0xa2: {  	[sflag:s0] =	ssyncadd.s32 @!p0 s1  }
0xa3: {  	[bflag:$0x3] =	sbarrier.arrive $0xFFFF  }
0xa4: {  	_ =	shalt  }

</sc_bundles>
